<compile_context>
chip_gen: v7x
topology: tpu7x:2x2x1
jax: 0.10.2.dev20260603
libtpu: 0.0.44.dev20260713+nightly
codegen_flags: <defaults>
</compile_context>

<pallas_src>
import functools

import jax
import jax.numpy as jnp
from jax import lax
from jax.experimental import pallas as pl
from jax.experimental.pallas import tpu as pltpu
from jax.experimental.pallas import tpu_sc as plsc

N_NODES = 10000
N_PAD = 10112
D = 128
E = 320000
NC, NS = 2, 16
NW = NC * NS
B = 128
NBATCH = 80
EPW = NBATCH * B
E_PAD = EPW * NW
PACK = 16384
ROWS_PER_TILE = N_PAD // NS

_mesh = plsc.VectorSubcoreMesh(core_axis_name="c", subcore_axis_name="s")


@functools.partial(
    pl.kernel,
    out_type=jax.ShapeDtypeStruct((NW * N_PAD,), jnp.float32),
    mesh=_mesh,
    scratch_types=[
        pltpu.VMEM((NBATCH, B), jnp.int32),
        pltpu.VMEM((N_PAD,), jnp.float32),
    ],
    compiler_params=pltpu.CompilerParams(needs_layout_passes=False),
)
def _sc_degree(pk_hbm, zeros_hbm, out_hbm, pkbuf, hist):
    c = lax.axis_index("c")
    s = lax.axis_index("s")
    wid = c * NS + s
    pltpu.sync_copy(zeros_hbm, hist)
    pltpu.sync_copy(pk_hbm.at[wid], pkbuf)
    ones16 = jnp.full((16,), 1.0, jnp.float32)

    def body(k, carry):
        idx = pkbuf[k // 8, pl.ds((k % 8) * 16, 16)] // PACK
        plsc.addupdate_scatter(hist, [idx], ones16)
        return carry

    lax.fori_loop(0, EPW // 16, body, 0)
    pltpu.sync_copy(hist, out_hbm.at[pl.ds(wid * N_PAD, N_PAD)])


@functools.partial(
    pl.kernel,
    out_type=jax.ShapeDtypeStruct((NC * N_PAD, D), jnp.float32),
    mesh=_mesh,
    scratch_types=[
        pltpu.VMEM((NBATCH, B), jnp.int32),
        pltpu.VMEM((2, B), jnp.int32),
        pltpu.VMEM((2, B), jnp.int32),
        pltpu.VMEM((2, B, D), jnp.float32),
        pltpu.VMEM_SHARED((N_PAD, D), jnp.float32),
        pltpu.SemaphoreType.DMA,
        pltpu.SemaphoreType.DMA,
    ],
    compiler_params=pltpu.CompilerParams(needs_layout_passes=False),
)
def _sc_aggregate(hs_hbm, pk_hbm, zeros_hbm, out_hbm,
                  pkb, srcb, dstb, rows, acc, gsem, ssem):
    c = lax.axis_index("c")
    s = lax.axis_index("s")
    wid = c * NS + s
    pltpu.sync_copy(zeros_hbm, acc.at[pl.ds(s * ROWS_PER_TILE, ROWS_PER_TILE)])
    pltpu.sync_copy(pk_hbm.at[wid], pkb)
    plsc.subcore_barrier()

    def unpack(batch, slot):
        for j in range(B // 16):
            v = pkb[batch, pl.ds(j * 16, 16)]
            srcb[slot, pl.ds(j * 16, 16)] = lax.rem(v, PACK)
            dstb[slot, pl.ds(j * 16, 16)] = v // PACK

    unpack(0, 0)
    pltpu.async_copy(hs_hbm.at[srcb.at[0]], rows.at[0], gsem)

    def body(i, carry):
        p = i % 2

        @pl.when(i >= 1)
        def _():
            pltpu.make_async_copy(rows.at[1 - p], acc.at[dstb.at[1 - p]],
                                  ssem).wait()

        @pl.when(i + 1 < NBATCH)
        def _():
            unpack(i + 1, 1 - p)
            pltpu.async_copy(hs_hbm.at[srcb.at[1 - p]], rows.at[1 - p], gsem)

        pltpu.make_async_copy(hs_hbm.at[srcb.at[p]], rows.at[p], gsem).wait()
        pltpu.async_copy(rows.at[p], acc.at[dstb.at[p]], ssem, add=True)
        return carry

    lax.fori_loop(0, NBATCH, body, 0)
    last = NBATCH - 1
    pltpu.make_async_copy(rows.at[last % 2], acc.at[dstb.at[last % 2]],
                          ssem).wait()
    plsc.subcore_barrier()
    row0 = s * ROWS_PER_TILE
    pltpu.sync_copy(acc.at[pl.ds(row0, ROWS_PER_TILE)],
                    out_hbm.at[pl.ds(c * N_PAD + row0, ROWS_PER_TILE)])




def _dinv(degp):
    deg = jnp.sum(degp, axis=0)[:, None] + 1.0
    return lax.rsqrt(deg)


def _tc_pre_body(x_ref, w_ref, degp_ref, hs_ref):
    dinv = _dinv(degp_ref[...])
    h = jnp.dot(x_ref[...], w_ref[...], preferred_element_type=jnp.float32)
    hs_ref[...] = h * dinv


def _tc_mid_body(p_ref, hs_ref, degp_ref, b_ref, w_ref, out_ref):
    dinv = _dinv(degp_ref[...])
    t = (p_ref[0] + p_ref[1] + hs_ref[...]) * dinv + b_ref[...]
    t = jnp.where(t > 0, t, 0.2 * t)
    out_ref[...] = jnp.dot(t, w_ref[...], preferred_element_type=jnp.float32) * dinv


def _tc_post_body(p_ref, hs_ref, degp_ref, b_ref, out_ref):
    dinv = _dinv(degp_ref[...])
    out_ref[...] = (p_ref[0] + p_ref[1] + hs_ref[...]) * dinv + b_ref[...]


_nd = jax.ShapeDtypeStruct((N_PAD, D), jnp.float32)


def _tc_pre(x, w, degp):
    return pl.pallas_call(_tc_pre_body, out_shape=_nd)(x, w, degp)


def _tc_mid(part, hs, degp, b, w):
    return pl.pallas_call(_tc_mid_body, out_shape=_nd)(part, hs, degp, b, w)


def _tc_post(part, hs, degp, b):
    return pl.pallas_call(_tc_post_body, out_shape=_nd)(part, hs, degp, b)


def kernel(x, edge_index, W_enc, b_enc, W0, b0, W1, b1):
    del W_enc, b_enc
    src = edge_index[0].astype(jnp.int32)
    dst = edge_index[1].astype(jnp.int32)
    pad_e = E_PAD - E
    src = jnp.concatenate([src, jnp.full((pad_e,), N_PAD - 1, jnp.int32)])
    dst = jnp.concatenate(
        [dst, N_NODES + (jnp.arange(pad_e, dtype=jnp.int32) % (N_PAD - N_NODES))])
    packed = (dst * PACK + src).reshape(NW, NBATCH, B)
    x_pad = jnp.zeros((N_PAD, D), jnp.float32).at[:N_NODES].set(x)

    zeros_hist = jnp.zeros((N_PAD,), jnp.float32)
    zeros_rows = jnp.zeros((ROWS_PER_TILE, D), jnp.float32)

    degp = _sc_degree(packed, zeros_hist).reshape(NW, N_PAD)

    hs0 = _tc_pre(x_pad, W0, degp)
    part0 = _sc_aggregate(hs0, packed, zeros_rows).reshape(NC, N_PAD, D)
    hs1 = _tc_mid(part0, hs0, degp, b0.reshape(1, D), W1)
    part1 = _sc_aggregate(hs1, packed, zeros_rows).reshape(NC, N_PAD, D)
    out = _tc_post(part1, hs1, degp, b1.reshape(1, D))

    return (out[:N_NODES], jnp.asarray(0.0, dtype=jnp.float32))

# --- scband reference (transcript-rebuilt; emitter-appended) ---
"""Pipeline reference for scband-gcn-79087527788560 (READ-ONLY COPY).

The authoritative reference and input builder live on the scoring server;
editing this copy changes nothing except your own understanding.
"""

import jax, jax.numpy as jnp
import numpy as np

N_NODES = 10000
N_EDGES = 320000
IN_DIM = 128
HID_DIM = 128
OUT_DIM = 128


def _gcn_conv(x, W, b, src, dst, n):
    # x' = D^{-1/2} (A + I) D^{-1/2} (x W) + b   (torch_geometric GCNConv semantics)
    h = x @ W
    loop = jnp.arange(n, dtype=src.dtype)
    src_sl = jnp.concatenate([src, loop])
    dst_sl = jnp.concatenate([dst, loop])
    deg = jax.ops.segment_sum(jnp.ones(src_sl.shape[0], dtype=h.dtype), dst_sl, num_segments=n)
    dinv = jnp.where(deg > 0, deg ** -0.5, 0.0)
    norm = dinv[src_sl] * dinv[dst_sl]
    msgs = h[src_sl] * norm[:, None]
    out = jax.ops.segment_sum(msgs, dst_sl, num_segments=n)
    return out + b


def setup_inputs(seed: int = 0) -> dict:
    key = jax.random.key(seed)
    k1, k2, k3, k4, k5 = jax.random.split(key, 5)
    x = jax.random.normal(k1, (N_NODES, IN_DIM), dtype=jnp.float32)
    edge_index = jax.random.randint(k2, (2, N_EDGES), 0, N_NODES, dtype=jnp.int64)
    W_enc = jax.random.normal(k3, (IN_DIM, HID_DIM), dtype=jnp.float32) * (1.0 / np.sqrt(IN_DIM))
    b_enc = jnp.zeros((HID_DIM,), dtype=jnp.float32)
    W0 = jax.random.normal(k4, (IN_DIM, HID_DIM), dtype=jnp.float32) * (1.0 / np.sqrt(IN_DIM))
    b0 = jnp.zeros((HID_DIM,), dtype=jnp.float32)
    W1 = jax.random.normal(k5, (HID_DIM, OUT_DIM), dtype=jnp.float32) * (1.0 / np.sqrt(HID_DIM))
    b1 = jnp.zeros((OUT_DIM,), dtype=jnp.float32)
    return {"x": x, "edge_index": edge_index, "W_enc": W_enc, "b_enc": b_enc, "W0": W0, "b0": b0, "W1": W1, "b1": b1}


def reference(x, edge_index, W_enc, b_enc, W0, b0, W1, b1):
    src = edge_index[0]
    dst = edge_index[1]
    n = x.shape[0]
    # encoder (x_0 is only consumed for model_type in {2,3}; model_type=0 here)
    x0 = x @ W_enc + b_enc
    reg = jnp.asarray(0.0, dtype=jnp.float32)
    # layer 0
    h = _gcn_conv(x, W0, b0, src, dst, n)
    h = jnp.where(h > 0, h, 0.2 * h)  # leaky_relu(0.2); dropout is identity in eval
    # final layer
    out = _gcn_conv(h, W1, b1, src, dst, n)
    return (out, reg)

if __name__ == "__main__":
    import jax
    _d = setup_inputs()
    print(jax.jit(kernel)(*tuple(_d.values())))

</pallas_src>

<mosaic_0001>
#map = affine_map<(d0, d1) -> (0, 0, 0)>
#map1 = affine_map<(d0, d1) -> (0)>
module attributes {stable_mosaic.version = 14 : i64} {
  func.func @_sc_degree(%arg0: i32, %arg1: i32, %arg2: memref<32x80x128xi32, #tpu.memory_space<hbm>>, %arg3: memref<10112xf32, #tpu.memory_space<hbm>>, %arg4: memref<323584xf32, #tpu.memory_space<hbm>>, %arg5: memref<80x128xi32, #tpu.memory_space<vmem>>, %arg6: memref<10112xf32, #tpu.memory_space<vmem>>) attributes {dimension_semantics = [#tpu.dimension_semantics<core_parallel>, #tpu.dimension_semantics<subcore_parallel>], iteration_bounds = array<i64: 2, 16>, scalar_prefetch = 0 : i64, scratch_operands = 2 : i64, tpu.core_type = #tpu.core_type<sc_vector_subcore>, window_params = [{transform_indices = #map}, {transform_indices = #map1}, {transform_indices = #map1}]} {
    %mul3A = arith.constant 16 : i32
    %mul3A_0 = arith.muli %arg0, %mul3A : i32
    %add3A = arith.addi %mul3A_0, %arg1 : i32
    "tpu.region"() ({
      %run_scoped3A = tpu.sem_alloc : memref<!tpu.dma_semaphore, #tpu.memory_space<semaphore_mem>>
      tpu.enqueue_dma source(%arg3 : memref<10112xf32, #tpu.memory_space<hbm>>) target(%arg6 : memref<10112xf32, #tpu.memory_space<vmem>>) target_semaphore(%run_scoped3A : memref<!tpu.dma_semaphore, #tpu.memory_space<semaphore_mem>>)
      tpu.wait_dma2 semaphore(%run_scoped3A : memref<!tpu.dma_semaphore, #tpu.memory_space<semaphore_mem>>) src(%arg3 : memref<10112xf32, #tpu.memory_space<hbm>>) dst(%arg6 : memref<10112xf32, #tpu.memory_space<vmem>>)
      tpu.yield
    }) : () -> ()
    "tpu.region"() ({
      %run_scoped3A = tpu.sem_alloc : memref<!tpu.dma_semaphore, #tpu.memory_space<semaphore_mem>>
      %dma_start3A = arith.constant 0 : i32
      %dma_start3A_9 = arith.constant 0 : i32
      %dma_start3A_10 = tpu.memref_slice %arg2[%add3A, %dma_start3A, %dma_start3A_9] : memref<32x80x128xi32, #tpu.memory_space<hbm>> -> memref<1x80x128xi32, #tpu.memory_space<hbm>>
      %dma_start3A_11 = tpu.memref_squeeze %dma_start3A_10 : memref<1x80x128xi32, #tpu.memory_space<hbm>> -> memref<80x128xi32, #tpu.memory_space<hbm>>
      %dma_start3A_12 = arith.constant 0 : i32
      %dma_start3A_13 = arith.constant 0 : i32
      %dma_start3A_14 = tpu.memref_slice %arg2[%add3A, %dma_start3A_12, %dma_start3A_13] : memref<32x80x128xi32, #tpu.memory_space<hbm>> -> memref<1x80x128xi32, #tpu.memory_space<hbm>>
      %dma_start3A_15 = tpu.memref_squeeze %dma_start3A_14 : memref<1x80x128xi32, #tpu.memory_space<hbm>> -> memref<80x128xi32, #tpu.memory_space<hbm>>
      tpu.enqueue_dma source(%dma_start3A_15 : memref<80x128xi32, #tpu.memory_space<hbm>>) target(%arg5 : memref<80x128xi32, #tpu.memory_space<vmem>>) target_semaphore(%run_scoped3A : memref<!tpu.dma_semaphore, #tpu.memory_space<semaphore_mem>>)
      %dma_wait3A = arith.constant 0 : i32
      %dma_wait3A_16 = arith.constant 0 : i32
      %dma_wait3A_17 = tpu.memref_slice %arg2[%add3A, %dma_wait3A, %dma_wait3A_16] : memref<32x80x128xi32, #tpu.memory_space<hbm>> -> memref<1x80x128xi32, #tpu.memory_space<hbm>>
      %dma_wait3A_18 = tpu.memref_squeeze %dma_wait3A_17 : memref<1x80x128xi32, #tpu.memory_space<hbm>> -> memref<80x128xi32, #tpu.memory_space<hbm>>
      %dma_wait3A_19 = arith.constant 0 : i32
      %dma_wait3A_20 = arith.constant 0 : i32
      %dma_wait3A_21 = tpu.memref_slice %arg2[%add3A, %dma_wait3A_19, %dma_wait3A_20] : memref<32x80x128xi32, #tpu.memory_space<hbm>> -> memref<1x80x128xi32, #tpu.memory_space<hbm>>
      %dma_wait3A_22 = tpu.memref_squeeze %dma_wait3A_21 : memref<1x80x128xi32, #tpu.memory_space<hbm>> -> memref<80x128xi32, #tpu.memory_space<hbm>>
      tpu.wait_dma2 semaphore(%run_scoped3A : memref<!tpu.dma_semaphore, #tpu.memory_space<semaphore_mem>>) src(%dma_wait3A_22 : memref<80x128xi32, #tpu.memory_space<hbm>>) dst(%arg5 : memref<80x128xi32, #tpu.memory_space<vmem>>)
      tpu.yield
    }) : () -> ()
    %broadcast_in_dim3A = arith.constant 1.000000e+00 : f32
    %broadcast_in_dim3A_1 = vector.broadcast %broadcast_in_dim3A : f32 to vector<16xf32>
    %scan3A = arith.constant 0 : i32
    %scan3A_2 = arith.constant 0 : i32
    %scan3A_3 = arith.constant 640 : i32
    %scan3A_4 = arith.addi %scan3A_2, %scan3A_3 : i32
    %scan3A_5 = arith.constant 1 : i32
    scf.for %scan3A_9 = %scan3A_2 to %scan3A_4 step %scan3A_5  : i32 {
      %jit3A = arith.constant 8 : i32
      %div3A = arith.divsi %scan3A_9, %jit3A : i32
      %sign3A = arith.constant 0 : i32
      %sign3A_10 = arith.cmpi sgt, %scan3A_9, %sign3A : i32
      %sign3A_11 = arith.extui %sign3A_10 : i1 to i32
      %sign3A_12 = arith.constant 0 : i32
      %sign3A_13 = arith.cmpi slt, %scan3A_9, %sign3A_12 : i32
      %sign3A_14 = arith.extui %sign3A_13 : i1 to i32
      %sign3A_15 = arith.subi %sign3A_11, %sign3A_14 : i32
      %sign3A_16 = arith.constant 0 : i32
      %sign3A_17 = arith.cmpi sgt, %jit3A, %sign3A_16 : i32
      %sign3A_18 = arith.extui %sign3A_17 : i1 to i32
      %sign3A_19 = arith.constant 0 : i32
      %sign3A_20 = arith.cmpi slt, %jit3A, %sign3A_19 : i32
      %sign3A_21 = arith.extui %sign3A_20 : i1 to i32
      %sign3A_22 = arith.subi %sign3A_18, %sign3A_21 : i32
      %ne3A = arith.cmpi ne, %sign3A_15, %sign3A_22 : i32
      %rem3A = arith.remsi %scan3A_9, %jit3A : i32
      %ne3A_23 = arith.constant 0 : i32
      %ne3A_24 = arith.cmpi ne, %rem3A, %ne3A_23 : i32
      %and3A = arith.andi %ne3A, %ne3A_24 : i1
      %sub3A = arith.constant 1 : i32
      %sub3A_25 = arith.subi %div3A, %sub3A : i32
      %select_n3A = arith.select %and3A, %sub3A_25, %div3A : i32
      %jit3A_26 = arith.constant 8 : i32
      %eq3A = arith.constant 0 : i32
      %eq3A_27 = arith.cmpi eq, %jit3A_26, %eq3A : i32
      %jit3A_28 = arith.constant 1 : i32
      %select_n3A_29 = arith.select %eq3A_27, %jit3A_28, %jit3A_26 : i32
      %rem3A_30 = arith.remsi %scan3A_9, %select_n3A_29 : i32
      %ne3A_31 = arith.constant 0 : i32
      %ne3A_32 = arith.cmpi ne, %rem3A_30, %ne3A_31 : i32
      %lt3A = arith.constant 0 : i32
      %lt3A_33 = arith.cmpi slt, %rem3A_30, %lt3A : i32
      %lt3A_34 = arith.constant 0 : i32
      %lt3A_35 = arith.cmpi slt, %select_n3A_29, %lt3A_34 : i32
      %ne3A_36 = arith.xori %lt3A_33, %lt3A_35 : i1
      %and3A_37 = arith.andi %ne3A_36, %ne3A_32 : i1
      %add3A_38 = arith.addi %rem3A_30, %select_n3A_29 : i32
      %select_n3A_39 = arith.select %and3A_37, %add3A_38, %rem3A_30 : i32
      %mul3A_40 = arith.constant 16 : i32
      %mul3A_41 = arith.muli %select_n3A_39, %mul3A_40 : i32
      %get3A = arith.index_cast %select_n3A : i32 to index
      %get3A_42 = arith.index_cast %mul3A_41 : i32 to index
      %get3A_43 = tpu.vector_load %arg5[%get3A, %get3A_42] {strides = array<i32>} : memref<80x128xi32, #tpu.memory_space<vmem>>, vector<16xi32>,
      %jit3A_44 = arith.constant 16384 : i32
      %div3A_45 = vector.broadcast %jit3A_44 : i32 to vector<16xi32>
      %div3A_46 = arith.divsi %get3A_43, %div3A_45 : vector<16xi32>
      %sign3A_47 = arith.constant 0 : i32
      %sign3A_48 = vector.broadcast %sign3A_47 : i32 to vector<16xi32>
      %sign3A_49 = arith.cmpi sgt, %get3A_43, %sign3A_48 : vector<16xi32>
      %sign3A_50 = arith.extui %sign3A_49 : vector<16xi1> to vector<16xi32>
      %sign3A_51 = arith.constant 0 : i32
      %sign3A_52 = vector.broadcast %sign3A_51 : i32 to vector<16xi32>
      %sign3A_53 = arith.cmpi slt, %get3A_43, %sign3A_52 : vector<16xi32>
      %sign3A_54 = arith.extui %sign3A_53 : vector<16xi1> to vector<16xi32>
      %sign3A_55 = arith.subi %sign3A_50, %sign3A_54 : vector<16xi32>
      %sign3A_56 = arith.constant 0 : i32
      %sign3A_57 = arith.cmpi sgt, %jit3A_44, %sign3A_56 : i32
      %sign3A_58 = arith.extui %sign3A_57 : i1 to i32
      %sign3A_59 = arith.constant 0 : i32
      %sign3A_60 = arith.cmpi slt, %jit3A_44, %sign3A_59 : i32
      %sign3A_61 = arith.extui %sign3A_60 : i1 to i32
      %sign3A_62 = arith.subi %sign3A_58, %sign3A_61 : i32
      %ne3A_63 = vector.broadcast %sign3A_62 : i32 to vector<16xi32>
      %ne3A_64 = arith.cmpi ne, %sign3A_55, %ne3A_63 : vector<16xi32>
      %rem3A_65 = vector.broadcast %jit3A_44 : i32 to vector<16xi32>
      %rem3A_66 = arith.remsi %get3A_43, %rem3A_65 : vector<16xi32>
      %ne3A_67 = arith.constant 0 : i32
      %ne3A_68 = vector.broadcast %ne3A_67 : i32 to vector<16xi32>
      %ne3A_69 = arith.cmpi ne, %rem3A_66, %ne3A_68 : vector<16xi32>
      %and3A_70 = arith.andi %ne3A_64, %ne3A_69 : vector<16xi1>
      %sub3A_71 = arith.constant 1 : i32
      %sub3A_72 = vector.broadcast %sub3A_71 : i32 to vector<16xi32>
      %sub3A_73 = arith.subi %div3A_46, %sub3A_72 : vector<16xi32>
      %select_n3A_74 = arith.select %and3A_70, %sub3A_73, %div3A_46 : vector<16xi1>, vector<16xi32>
      tpu.vector_store_idx %arg6[%select_n3A_74], %broadcast_in_dim3A_1 {add = true} : memref<10112xf32, #tpu.memory_space<vmem>>[vector<16xi32>], vector<16xf32>,
    }
    %scan3A_6 = arith.constant 640 : i32
    %mul3A_7 = arith.constant 10112 : i32
    %mul3A_8 = arith.muli %add3A, %mul3A_7 : i32
    "tpu.region"() ({
      %run_scoped3A = tpu.sem_alloc : memref<!tpu.dma_semaphore, #tpu.memory_space<semaphore_mem>>
      %dma_start3A = tpu.memref_slice %arg4[%mul3A_8] : memref<323584xf32, #tpu.memory_space<hbm>> -> memref<10112xf32, #tpu.memory_space<hbm>>
      %dma_start3A_9 = tpu.memref_slice %arg4[%mul3A_8] : memref<323584xf32, #tpu.memory_space<hbm>> -> memref<10112xf32, #tpu.memory_space<hbm>>
      tpu.enqueue_dma source(%arg6 : memref<10112xf32, #tpu.memory_space<vmem>>) target(%dma_start3A_9 : memref<10112xf32, #tpu.memory_space<hbm>>) target_semaphore(%run_scoped3A : memref<!tpu.dma_semaphore, #tpu.memory_space<semaphore_mem>>)
      %dma_wait3A = tpu.memref_slice %arg4[%mul3A_8] : memref<323584xf32, #tpu.memory_space<hbm>> -> memref<10112xf32, #tpu.memory_space<hbm>>
      %dma_wait3A_10 = tpu.memref_slice %arg4[%mul3A_8] : memref<323584xf32, #tpu.memory_space<hbm>> -> memref<10112xf32, #tpu.memory_space<hbm>>
      tpu.wait_dma2 semaphore(%run_scoped3A : memref<!tpu.dma_semaphore, #tpu.memory_space<semaphore_mem>>) src(%arg6 : memref<10112xf32, #tpu.memory_space<vmem>>) dst(%dma_wait3A_10 : memref<10112xf32, #tpu.memory_space<hbm>>)
      tpu.yield
    }) : () -> ()
    return
  }
}

#map = affine_map<(d0, d1) -> (0, 0)>
#map1 = affine_map<(d0, d1) -> (0, 0, 0)>
module attributes {stable_mosaic.version = 14 : i64} {
  func.func @_sc_aggregate(%arg0: i32, %arg1: i32, %arg2: memref<10112x128xf32, #tpu.memory_space<hbm>>, %arg3: memref<32x80x128xi32, #tpu.memory_space<hbm>>, %arg4: memref<632x128xf32, #tpu.memory_space<hbm>>, %arg5: memref<20224x128xf32, #tpu.memory_space<hbm>>, %arg6: memref<80x128xi32, #tpu.memory_space<vmem>>, %arg7: memref<2x128xi32, #tpu.memory_space<vmem>>, %arg8: memref<2x128xi32, #tpu.memory_space<vmem>>, %arg9: memref<2x128x128xf32, #tpu.memory_space<vmem>>, %arg10: memref<10112x128xf32, #tpu.memory_space<vmem_shared>>, %arg11: memref<!tpu.dma_semaphore, #tpu.memory_space<semaphore_mem>>, %arg12: memref<!tpu.dma_semaphore, #tpu.memory_space<semaphore_mem>>) attributes {dimension_semantics = [#tpu.dimension_semantics<core_parallel>, #tpu.dimension_semantics<subcore_parallel>], iteration_bounds = array<i64: 2, 16>, scalar_prefetch = 0 : i64, scratch_operands = 7 : i64, tpu.core_type = #tpu.core_type<sc_vector_subcore>, window_params = [{transform_indices = #map}, {transform_indices = #map1}, {transform_indices = #map}, {transform_indices = #map}]} {
    %mul3A = arith.constant 16 : i32
    %mul3A_0 = arith.muli %arg0, %mul3A : i32
    %add3A = arith.addi %mul3A_0, %arg1 : i32
    %mul3A_1 = arith.constant 632 : i32
    %mul3A_2 = arith.muli %arg1, %mul3A_1 : i32
    "tpu.region"() ({
      %run_scoped3A = tpu.sem_alloc : memref<!tpu.dma_semaphore, #tpu.memory_space<semaphore_mem>>
      %dma_start3A_394 = arith.constant 0 : i32
      %dma_start3A_395 = tpu.memref_slice %arg10[%mul3A_2, %dma_start3A_394] : memref<10112x128xf32, #tpu.memory_space<vmem_shared>> -> memref<632x128xf32, #tpu.memory_space<vmem_shared>>
      tpu.enqueue_dma source(%arg4 : memref<632x128xf32, #tpu.memory_space<hbm>>) target(%dma_start3A_395 : memref<632x128xf32, #tpu.memory_space<vmem_shared>>) target_semaphore(%run_scoped3A : memref<!tpu.dma_semaphore, #tpu.memory_space<semaphore_mem>>)
      %dma_wait3A_396 = arith.constant 0 : i32
      %dma_wait3A_397 = tpu.memref_slice %arg10[%mul3A_2, %dma_wait3A_396] : memref<10112x128xf32, #tpu.memory_space<vmem_shared>> -> memref<632x128xf32, #tpu.memory_space<vmem_shared>>
      tpu.wait_dma2 semaphore(%run_scoped3A : memref<!tpu.dma_semaphore, #tpu.memory_space<semaphore_mem>>) src(%arg4 : memref<632x128xf32, #tpu.memory_space<hbm>>) dst(%dma_wait3A_397 : memref<632x128xf32, #tpu.memory_space<vmem_shared>>)
      tpu.yield
    }) : () -> ()
    "tpu.region"() ({
      %run_scoped3A = tpu.sem_alloc : memref<!tpu.dma_semaphore, #tpu.memory_space<semaphore_mem>>
      %dma_start3A_394 = arith.constant 0 : i32
      %dma_start3A_395 = arith.constant 0 : i32
      %dma_start3A_396 = tpu.memref_slice %arg3[%add3A, %dma_start3A_394, %dma_start3A_395] : memref<32x80x128xi32, #tpu.memory_space<hbm>> -> memref<1x80x128xi32, #tpu.memory_space<hbm>>
      %dma_start3A_397 = tpu.memref_squeeze %dma_start3A_396 : memref<1x80x128xi32, #tpu.memory_space<hbm>> -> memref<80x128xi32, #tpu.memory_space<hbm>>
      %dma_start3A_398 = arith.constant 0 : i32
      %dma_start3A_399 = arith.constant 0 : i32
      %dma_start3A_400 = tpu.memref_slice %arg3[%add3A, %dma_start3A_398, %dma_start3A_399] : memref<32x80x128xi32, #tpu.memory_space<hbm>> -> memref<1x80x128xi32, #tpu.memory_space<hbm>>
      %dma_start3A_401 = tpu.memref_squeeze %dma_start3A_400 : memref<1x80x128xi32, #tpu.memory_space<hbm>> -> memref<80x128xi32, #tpu.memory_space<hbm>>
      tpu.enqueue_dma source(%dma_start3A_401 : memref<80x128xi32, #tpu.memory_space<hbm>>) target(%arg6 : memref<80x128xi32, #tpu.memory_space<vmem>>) target_semaphore(%run_scoped3A : memref<!tpu.dma_semaphore, #tpu.memory_space<semaphore_mem>>)
      %dma_wait3A_402 = arith.constant 0 : i32
      %dma_wait3A_403 = arith.constant 0 : i32
      %dma_wait3A_404 = tpu.memref_slice %arg3[%add3A, %dma_wait3A_402, %dma_wait3A_403] : memref<32x80x128xi32, #tpu.memory_space<hbm>> -> memref<1x80x128xi32, #tpu.memory_space<hbm>>
      %dma_wait3A_405 = tpu.memref_squeeze %dma_wait3A_404 : memref<1x80x128xi32, #tpu.memory_space<hbm>> -> memref<80x128xi32, #tpu.memory_space<hbm>>
      %dma_wait3A_406 = arith.constant 0 : i32
      %dma_wait3A_407 = arith.constant 0 : i32
      %dma_wait3A_408 = tpu.memref_slice %arg3[%add3A, %dma_wait3A_406, %dma_wait3A_407] : memref<32x80x128xi32, #tpu.memory_space<hbm>> -> memref<1x80x128xi32, #tpu.memory_space<hbm>>
      %dma_wait3A_409 = tpu.memref_squeeze %dma_wait3A_408 : memref<1x80x128xi32, #tpu.memory_space<hbm>> -> memref<80x128xi32, #tpu.memory_space<hbm>>
      tpu.wait_dma2 semaphore(%run_scoped3A : memref<!tpu.dma_semaphore, #tpu.memory_space<semaphore_mem>>) src(%dma_wait3A_409 : memref<80x128xi32, #tpu.memory_space<hbm>>) dst(%arg6 : memref<80x128xi32, #tpu.memory_space<vmem>>)
      tpu.yield
    }) : () -> ()
    %barrier3A = arith.constant 0 : index
    tpu.barrier barrier_id(%barrier3A)
    %get3A = arith.constant 0 : i32
    %get3A_3 = arith.index_cast %get3A : i32 to index
    %get3A_4 = arith.constant 0 : index
    %get3A_5 = tpu.vector_load %arg6[%get3A_3, %get3A_4] {strides = array<i32>} : memref<80x128xi32, #tpu.memory_space<vmem>>, vector<16xi32>,
    %rem3A = arith.constant 16384 : i32
    %rem3A_6 = vector.broadcast %rem3A : i32 to vector<16xi32>
    %rem3A_7 = arith.remsi %get3A_5, %rem3A_6 : vector<16xi32>
    %swap3A = arith.constant 0 : i32
    %swap3A_8 = arith.index_cast %swap3A : i32 to index
    %swap3A_9 = arith.constant 0 : index
    %swap3A_10 = tpu.vector_load %arg7[%swap3A_8, %swap3A_9] {strides = array<i32>} : memref<2x128xi32, #tpu.memory_space<vmem>>, vector<16xi32>,
    tpu.vector_store %arg7[%swap3A_8, %swap3A_9], %rem3A_7 {strides = array<i32>} : memref<2x128xi32, #tpu.memory_space<vmem>>, vector<16xi32>,
    %jit3A = arith.constant 16384 : i32
    %div3A = vector.broadcast %jit3A : i32 to vector<16xi32>
    %div3A_11 = arith.divsi %get3A_5, %div3A : vector<16xi32>
    %sign3A = arith.constant 0 : i32
    %sign3A_12 = vector.broadcast %sign3A : i32 to vector<16xi32>
    %sign3A_13 = arith.cmpi sgt, %get3A_5, %sign3A_12 : vector<16xi32>
    %sign3A_14 = arith.extui %sign3A_13 : vector<16xi1> to vector<16xi32>
    %sign3A_15 = arith.constant 0 : i32
    %sign3A_16 = vector.broadcast %sign3A_15 : i32 to vector<16xi32>
    %sign3A_17 = arith.cmpi slt, %get3A_5, %sign3A_16 : vector<16xi32>
    %sign3A_18 = arith.extui %sign3A_17 : vector<16xi1> to vector<16xi32>
    %sign3A_19 = arith.subi %sign3A_14, %sign3A_18 : vector<16xi32>
    %sign3A_20 = arith.constant 0 : i32
    %sign3A_21 = arith.cmpi sgt, %jit3A, %sign3A_20 : i32
    %sign3A_22 = arith.extui %sign3A_21 : i1 to i32
    %sign3A_23 = arith.constant 0 : i32
    %sign3A_24 = arith.cmpi slt, %jit3A, %sign3A_23 : i32
    %sign3A_25 = arith.extui %sign3A_24 : i1 to i32
    %sign3A_26 = arith.subi %sign3A_22, %sign3A_25 : i32
    %ne3A = vector.broadcast %sign3A_26 : i32 to vector<16xi32>
    %ne3A_27 = arith.cmpi ne, %sign3A_19, %ne3A : vector<16xi32>
    %rem3A_28 = vector.broadcast %jit3A : i32 to vector<16xi32>
    %rem3A_29 = arith.remsi %get3A_5, %rem3A_28 : vector<16xi32>
    %ne3A_30 = arith.constant 0 : i32
    %ne3A_31 = vector.broadcast %ne3A_30 : i32 to vector<16xi32>
    %ne3A_32 = arith.cmpi ne, %rem3A_29, %ne3A_31 : vector<16xi32>
    %and3A = arith.andi %ne3A_27, %ne3A_32 : vector<16xi1>
    %sub3A = arith.constant 1 : i32
    %sub3A_33 = vector.broadcast %sub3A : i32 to vector<16xi32>
    %sub3A_34 = arith.subi %div3A_11, %sub3A_33 : vector<16xi32>
    %select_n3A = arith.select %and3A, %sub3A_34, %div3A_11 : vector<16xi1>, vector<16xi32>
    %swap3A_35 = arith.constant 0 : i32
    %swap3A_36 = arith.index_cast %swap3A_35 : i32 to index
    %swap3A_37 = arith.constant 0 : index
    %swap3A_38 = tpu.vector_load %arg8[%swap3A_36, %swap3A_37] {strides = array<i32>} : memref<2x128xi32, #tpu.memory_space<vmem>>, vector<16xi32>,
    tpu.vector_store %arg8[%swap3A_36, %swap3A_37], %select_n3A {strides = array<i32>} : memref<2x128xi32, #tpu.memory_space<vmem>>, vector<16xi32>,
    %get3A_39 = arith.constant 0 : i32
    %get3A_40 = arith.index_cast %get3A_39 : i32 to index
    %get3A_41 = arith.constant 16 : index
    %get3A_42 = tpu.vector_load %arg6[%get3A_40, %get3A_41] {strides = array<i32>} : memref<80x128xi32, #tpu.memory_space<vmem>>, vector<16xi32>,
    %rem3A_43 = arith.constant 16384 : i32
    %rem3A_44 = vector.broadcast %rem3A_43 : i32 to vector<16xi32>
    %rem3A_45 = arith.remsi %get3A_42, %rem3A_44 : vector<16xi32>
    %swap3A_46 = arith.constant 0 : i32
    %swap3A_47 = arith.index_cast %swap3A_46 : i32 to index
    %swap3A_48 = arith.constant 16 : index
    %swap3A_49 = tpu.vector_load %arg7[%swap3A_47, %swap3A_48] {strides = array<i32>} : memref<2x128xi32, #tpu.memory_space<vmem>>, vector<16xi32>,
    tpu.vector_store %arg7[%swap3A_47, %swap3A_48], %rem3A_45 {strides = array<i32>} : memref<2x128xi32, #tpu.memory_space<vmem>>, vector<16xi32>,
    %jit3A_50 = arith.constant 16384 : i32
    %div3A_51 = vector.broadcast %jit3A_50 : i32 to vector<16xi32>
    %div3A_52 = arith.divsi %get3A_42, %div3A_51 : vector<16xi32>
    %sign3A_53 = arith.constant 0 : i32
    %sign3A_54 = vector.broadcast %sign3A_53 : i32 to vector<16xi32>
    %sign3A_55 = arith.cmpi sgt, %get3A_42, %sign3A_54 : vector<16xi32>
    %sign3A_56 = arith.extui %sign3A_55 : vector<16xi1> to vector<16xi32>
    %sign3A_57 = arith.constant 0 : i32
    %sign3A_58 = vector.broadcast %sign3A_57 : i32 to vector<16xi32>
    %sign3A_59 = arith.cmpi slt, %get3A_42, %sign3A_58 : vector<16xi32>
    %sign3A_60 = arith.extui %sign3A_59 : vector<16xi1> to vector<16xi32>
    %sign3A_61 = arith.subi %sign3A_56, %sign3A_60 : vector<16xi32>
    %sign3A_62 = arith.constant 0 : i32
    %sign3A_63 = arith.cmpi sgt, %jit3A_50, %sign3A_62 : i32
    %sign3A_64 = arith.extui %sign3A_63 : i1 to i32
    %sign3A_65 = arith.constant 0 : i32
    %sign3A_66 = arith.cmpi slt, %jit3A_50, %sign3A_65 : i32
    %sign3A_67 = arith.extui %sign3A_66 : i1 to i32
    %sign3A_68 = arith.subi %sign3A_64, %sign3A_67 : i32
    %ne3A_69 = vector.broadcast %sign3A_68 : i32 to vector<16xi32>
    %ne3A_70 = arith.cmpi ne, %sign3A_61, %ne3A_69 : vector<16xi32>
    %rem3A_71 = vector.broadcast %jit3A_50 : i32 to vector<16xi32>
    %rem3A_72 = arith.remsi %get3A_42, %rem3A_71 : vector<16xi32>
    %ne3A_73 = arith.constant 0 : i32
    %ne3A_74 = vector.broadcast %ne3A_73 : i32 to vector<16xi32>
    %ne3A_75 = arith.cmpi ne, %rem3A_72, %ne3A_74 : vector<16xi32>
    %and3A_76 = arith.andi %ne3A_70, %ne3A_75 : vector<16xi1>
    %sub3A_77 = arith.constant 1 : i32
    %sub3A_78 = vector.broadcast %sub3A_77 : i32 to vector<16xi32>
    %sub3A_79 = arith.subi %div3A_52, %sub3A_78 : vector<16xi32>
    %select_n3A_80 = arith.select %and3A_76, %sub3A_79, %div3A_52 : vector<16xi1>, vector<16xi32>
    %swap3A_81 = arith.constant 0 : i32
    %swap3A_82 = arith.index_cast %swap3A_81 : i32 to index
    %swap3A_83 = arith.constant 16 : index
    %swap3A_84 = tpu.vector_load %arg8[%swap3A_82, %swap3A_83] {strides = array<i32>} : memref<2x128xi32, #tpu.memory_space<vmem>>, vector<16xi32>,
    tpu.vector_store %arg8[%swap3A_82, %swap3A_83], %select_n3A_80 {strides = array<i32>} : memref<2x128xi32, #tpu.memory_space<vmem>>, vector<16xi32>,
    %get3A_85 = arith.constant 0 : i32
    %get3A_86 = arith.index_cast %get3A_85 : i32 to index
    %get3A_87 = arith.constant 32 : index
    %get3A_88 = tpu.vector_load %arg6[%get3A_86, %get3A_87] {strides = array<i32>} : memref<80x128xi32, #tpu.memory_space<vmem>>, vector<16xi32>,
    %rem3A_89 = arith.constant 16384 : i32
    %rem3A_90 = vector.broadcast %rem3A_89 : i32 to vector<16xi32>
    %rem3A_91 = arith.remsi %get3A_88, %rem3A_90 : vector<16xi32>
    %swap3A_92 = arith.constant 0 : i32
    %swap3A_93 = arith.index_cast %swap3A_92 : i32 to index
    %swap3A_94 = arith.constant 32 : index
    %swap3A_95 = tpu.vector_load %arg7[%swap3A_93, %swap3A_94] {strides = array<i32>} : memref<2x128xi32, #tpu.memory_space<vmem>>, vector<16xi32>,
    tpu.vector_store %arg7[%swap3A_93, %swap3A_94], %rem3A_91 {strides = array<i32>} : memref<2x128xi32, #tpu.memory_space<vmem>>, vector<16xi32>,
    %jit3A_96 = arith.constant 16384 : i32
    %div3A_97 = vector.broadcast %jit3A_96 : i32 to vector<16xi32>
    %div3A_98 = arith.divsi %get3A_88, %div3A_97 : vector<16xi32>
    %sign3A_99 = arith.constant 0 : i32
    %sign3A_100 = vector.broadcast %sign3A_99 : i32 to vector<16xi32>
    %sign3A_101 = arith.cmpi sgt, %get3A_88, %sign3A_100 : vector<16xi32>
    %sign3A_102 = arith.extui %sign3A_101 : vector<16xi1> to vector<16xi32>
    %sign3A_103 = arith.constant 0 : i32
    %sign3A_104 = vector.broadcast %sign3A_103 : i32 to vector<16xi32>
    %sign3A_105 = arith.cmpi slt, %get3A_88, %sign3A_104 : vector<16xi32>
    %sign3A_106 = arith.extui %sign3A_105 : vector<16xi1> to vector<16xi32>
    %sign3A_107 = arith.subi %sign3A_102, %sign3A_106 : vector<16xi32>
    %sign3A_108 = arith.constant 0 : i32
    %sign3A_109 = arith.cmpi sgt, %jit3A_96, %sign3A_108 : i32
    %sign3A_110 = arith.extui %sign3A_109 : i1 to i32
    %sign3A_111 = arith.constant 0 : i32
    %sign3A_112 = arith.cmpi slt, %jit3A_96, %sign3A_111 : i32
    %sign3A_113 = arith.extui %sign3A_112 : i1 to i32
    %sign3A_114 = arith.subi %sign3A_110, %sign3A_113 : i32
    %ne3A_115 = vector.broadcast %sign3A_114 : i32 to vector<16xi32>
    %ne3A_116 = arith.cmpi ne, %sign3A_107, %ne3A_115 : vector<16xi32>
    %rem3A_117 = vector.broadcast %jit3A_96 : i32 to vector<16xi32>
    %rem3A_118 = arith.remsi %get3A_88, %rem3A_117 : vector<16xi32>
    %ne3A_119 = arith.constant 0 : i32
    %ne3A_120 = vector.broadcast %ne3A_119 : i32 to vector<16xi32>
    %ne3A_121 = arith.cmpi ne, %rem3A_118, %ne3A_120 : vector<16xi32>
    %and3A_122 = arith.andi %ne3A_116, %ne3A_121 : vector<16xi1>
    %sub3A_123 = arith.constant 1 : i32
    %sub3A_124 = vector.broadcast %sub3A_123 : i32 to vector<16xi32>
    %sub3A_125 = arith.subi %div3A_98, %sub3A_124 : vector<16xi32>
    %select_n3A_126 = arith.select %and3A_122, %sub3A_125, %div3A_98 : vector<16xi1>, vector<16xi32>
    %swap3A_127 = arith.constant 0 : i32
    %swap3A_128 = arith.index_cast %swap3A_127 : i32 to index
    %swap3A_129 = arith.constant 32 : index
    %swap3A_130 = tpu.vector_load %arg8[%swap3A_128, %swap3A_129] {strides = array<i32>} : memref<2x128xi32, #tpu.memory_space<vmem>>, vector<16xi32>,
    tpu.vector_store %arg8[%swap3A_128, %swap3A_129], %select_n3A_126 {strides = array<i32>} : memref<2x128xi32, #tpu.memory_space<vmem>>, vector<16xi32>,
    %get3A_131 = arith.constant 0 : i32
    %get3A_132 = arith.index_cast %get3A_131 : i32 to index
    %get3A_133 = arith.constant 48 : index
    %get3A_134 = tpu.vector_load %arg6[%get3A_132, %get3A_133] {strides = array<i32>} : memref<80x128xi32, #tpu.memory_space<vmem>>, vector<16xi32>,
    %rem3A_135 = arith.constant 16384 : i32
    %rem3A_136 = vector.broadcast %rem3A_135 : i32 to vector<16xi32>
    %rem3A_137 = arith.remsi %get3A_134, %rem3A_136 : vector<16xi32>
    %swap3A_138 = arith.constant 0 : i32
    %swap3A_139 = arith.index_cast %swap3A_138 : i32 to index
    %swap3A_140 = arith.constant 48 : index
    %swap3A_141 = tpu.vector_load %arg7[%swap3A_139, %swap3A_140] {strides = array<i32>} : memref<2x128xi32, #tpu.memory_space<vmem>>, vector<16xi32>,
    tpu.vector_store %arg7[%swap3A_139, %swap3A_140], %rem3A_137 {strides = array<i32>} : memref<2x128xi32, #tpu.memory_space<vmem>>, vector<16xi32>,
    %jit3A_142 = arith.constant 16384 : i32
    %div3A_143 = vector.broadcast %jit3A_142 : i32 to vector<16xi32>
    %div3A_144 = arith.divsi %get3A_134, %div3A_143 : vector<16xi32>
    %sign3A_145 = arith.constant 0 : i32
    %sign3A_146 = vector.broadcast %sign3A_145 : i32 to vector<16xi32>
    %sign3A_147 = arith.cmpi sgt, %get3A_134, %sign3A_146 : vector<16xi32>
    %sign3A_148 = arith.extui %sign3A_147 : vector<16xi1> to vector<16xi32>
    %sign3A_149 = arith.constant 0 : i32
    %sign3A_150 = vector.broadcast %sign3A_149 : i32 to vector<16xi32>
    %sign3A_151 = arith.cmpi slt, %get3A_134, %sign3A_150 : vector<16xi32>
    %sign3A_152 = arith.extui %sign3A_151 : vector<16xi1> to vector<16xi32>
    %sign3A_153 = arith.subi %sign3A_148, %sign3A_152 : vector<16xi32>
    %sign3A_154 = arith.constant 0 : i32
    %sign3A_155 = arith.cmpi sgt, %jit3A_142, %sign3A_154 : i32
    %sign3A_156 = arith.extui %sign3A_155 : i1 to i32
    %sign3A_157 = arith.constant 0 : i32
    %sign3A_158 = arith.cmpi slt, %jit3A_142, %sign3A_157 : i32
    %sign3A_159 = arith.extui %sign3A_158 : i1 to i32
    %sign3A_160 = arith.subi %sign3A_156, %sign3A_159 : i32
    %ne3A_161 = vector.broadcast %sign3A_160 : i32 to vector<16xi32>
    %ne3A_162 = arith.cmpi ne, %sign3A_153, %ne3A_161 : vector<16xi32>
    %rem3A_163 = vector.broadcast %jit3A_142 : i32 to vector<16xi32>
    %rem3A_164 = arith.remsi %get3A_134, %rem3A_163 : vector<16xi32>
    %ne3A_165 = arith.constant 0 : i32
    %ne3A_166 = vector.broadcast %ne3A_165 : i32 to vector<16xi32>
    %ne3A_167 = arith.cmpi ne, %rem3A_164, %ne3A_166 : vector<16xi32>
    %and3A_168 = arith.andi %ne3A_162, %ne3A_167 : vector<16xi1>
    %sub3A_169 = arith.constant 1 : i32
    %sub3A_170 = vector.broadcast %sub3A_169 : i32 to vector<16xi32>
    %sub3A_171 = arith.subi %div3A_144, %sub3A_170 : vector<16xi32>
    %select_n3A_172 = arith.select %and3A_168, %sub3A_171, %div3A_144 : vector<16xi1>, vector<16xi32>
    %swap3A_173 = arith.constant 0 : i32
    %swap3A_174 = arith.index_cast %swap3A_173 : i32 to index
    %swap3A_175 = arith.constant 48 : index
    %swap3A_176 = tpu.vector_load %arg8[%swap3A_174, %swap3A_175] {strides = array<i32>} : memref<2x128xi32, #tpu.memory_space<vmem>>, vector<16xi32>,
    tpu.vector_store %arg8[%swap3A_174, %swap3A_175], %select_n3A_172 {strides = array<i32>} : memref<2x128xi32, #tpu.memory_space<vmem>>, vector<16xi32>,
    %get3A_177 = arith.constant 0 : i32
    %get3A_178 = arith.index_cast %get3A_177 : i32 to index
    %get3A_179 = arith.constant 64 : index
    %get3A_180 = tpu.vector_load %arg6[%get3A_178, %get3A_179] {strides = array<i32>} : memref<80x128xi32, #tpu.memory_space<vmem>>, vector<16xi32>,
    %rem3A_181 = arith.constant 16384 : i32
    %rem3A_182 = vector.broadcast %rem3A_181 : i32 to vector<16xi32>
    %rem3A_183 = arith.remsi %get3A_180, %rem3A_182 : vector<16xi32>
    %swap3A_184 = arith.constant 0 : i32
    %swap3A_185 = arith.index_cast %swap3A_184 : i32 to index
    %swap3A_186 = arith.constant 64 : index
    %swap3A_187 = tpu.vector_load %arg7[%swap3A_185, %swap3A_186] {strides = array<i32>} : memref<2x128xi32, #tpu.memory_space<vmem>>, vector<16xi32>,
    tpu.vector_store %arg7[%swap3A_185, %swap3A_186], %rem3A_183 {strides = array<i32>} : memref<2x128xi32, #tpu.memory_space<vmem>>, vector<16xi32>,
    %jit3A_188 = arith.constant 16384 : i32
    %div3A_189 = vector.broadcast %jit3A_188 : i32 to vector<16xi32>
    %div3A_190 = arith.divsi %get3A_180, %div3A_189 : vector<16xi32>
    %sign3A_191 = arith.constant 0 : i32
    %sign3A_192 = vector.broadcast %sign3A_191 : i32 to vector<16xi32>
    %sign3A_193 = arith.cmpi sgt, %get3A_180, %sign3A_192 : vector<16xi32>
    %sign3A_194 = arith.extui %sign3A_193 : vector<16xi1> to vector<16xi32>
    %sign3A_195 = arith.constant 0 : i32
    %sign3A_196 = vector.broadcast %sign3A_195 : i32 to vector<16xi32>
    %sign3A_197 = arith.cmpi slt, %get3A_180, %sign3A_196 : vector<16xi32>
    %sign3A_198 = arith.extui %sign3A_197 : vector<16xi1> to vector<16xi32>
    %sign3A_199 = arith.subi %sign3A_194, %sign3A_198 : vector<16xi32>
    %sign3A_200 = arith.constant 0 : i32
    %sign3A_201 = arith.cmpi sgt, %jit3A_188, %sign3A_200 : i32
    %sign3A_202 = arith.extui %sign3A_201 : i1 to i32
    %sign3A_203 = arith.constant 0 : i32
    %sign3A_204 = arith.cmpi slt, %jit3A_188, %sign3A_203 : i32
    %sign3A_205 = arith.extui %sign3A_204 : i1 to i32
    %sign3A_206 = arith.subi %sign3A_202, %sign3A_205 : i32
    %ne3A_207 = vector.broadcast %sign3A_206 : i32 to vector<16xi32>
    %ne3A_208 = arith.cmpi ne, %sign3A_199, %ne3A_207 : vector<16xi32>
    %rem3A_209 = vector.broadcast %jit3A_188 : i32 to vector<16xi32>
    %rem3A_210 = arith.remsi %get3A_180, %rem3A_209 : vector<16xi32>
    %ne3A_211 = arith.constant 0 : i32
    %ne3A_212 = vector.broadcast %ne3A_211 : i32 to vector<16xi32>
    %ne3A_213 = arith.cmpi ne, %rem3A_210, %ne3A_212 : vector<16xi32>
    %and3A_214 = arith.andi %ne3A_208, %ne3A_213 : vector<16xi1>
    %sub3A_215 = arith.constant 1 : i32
    %sub3A_216 = vector.broadcast %sub3A_215 : i32 to vector<16xi32>
    %sub3A_217 = arith.subi %div3A_190, %sub3A_216 : vector<16xi32>
    %select_n3A_218 = arith.select %and3A_214, %sub3A_217, %div3A_190 : vector<16xi1>, vector<16xi32>
    %swap3A_219 = arith.constant 0 : i32
    %swap3A_220 = arith.index_cast %swap3A_219 : i32 to index
    %swap3A_221 = arith.constant 64 : index
    %swap3A_222 = tpu.vector_load %arg8[%swap3A_220, %swap3A_221] {strides = array<i32>} : memref<2x128xi32, #tpu.memory_space<vmem>>, vector<16xi32>,
    tpu.vector_store %arg8[%swap3A_220, %swap3A_221], %select_n3A_218 {strides = array<i32>} : memref<2x128xi32, #tpu.memory_space<vmem>>, vector<16xi32>,
    %get3A_223 = arith.constant 0 : i32
    %get3A_224 = arith.index_cast %get3A_223 : i32 to index
    %get3A_225 = arith.constant 80 : index
    %get3A_226 = tpu.vector_load %arg6[%get3A_224, %get3A_225] {strides = array<i32>} : memref<80x128xi32, #tpu.memory_space<vmem>>, vector<16xi32>,
    %rem3A_227 = arith.constant 16384 : i32
    %rem3A_228 = vector.broadcast %rem3A_227 : i32 to vector<16xi32>
    %rem3A_229 = arith.remsi %get3A_226, %rem3A_228 : vector<16xi32>
    %swap3A_230 = arith.constant 0 : i32
    %swap3A_231 = arith.index_cast %swap3A_230 : i32 to index
    %swap3A_232 = arith.constant 80 : index
    %swap3A_233 = tpu.vector_load %arg7[%swap3A_231, %swap3A_232] {strides = array<i32>} : memref<2x128xi32, #tpu.memory_space<vmem>>, vector<16xi32>,
    tpu.vector_store %arg7[%swap3A_231, %swap3A_232], %rem3A_229 {strides = array<i32>} : memref<2x128xi32, #tpu.memory_space<vmem>>, vector<16xi32>,
    %jit3A_234 = arith.constant 16384 : i32
    %div3A_235 = vector.broadcast %jit3A_234 : i32 to vector<16xi32>
    %div3A_236 = arith.divsi %get3A_226, %div3A_235 : vector<16xi32>
    %sign3A_237 = arith.constant 0 : i32
    %sign3A_238 = vector.broadcast %sign3A_237 : i32 to vector<16xi32>
    %sign3A_239 = arith.cmpi sgt, %get3A_226, %sign3A_238 : vector<16xi32>
    %sign3A_240 = arith.extui %sign3A_239 : vector<16xi1> to vector<16xi32>
    %sign3A_241 = arith.constant 0 : i32
    %sign3A_242 = vector.broadcast %sign3A_241 : i32 to vector<16xi32>
    %sign3A_243 = arith.cmpi slt, %get3A_226, %sign3A_242 : vector<16xi32>
    %sign3A_244 = arith.extui %sign3A_243 : vector<16xi1> to vector<16xi32>
    %sign3A_245 = arith.subi %sign3A_240, %sign3A_244 : vector<16xi32>
    %sign3A_246 = arith.constant 0 : i32
    %sign3A_247 = arith.cmpi sgt, %jit3A_234, %sign3A_246 : i32
    %sign3A_248 = arith.extui %sign3A_247 : i1 to i32
    %sign3A_249 = arith.constant 0 : i32
    %sign3A_250 = arith.cmpi slt, %jit3A_234, %sign3A_249 : i32
    %sign3A_251 = arith.extui %sign3A_250 : i1 to i32
    %sign3A_252 = arith.subi %sign3A_248, %sign3A_251 : i32
    %ne3A_253 = vector.broadcast %sign3A_252 : i32 to vector<16xi32>
    %ne3A_254 = arith.cmpi ne, %sign3A_245, %ne3A_253 : vector<16xi32>
    %rem3A_255 = vector.broadcast %jit3A_234 : i32 to vector<16xi32>
    %rem3A_256 = arith.remsi %get3A_226, %rem3A_255 : vector<16xi32>
    %ne3A_257 = arith.constant 0 : i32
    %ne3A_258 = vector.broadcast %ne3A_257 : i32 to vector<16xi32>
    %ne3A_259 = arith.cmpi ne, %rem3A_256, %ne3A_258 : vector<16xi32>
    %and3A_260 = arith.andi %ne3A_254, %ne3A_259 : vector<16xi1>
    %sub3A_261 = arith.constant 1 : i32
    %sub3A_262 = vector.broadcast %sub3A_261 : i32 to vector<16xi32>
    %sub3A_263 = arith.subi %div3A_236, %sub3A_262 : vector<16xi32>
    %select_n3A_264 = arith.select %and3A_260, %sub3A_263, %div3A_236 : vector<16xi1>, vector<16xi32>
    %swap3A_265 = arith.constant 0 : i32
    %swap3A_266 = arith.index_cast %swap3A_265 : i32 to index
    %swap3A_267 = arith.constant 80 : index
    %swap3A_268 = tpu.vector_load %arg8[%swap3A_266, %swap3A_267] {strides = array<i32>} : memref<2x128xi32, #tpu.memory_space<vmem>>, vector<16xi32>,
    tpu.vector_store %arg8[%swap3A_266, %swap3A_267], %select_n3A_264 {strides = array<i32>} : memref<2x128xi32, #tpu.memory_space<vmem>>, vector<16xi32>,
    %get3A_269 = arith.constant 0 : i32
    %get3A_270 = arith.index_cast %get3A_269 : i32 to index
    %get3A_271 = arith.constant 96 : index
    %get3A_272 = tpu.vector_load %arg6[%get3A_270, %get3A_271] {strides = array<i32>} : memref<80x128xi32, #tpu.memory_space<vmem>>, vector<16xi32>,
    %rem3A_273 = arith.constant 16384 : i32
    %rem3A_274 = vector.broadcast %rem3A_273 : i32 to vector<16xi32>
    %rem3A_275 = arith.remsi %get3A_272, %rem3A_274 : vector<16xi32>
    %swap3A_276 = arith.constant 0 : i32
    %swap3A_277 = arith.index_cast %swap3A_276 : i32 to index
    %swap3A_278 = arith.constant 96 : index
    %swap3A_279 = tpu.vector_load %arg7[%swap3A_277, %swap3A_278] {strides = array<i32>} : memref<2x128xi32, #tpu.memory_space<vmem>>, vector<16xi32>,
    tpu.vector_store %arg7[%swap3A_277, %swap3A_278], %rem3A_275 {strides = array<i32>} : memref<2x128xi32, #tpu.memory_space<vmem>>, vector<16xi32>,
    %jit3A_280 = arith.constant 16384 : i32
    %div3A_281 = vector.broadcast %jit3A_280 : i32 to vector<16xi32>
    %div3A_282 = arith.divsi %get3A_272, %div3A_281 : vector<16xi32>
    %sign3A_283 = arith.constant 0 : i32
    %sign3A_284 = vector.broadcast %sign3A_283 : i32 to vector<16xi32>
    %sign3A_285 = arith.cmpi sgt, %get3A_272, %sign3A_284 : vector<16xi32>
    %sign3A_286 = arith.extui %sign3A_285 : vector<16xi1> to vector<16xi32>
    %sign3A_287 = arith.constant 0 : i32
    %sign3A_288 = vector.broadcast %sign3A_287 : i32 to vector<16xi32>
    %sign3A_289 = arith.cmpi slt, %get3A_272, %sign3A_288 : vector<16xi32>
    %sign3A_290 = arith.extui %sign3A_289 : vector<16xi1> to vector<16xi32>
    %sign3A_291 = arith.subi %sign3A_286, %sign3A_290 : vector<16xi32>
    %sign3A_292 = arith.constant 0 : i32
    %sign3A_293 = arith.cmpi sgt, %jit3A_280, %sign3A_292 : i32
    %sign3A_294 = arith.extui %sign3A_293 : i1 to i32
    %sign3A_295 = arith.constant 0 : i32
    %sign3A_296 = arith.cmpi slt, %jit3A_280, %sign3A_295 : i32
    %sign3A_297 = arith.extui %sign3A_296 : i1 to i32
    %sign3A_298 = arith.subi %sign3A_294, %sign3A_297 : i32
    %ne3A_299 = vector.broadcast %sign3A_298 : i32 to vector<16xi32>
    %ne3A_300 = arith.cmpi ne, %sign3A_291, %ne3A_299 : vector<16xi32>
    %rem3A_301 = vector.broadcast %jit3A_280 : i32 to vector<16xi32>
    %rem3A_302 = arith.remsi %get3A_272, %rem3A_301 : vector<16xi32>
    %ne3A_303 = arith.constant 0 : i32
    %ne3A_304 = vector.broadcast %ne3A_303 : i32 to vector<16xi32>
    %ne3A_305 = arith.cmpi ne, %rem3A_302, %ne3A_304 : vector<16xi32>
    %and3A_306 = arith.andi %ne3A_300, %ne3A_305 : vector<16xi1>
    %sub3A_307 = arith.constant 1 : i32
    %sub3A_308 = vector.broadcast %sub3A_307 : i32 to vector<16xi32>
    %sub3A_309 = arith.subi %div3A_282, %sub3A_308 : vector<16xi32>
    %select_n3A_310 = arith.select %and3A_306, %sub3A_309, %div3A_282 : vector<16xi1>, vector<16xi32>
    %swap3A_311 = arith.constant 0 : i32
    %swap3A_312 = arith.index_cast %swap3A_311 : i32 to index
    %swap3A_313 = arith.constant 96 : index
    %swap3A_314 = tpu.vector_load %arg8[%swap3A_312, %swap3A_313] {strides = array<i32>} : memref<2x128xi32, #tpu.memory_space<vmem>>, vector<16xi32>,
    tpu.vector_store %arg8[%swap3A_312, %swap3A_313], %select_n3A_310 {strides = array<i32>} : memref<2x128xi32, #tpu.memory_space<vmem>>, vector<16xi32>,
    %get3A_315 = arith.constant 0 : i32
    %get3A_316 = arith.index_cast %get3A_315 : i32 to index
    %get3A_317 = arith.constant 112 : index
    %get3A_318 = tpu.vector_load %arg6[%get3A_316, %get3A_317] {strides = array<i32>} : memref<80x128xi32, #tpu.memory_space<vmem>>, vector<16xi32>,
    %rem3A_319 = arith.constant 16384 : i32
    %rem3A_320 = vector.broadcast %rem3A_319 : i32 to vector<16xi32>
    %rem3A_321 = arith.remsi %get3A_318, %rem3A_320 : vector<16xi32>
    %swap3A_322 = arith.constant 0 : i32
    %swap3A_323 = arith.index_cast %swap3A_322 : i32 to index
    %swap3A_324 = arith.constant 112 : index
    %swap3A_325 = tpu.vector_load %arg7[%swap3A_323, %swap3A_324] {strides = array<i32>} : memref<2x128xi32, #tpu.memory_space<vmem>>, vector<16xi32>,
    tpu.vector_store %arg7[%swap3A_323, %swap3A_324], %rem3A_321 {strides = array<i32>} : memref<2x128xi32, #tpu.memory_space<vmem>>, vector<16xi32>,
    %jit3A_326 = arith.constant 16384 : i32
    %div3A_327 = vector.broadcast %jit3A_326 : i32 to vector<16xi32>
    %div3A_328 = arith.divsi %get3A_318, %div3A_327 : vector<16xi32>
    %sign3A_329 = arith.constant 0 : i32
    %sign3A_330 = vector.broadcast %sign3A_329 : i32 to vector<16xi32>
    %sign3A_331 = arith.cmpi sgt, %get3A_318, %sign3A_330 : vector<16xi32>
    %sign3A_332 = arith.extui %sign3A_331 : vector<16xi1> to vector<16xi32>
    %sign3A_333 = arith.constant 0 : i32
    %sign3A_334 = vector.broadcast %sign3A_333 : i32 to vector<16xi32>
    %sign3A_335 = arith.cmpi slt, %get3A_318, %sign3A_334 : vector<16xi32>
    %sign3A_336 = arith.extui %sign3A_335 : vector<16xi1> to vector<16xi32>
    %sign3A_337 = arith.subi %sign3A_332, %sign3A_336 : vector<16xi32>
    %sign3A_338 = arith.constant 0 : i32
    %sign3A_339 = arith.cmpi sgt, %jit3A_326, %sign3A_338 : i32
    %sign3A_340 = arith.extui %sign3A_339 : i1 to i32
    %sign3A_341 = arith.constant 0 : i32
    %sign3A_342 = arith.cmpi slt, %jit3A_326, %sign3A_341 : i32
    %sign3A_343 = arith.extui %sign3A_342 : i1 to i32
    %sign3A_344 = arith.subi %sign3A_340, %sign3A_343 : i32
    %ne3A_345 = vector.broadcast %sign3A_344 : i32 to vector<16xi32>
    %ne3A_346 = arith.cmpi ne, %sign3A_337, %ne3A_345 : vector<16xi32>
    %rem3A_347 = vector.broadcast %jit3A_326 : i32 to vector<16xi32>
    %rem3A_348 = arith.remsi %get3A_318, %rem3A_347 : vector<16xi32>
    %ne3A_349 = arith.constant 0 : i32
    %ne3A_350 = vector.broadcast %ne3A_349 : i32 to vector<16xi32>
    %ne3A_351 = arith.cmpi ne, %rem3A_348, %ne3A_350 : vector<16xi32>
    %and3A_352 = arith.andi %ne3A_346, %ne3A_351 : vector<16xi1>
    %sub3A_353 = arith.constant 1 : i32
    %sub3A_354 = vector.broadcast %sub3A_353 : i32 to vector<16xi32>
    %sub3A_355 = arith.subi %div3A_328, %sub3A_354 : vector<16xi32>
    %select_n3A_356 = arith.select %and3A_352, %sub3A_355, %div3A_328 : vector<16xi1>, vector<16xi32>
    %swap3A_357 = arith.constant 0 : i32
    %swap3A_358 = arith.index_cast %swap3A_357 : i32 to index
    %swap3A_359 = arith.constant 112 : index
    %swap3A_360 = tpu.vector_load %arg8[%swap3A_358, %swap3A_359] {strides = array<i32>} : memref<2x128xi32, #tpu.memory_space<vmem>>, vector<16xi32>,
    tpu.vector_store %arg8[%swap3A_358, %swap3A_359], %select_n3A_356 {strides = array<i32>} : memref<2x128xi32, #tpu.memory_space<vmem>>, vector<16xi32>,
    %dma_start3A = arith.constant 0 : i32
    %dma_start3A_361 = arith.constant 0 : i32
    %dma_start3A_362 = arith.constant 0 : i32
    %dma_start3A_363 = arith.constant 0 : i32
    %dma_start3A_364 = tpu.memref_slice %arg9[%dma_start3A_361, %dma_start3A_362, %dma_start3A_363] : memref<2x128x128xf32, #tpu.memory_space<vmem>> -> memref<1x128x128xf32, #tpu.memory_space<vmem>>
    %dma_start3A_365 = tpu.memref_squeeze %dma_start3A_364 : memref<1x128x128xf32, #tpu.memory_space<vmem>> -> memref<128x128xf32, #tpu.memory_space<vmem>>
    %dma_start3A_366 = arith.constant 0 : i32
    %dma_start3A_367 = tpu.memref_slice %arg7[%dma_start3A, %dma_start3A_366] : memref<2x128xi32, #tpu.memory_space<vmem>> -> memref<1x128xi32, #tpu.memory_space<vmem>>
    %dma_start3A_368 = tpu.memref_squeeze %dma_start3A_367 : memref<1x128xi32, #tpu.memory_space<vmem>> -> memref<128xi32, #tpu.memory_space<vmem>>
    %dma_start3A_369 = arith.constant 0 : i32
    %dma_start3A_370 = arith.constant 0 : i32
    %dma_start3A_371 = tpu.memref_slice %arg2[%dma_start3A_369, %dma_start3A_370] : memref<10112x128xf32, #tpu.memory_space<hbm>> -> memref<10112x128xf32, #tpu.memory_space<hbm>>
    tpu.enqueue_indirect_dma source(%dma_start3A_371 : memref<10112x128xf32, #tpu.memory_space<hbm>>) target(%dma_start3A_365 : memref<128x128xf32, #tpu.memory_space<vmem>>) offsets(%dma_start3A_368 : memref<128xi32, #tpu.memory_space<vmem>>) semaphore(%arg11 : memref<!tpu.dma_semaphore, #tpu.memory_space<semaphore_mem>>)
    %scan3A = arith.constant 0 : i32
    %scan3A_372 = arith.constant 0 : i32
    %scan3A_373 = arith.constant 80 : i32
    %scan3A_374 = arith.addi %scan3A_372, %scan3A_373 : i32
    %scan3A_375 = arith.constant 1 : i32
    scf.for %scan3A_394 = %scan3A_372 to %scan3A_374 step %scan3A_375  : i32 {
      %jit3A_395 = arith.constant 2 : i32
      %eq3A = arith.constant 0 : i32
      %eq3A_396 = arith.cmpi eq, %jit3A_395, %eq3A : i32
      %jit3A_397 = arith.constant 1 : i32
      %select_n3A_398 = arith.select %eq3A_396, %jit3A_397, %jit3A_395 : i32
      %rem3A_399 = arith.remsi %scan3A_394, %select_n3A_398 : i32
      %ne3A_400 = arith.constant 0 : i32
      %ne3A_401 = arith.cmpi ne, %rem3A_399, %ne3A_400 : i32
      %lt3A = arith.constant 0 : i32
      %lt3A_402 = arith.cmpi slt, %rem3A_399, %lt3A : i32
      %lt3A_403 = arith.constant 0 : i32
      %lt3A_404 = arith.cmpi slt, %select_n3A_398, %lt3A_403 : i32
      %ne3A_405 = arith.xori %lt3A_402, %lt3A_404 : i1
      %and3A_406 = arith.andi %ne3A_405, %ne3A_401 : i1
      %add3A_407 = arith.addi %rem3A_399, %select_n3A_398 : i32
      %select_n3A_408 = arith.select %and3A_406, %add3A_407, %rem3A_399 : i32
      %ge3A = arith.constant 1 : i32
      %ge3A_409 = arith.cmpi sge, %scan3A_394, %ge3A : i32
      %convert_element_type3A = arith.extui %ge3A_409 : i1 to i32
      %cond3A = arith.constant 0 : i32
      %cond3A_410 = arith.cmpi ne, %convert_element_type3A, %cond3A : i32
      scf.if %cond3A_410 {
        %sub3A_438 = arith.constant 1 : i32
        %sub3A_439 = arith.subi %sub3A_438, %select_n3A_408 : i32
        %sub3A_440 = arith.constant 1 : i32
        %sub3A_441 = arith.subi %sub3A_440, %select_n3A_408 : i32
        %dma_wait3A_442 = arith.constant 0 : i32
        %dma_wait3A_443 = arith.constant 0 : i32
        %dma_wait3A_444 = tpu.memref_slice %arg9[%sub3A_439, %dma_wait3A_442, %dma_wait3A_443] : memref<2x128x128xf32, #tpu.memory_space<vmem>> -> memref<1x128x128xf32, #tpu.memory_space<vmem>>
        %dma_wait3A_445 = tpu.memref_squeeze %dma_wait3A_444 : memref<1x128x128xf32, #tpu.memory_space<vmem>> -> memref<128x128xf32, #tpu.memory_space<vmem>>
        %dma_wait3A_446 = arith.constant 0 : i32
        %dma_wait3A_447 = tpu.memref_slice %arg8[%sub3A_441, %dma_wait3A_446] : memref<2x128xi32, #tpu.memory_space<vmem>> -> memref<1x128xi32, #tpu.memory_space<vmem>>
        %dma_wait3A_448 = tpu.memref_squeeze %dma_wait3A_447 : memref<1x128xi32, #tpu.memory_space<vmem>> -> memref<128xi32, #tpu.memory_space<vmem>>
        %dma_wait3A_449 = arith.constant 0 : i32
        %dma_wait3A_450 = arith.constant 0 : i32
        %dma_wait3A_451 = tpu.memref_slice %arg10[%dma_wait3A_449, %dma_wait3A_450] : memref<10112x128xf32, #tpu.memory_space<vmem_shared>> -> memref<10112x128xf32, #tpu.memory_space<vmem_shared>>
        tpu.wait_indirect_dma semaphore(%arg12 : memref<!tpu.dma_semaphore, #tpu.memory_space<semaphore_mem>>) src(%dma_wait3A_445 : memref<128x128xf32, #tpu.memory_space<vmem>>) dst(%dma_wait3A_451 : memref<10112x128xf32, #tpu.memory_space<vmem_shared>>)
      } else {
      }
      %add3A_411 = arith.constant 1 : i32
      %add3A_412 = arith.addi %scan3A_394, %add3A_411 : i32
      %lt3A_413 = arith.constant 80 : i32
      %lt3A_414 = arith.cmpi slt, %add3A_412, %lt3A_413 : i32
      %convert_element_type3A_415 = arith.extui %lt3A_414 : i1 to i32
      %cond3A_416 = arith.constant 0 : i32
      %cond3A_417 = arith.cmpi ne, %convert_element_type3A_415, %cond3A_416 : i32
      scf.if %cond3A_417 {
        %add3A_438 = arith.constant 1 : i32
        %add3A_439 = arith.addi %scan3A_394, %add3A_438 : i32
        %sub3A_440 = arith.constant 1 : i32
        %sub3A_441 = arith.subi %sub3A_440, %select_n3A_408 : i32
        %get3A_442 = arith.index_cast %add3A_439 : i32 to index
        %get3A_443 = arith.constant 0 : index
        %get3A_444 = tpu.vector_load %arg6[%get3A_442, %get3A_443] {strides = array<i32>} : memref<80x128xi32, #tpu.memory_space<vmem>>, vector<16xi32>,
        %rem3A_445 = arith.constant 16384 : i32
        %rem3A_446 = vector.broadcast %rem3A_445 : i32 to vector<16xi32>
        %rem3A_447 = arith.remsi %get3A_444, %rem3A_446 : vector<16xi32>
        %swap3A_448 = arith.index_cast %sub3A_441 : i32 to index
        %swap3A_449 = arith.constant 0 : index
        %swap3A_450 = tpu.vector_load %arg7[%swap3A_448, %swap3A_449] {strides = array<i32>} : memref<2x128xi32, #tpu.memory_space<vmem>>, vector<16xi32>,
        tpu.vector_store %arg7[%swap3A_448, %swap3A_449], %rem3A_447 {strides = array<i32>} : memref<2x128xi32, #tpu.memory_space<vmem>>, vector<16xi32>,
        %jit3A_451 = arith.constant 16384 : i32
        %div3A_452 = vector.broadcast %jit3A_451 : i32 to vector<16xi32>
        %div3A_453 = arith.divsi %get3A_444, %div3A_452 : vector<16xi32>
        %sign3A_454 = arith.constant 0 : i32
        %sign3A_455 = vector.broadcast %sign3A_454 : i32 to vector<16xi32>
        %sign3A_456 = arith.cmpi sgt, %get3A_444, %sign3A_455 : vector<16xi32>
        %sign3A_457 = arith.extui %sign3A_456 : vector<16xi1> to vector<16xi32>
        %sign3A_458 = arith.constant 0 : i32
        %sign3A_459 = vector.broadcast %sign3A_458 : i32 to vector<16xi32>
        %sign3A_460 = arith.cmpi slt, %get3A_444, %sign3A_459 : vector<16xi32>
        %sign3A_461 = arith.extui %sign3A_460 : vector<16xi1> to vector<16xi32>
        %sign3A_462 = arith.subi %sign3A_457, %sign3A_461 : vector<16xi32>
        %sign3A_463 = arith.constant 0 : i32
        %sign3A_464 = arith.cmpi sgt, %jit3A_451, %sign3A_463 : i32
        %sign3A_465 = arith.extui %sign3A_464 : i1 to i32
        %sign3A_466 = arith.constant 0 : i32
        %sign3A_467 = arith.cmpi slt, %jit3A_451, %sign3A_466 : i32
        %sign3A_468 = arith.extui %sign3A_467 : i1 to i32
        %sign3A_469 = arith.subi %sign3A_465, %sign3A_468 : i32
        %ne3A_470 = vector.broadcast %sign3A_469 : i32 to vector<16xi32>
        %ne3A_471 = arith.cmpi ne, %sign3A_462, %ne3A_470 : vector<16xi32>
        %rem3A_472 = vector.broadcast %jit3A_451 : i32 to vector<16xi32>
        %rem3A_473 = arith.remsi %get3A_444, %rem3A_472 : vector<16xi32>
        %ne3A_474 = arith.constant 0 : i32
        %ne3A_475 = vector.broadcast %ne3A_474 : i32 to vector<16xi32>
        %ne3A_476 = arith.cmpi ne, %rem3A_473, %ne3A_475 : vector<16xi32>
        %and3A_477 = arith.andi %ne3A_471, %ne3A_476 : vector<16xi1>
        %sub3A_478 = arith.constant 1 : i32
        %sub3A_479 = vector.broadcast %sub3A_478 : i32 to vector<16xi32>
        %sub3A_480 = arith.subi %div3A_453, %sub3A_479 : vector<16xi32>
        %select_n3A_481 = arith.select %and3A_477, %sub3A_480, %div3A_453 : vector<16xi1>, vector<16xi32>
        %swap3A_482 = arith.index_cast %sub3A_441 : i32 to index
        %swap3A_483 = arith.constant 0 : index
        %swap3A_484 = tpu.vector_load %arg8[%swap3A_482, %swap3A_483] {strides = array<i32>} : memref<2x128xi32, #tpu.memory_space<vmem>>, vector<16xi32>,
        tpu.vector_store %arg8[%swap3A_482, %swap3A_483], %select_n3A_481 {strides = array<i32>} : memref<2x128xi32, #tpu.memory_space<vmem>>, vector<16xi32>,
        %get3A_485 = arith.index_cast %add3A_439 : i32 to index
        %get3A_486 = arith.constant 16 : index
        %get3A_487 = tpu.vector_load %arg6[%get3A_485, %get3A_486] {strides = array<i32>} : memref<80x128xi32, #tpu.memory_space<vmem>>, vector<16xi32>,
        %rem3A_488 = arith.constant 16384 : i32
        %rem3A_489 = vector.broadcast %rem3A_488 : i32 to vector<16xi32>
        %rem3A_490 = arith.remsi %get3A_487, %rem3A_489 : vector<16xi32>
        %swap3A_491 = arith.index_cast %sub3A_441 : i32 to index
        %swap3A_492 = arith.constant 16 : index
        %swap3A_493 = tpu.vector_load %arg7[%swap3A_491, %swap3A_492] {strides = array<i32>} : memref<2x128xi32, #tpu.memory_space<vmem>>, vector<16xi32>,
        tpu.vector_store %arg7[%swap3A_491, %swap3A_492], %rem3A_490 {strides = array<i32>} : memref<2x128xi32, #tpu.memory_space<vmem>>, vector<16xi32>,
        %jit3A_494 = arith.constant 16384 : i32
        %div3A_495 = vector.broadcast %jit3A_494 : i32 to vector<16xi32>
        %div3A_496 = arith.divsi %get3A_487, %div3A_495 : vector<16xi32>
        %sign3A_497 = arith.constant 0 : i32
        %sign3A_498 = vector.broadcast %sign3A_497 : i32 to vector<16xi32>
        %sign3A_499 = arith.cmpi sgt, %get3A_487, %sign3A_498 : vector<16xi32>
        %sign3A_500 = arith.extui %sign3A_499 : vector<16xi1> to vector<16xi32>
        %sign3A_501 = arith.constant 0 : i32
        %sign3A_502 = vector.broadcast %sign3A_501 : i32 to vector<16xi32>
        %sign3A_503 = arith.cmpi slt, %get3A_487, %sign3A_502 : vector<16xi32>
        %sign3A_504 = arith.extui %sign3A_503 : vector<16xi1> to vector<16xi32>
        %sign3A_505 = arith.subi %sign3A_500, %sign3A_504 : vector<16xi32>
        %sign3A_506 = arith.constant 0 : i32
        %sign3A_507 = arith.cmpi sgt, %jit3A_494, %sign3A_506 : i32
        %sign3A_508 = arith.extui %sign3A_507 : i1 to i32
        %sign3A_509 = arith.constant 0 : i32
        %sign3A_510 = arith.cmpi slt, %jit3A_494, %sign3A_509 : i32
        %sign3A_511 = arith.extui %sign3A_510 : i1 to i32
        %sign3A_512 = arith.subi %sign3A_508, %sign3A_511 : i32
        %ne3A_513 = vector.broadcast %sign3A_512 : i32 to vector<16xi32>
        %ne3A_514 = arith.cmpi ne, %sign3A_505, %ne3A_513 : vector<16xi32>
        %rem3A_515 = vector.broadcast %jit3A_494 : i32 to vector<16xi32>
        %rem3A_516 = arith.remsi %get3A_487, %rem3A_515 : vector<16xi32>
        %ne3A_517 = arith.constant 0 : i32
        %ne3A_518 = vector.broadcast %ne3A_517 : i32 to vector<16xi32>
        %ne3A_519 = arith.cmpi ne, %rem3A_516, %ne3A_518 : vector<16xi32>
        %and3A_520 = arith.andi %ne3A_514, %ne3A_519 : vector<16xi1>
        %sub3A_521 = arith.constant 1 : i32
        %sub3A_522 = vector.broadcast %sub3A_521 : i32 to vector<16xi32>
        %sub3A_523 = arith.subi %div3A_496, %sub3A_522 : vector<16xi32>
        %select_n3A_524 = arith.select %and3A_520, %sub3A_523, %div3A_496 : vector<16xi1>, vector<16xi32>
        %swap3A_525 = arith.index_cast %sub3A_441 : i32 to index
        %swap3A_526 = arith.constant 16 : index
        %swap3A_527 = tpu.vector_load %arg8[%swap3A_525, %swap3A_526] {strides = array<i32>} : memref<2x128xi32, #tpu.memory_space<vmem>>, vector<16xi32>,
        tpu.vector_store %arg8[%swap3A_525, %swap3A_526], %select_n3A_524 {strides = array<i32>} : memref<2x128xi32, #tpu.memory_space<vmem>>, vector<16xi32>,
        %get3A_528 = arith.index_cast %add3A_439 : i32 to index
        %get3A_529 = arith.constant 32 : index
        %get3A_530 = tpu.vector_load %arg6[%get3A_528, %get3A_529] {strides = array<i32>} : memref<80x128xi32, #tpu.memory_space<vmem>>, vector<16xi32>,
        %rem3A_531 = arith.constant 16384 : i32
        %rem3A_532 = vector.broadcast %rem3A_531 : i32 to vector<16xi32>
        %rem3A_533 = arith.remsi %get3A_530, %rem3A_532 : vector<16xi32>
        %swap3A_534 = arith.index_cast %sub3A_441 : i32 to index
        %swap3A_535 = arith.constant 32 : index
        %swap3A_536 = tpu.vector_load %arg7[%swap3A_534, %swap3A_535] {strides = array<i32>} : memref<2x128xi32, #tpu.memory_space<vmem>>, vector<16xi32>,
        tpu.vector_store %arg7[%swap3A_534, %swap3A_535], %rem3A_533 {strides = array<i32>} : memref<2x128xi32, #tpu.memory_space<vmem>>, vector<16xi32>,
        %jit3A_537 = arith.constant 16384 : i32
        %div3A_538 = vector.broadcast %jit3A_537 : i32 to vector<16xi32>
        %div3A_539 = arith.divsi %get3A_530, %div3A_538 : vector<16xi32>
        %sign3A_540 = arith.constant 0 : i32
        %sign3A_541 = vector.broadcast %sign3A_540 : i32 to vector<16xi32>
        %sign3A_542 = arith.cmpi sgt, %get3A_530, %sign3A_541 : vector<16xi32>
        %sign3A_543 = arith.extui %sign3A_542 : vector<16xi1> to vector<16xi32>
        %sign3A_544 = arith.constant 0 : i32
        %sign3A_545 = vector.broadcast %sign3A_544 : i32 to vector<16xi32>
        %sign3A_546 = arith.cmpi slt, %get3A_530, %sign3A_545 : vector<16xi32>
        %sign3A_547 = arith.extui %sign3A_546 : vector<16xi1> to vector<16xi32>
        %sign3A_548 = arith.subi %sign3A_543, %sign3A_547 : vector<16xi32>
        %sign3A_549 = arith.constant 0 : i32
        %sign3A_550 = arith.cmpi sgt, %jit3A_537, %sign3A_549 : i32
        %sign3A_551 = arith.extui %sign3A_550 : i1 to i32
        %sign3A_552 = arith.constant 0 : i32
        %sign3A_553 = arith.cmpi slt, %jit3A_537, %sign3A_552 : i32
        %sign3A_554 = arith.extui %sign3A_553 : i1 to i32
        %sign3A_555 = arith.subi %sign3A_551, %sign3A_554 : i32
        %ne3A_556 = vector.broadcast %sign3A_555 : i32 to vector<16xi32>
        %ne3A_557 = arith.cmpi ne, %sign3A_548, %ne3A_556 : vector<16xi32>
        %rem3A_558 = vector.broadcast %jit3A_537 : i32 to vector<16xi32>
        %rem3A_559 = arith.remsi %get3A_530, %rem3A_558 : vector<16xi32>
        %ne3A_560 = arith.constant 0 : i32
        %ne3A_561 = vector.broadcast %ne3A_560 : i32 to vector<16xi32>
        %ne3A_562 = arith.cmpi ne, %rem3A_559, %ne3A_561 : vector<16xi32>
        %and3A_563 = arith.andi %ne3A_557, %ne3A_562 : vector<16xi1>
        %sub3A_564 = arith.constant 1 : i32
        %sub3A_565 = vector.broadcast %sub3A_564 : i32 to vector<16xi32>
        %sub3A_566 = arith.subi %div3A_539, %sub3A_565 : vector<16xi32>
        %select_n3A_567 = arith.select %and3A_563, %sub3A_566, %div3A_539 : vector<16xi1>, vector<16xi32>
        %swap3A_568 = arith.index_cast %sub3A_441 : i32 to index
        %swap3A_569 = arith.constant 32 : index
        %swap3A_570 = tpu.vector_load %arg8[%swap3A_568, %swap3A_569] {strides = array<i32>} : memref<2x128xi32, #tpu.memory_space<vmem>>, vector<16xi32>,
        tpu.vector_store %arg8[%swap3A_568, %swap3A_569], %select_n3A_567 {strides = array<i32>} : memref<2x128xi32, #tpu.memory_space<vmem>>, vector<16xi32>,
        %get3A_571 = arith.index_cast %add3A_439 : i32 to index
        %get3A_572 = arith.constant 48 : index
        %get3A_573 = tpu.vector_load %arg6[%get3A_571, %get3A_572] {strides = array<i32>} : memref<80x128xi32, #tpu.memory_space<vmem>>, vector<16xi32>,
        %rem3A_574 = arith.constant 16384 : i32
        %rem3A_575 = vector.broadcast %rem3A_574 : i32 to vector<16xi32>
        %rem3A_576 = arith.remsi %get3A_573, %rem3A_575 : vector<16xi32>
        %swap3A_577 = arith.index_cast %sub3A_441 : i32 to index
        %swap3A_578 = arith.constant 48 : index
        %swap3A_579 = tpu.vector_load %arg7[%swap3A_577, %swap3A_578] {strides = array<i32>} : memref<2x128xi32, #tpu.memory_space<vmem>>, vector<16xi32>,
        tpu.vector_store %arg7[%swap3A_577, %swap3A_578], %rem3A_576 {strides = array<i32>} : memref<2x128xi32, #tpu.memory_space<vmem>>, vector<16xi32>,
        %jit3A_580 = arith.constant 16384 : i32
        %div3A_581 = vector.broadcast %jit3A_580 : i32 to vector<16xi32>
        %div3A_582 = arith.divsi %get3A_573, %div3A_581 : vector<16xi32>
        %sign3A_583 = arith.constant 0 : i32
        %sign3A_584 = vector.broadcast %sign3A_583 : i32 to vector<16xi32>
        %sign3A_585 = arith.cmpi sgt, %get3A_573, %sign3A_584 : vector<16xi32>
        %sign3A_586 = arith.extui %sign3A_585 : vector<16xi1> to vector<16xi32>
        %sign3A_587 = arith.constant 0 : i32
        %sign3A_588 = vector.broadcast %sign3A_587 : i32 to vector<16xi32>
        %sign3A_589 = arith.cmpi slt, %get3A_573, %sign3A_588 : vector<16xi32>
        %sign3A_590 = arith.extui %sign3A_589 : vector<16xi1> to vector<16xi32>
        %sign3A_591 = arith.subi %sign3A_586, %sign3A_590 : vector<16xi32>
        %sign3A_592 = arith.constant 0 : i32
        %sign3A_593 = arith.cmpi sgt, %jit3A_580, %sign3A_592 : i32
        %sign3A_594 = arith.extui %sign3A_593 : i1 to i32
        %sign3A_595 = arith.constant 0 : i32
        %sign3A_596 = arith.cmpi slt, %jit3A_580, %sign3A_595 : i32
        %sign3A_597 = arith.extui %sign3A_596 : i1 to i32
        %sign3A_598 = arith.subi %sign3A_594, %sign3A_597 : i32
        %ne3A_599 = vector.broadcast %sign3A_598 : i32 to vector<16xi32>
        %ne3A_600 = arith.cmpi ne, %sign3A_591, %ne3A_599 : vector<16xi32>
        %rem3A_601 = vector.broadcast %jit3A_580 : i32 to vector<16xi32>
        %rem3A_602 = arith.remsi %get3A_573, %rem3A_601 : vector<16xi32>
        %ne3A_603 = arith.constant 0 : i32
        %ne3A_604 = vector.broadcast %ne3A_603 : i32 to vector<16xi32>
        %ne3A_605 = arith.cmpi ne, %rem3A_602, %ne3A_604 : vector<16xi32>
        %and3A_606 = arith.andi %ne3A_600, %ne3A_605 : vector<16xi1>
        %sub3A_607 = arith.constant 1 : i32
        %sub3A_608 = vector.broadcast %sub3A_607 : i32 to vector<16xi32>
        %sub3A_609 = arith.subi %div3A_582, %sub3A_608 : vector<16xi32>
        %select_n3A_610 = arith.select %and3A_606, %sub3A_609, %div3A_582 : vector<16xi1>, vector<16xi32>
        %swap3A_611 = arith.index_cast %sub3A_441 : i32 to index
        %swap3A_612 = arith.constant 48 : index
        %swap3A_613 = tpu.vector_load %arg8[%swap3A_611, %swap3A_612] {strides = array<i32>} : memref<2x128xi32, #tpu.memory_space<vmem>>, vector<16xi32>,
        tpu.vector_store %arg8[%swap3A_611, %swap3A_612], %select_n3A_610 {strides = array<i32>} : memref<2x128xi32, #tpu.memory_space<vmem>>, vector<16xi32>,
        %get3A_614 = arith.index_cast %add3A_439 : i32 to index
        %get3A_615 = arith.constant 64 : index
        %get3A_616 = tpu.vector_load %arg6[%get3A_614, %get3A_615] {strides = array<i32>} : memref<80x128xi32, #tpu.memory_space<vmem>>, vector<16xi32>,
        %rem3A_617 = arith.constant 16384 : i32
        %rem3A_618 = vector.broadcast %rem3A_617 : i32 to vector<16xi32>
        %rem3A_619 = arith.remsi %get3A_616, %rem3A_618 : vector<16xi32>
        %swap3A_620 = arith.index_cast %sub3A_441 : i32 to index
        %swap3A_621 = arith.constant 64 : index
        %swap3A_622 = tpu.vector_load %arg7[%swap3A_620, %swap3A_621] {strides = array<i32>} : memref<2x128xi32, #tpu.memory_space<vmem>>, vector<16xi32>,
        tpu.vector_store %arg7[%swap3A_620, %swap3A_621], %rem3A_619 {strides = array<i32>} : memref<2x128xi32, #tpu.memory_space<vmem>>, vector<16xi32>,
        %jit3A_623 = arith.constant 16384 : i32
        %div3A_624 = vector.broadcast %jit3A_623 : i32 to vector<16xi32>
        %div3A_625 = arith.divsi %get3A_616, %div3A_624 : vector<16xi32>
        %sign3A_626 = arith.constant 0 : i32
        %sign3A_627 = vector.broadcast %sign3A_626 : i32 to vector<16xi32>
        %sign3A_628 = arith.cmpi sgt, %get3A_616, %sign3A_627 : vector<16xi32>
        %sign3A_629 = arith.extui %sign3A_628 : vector<16xi1> to vector<16xi32>
        %sign3A_630 = arith.constant 0 : i32
        %sign3A_631 = vector.broadcast %sign3A_630 : i32 to vector<16xi32>
        %sign3A_632 = arith.cmpi slt, %get3A_616, %sign3A_631 : vector<16xi32>
        %sign3A_633 = arith.extui %sign3A_632 : vector<16xi1> to vector<16xi32>
        %sign3A_634 = arith.subi %sign3A_629, %sign3A_633 : vector<16xi32>
        %sign3A_635 = arith.constant 0 : i32
        %sign3A_636 = arith.cmpi sgt, %jit3A_623, %sign3A_635 : i32
        %sign3A_637 = arith.extui %sign3A_636 : i1 to i32
        %sign3A_638 = arith.constant 0 : i32
        %sign3A_639 = arith.cmpi slt, %jit3A_623, %sign3A_638 : i32
        %sign3A_640 = arith.extui %sign3A_639 : i1 to i32
        %sign3A_641 = arith.subi %sign3A_637, %sign3A_640 : i32
        %ne3A_642 = vector.broadcast %sign3A_641 : i32 to vector<16xi32>
        %ne3A_643 = arith.cmpi ne, %sign3A_634, %ne3A_642 : vector<16xi32>
        %rem3A_644 = vector.broadcast %jit3A_623 : i32 to vector<16xi32>
        %rem3A_645 = arith.remsi %get3A_616, %rem3A_644 : vector<16xi32>
        %ne3A_646 = arith.constant 0 : i32
        %ne3A_647 = vector.broadcast %ne3A_646 : i32 to vector<16xi32>
        %ne3A_648 = arith.cmpi ne, %rem3A_645, %ne3A_647 : vector<16xi32>
        %and3A_649 = arith.andi %ne3A_643, %ne3A_648 : vector<16xi1>
        %sub3A_650 = arith.constant 1 : i32
        %sub3A_651 = vector.broadcast %sub3A_650 : i32 to vector<16xi32>
        %sub3A_652 = arith.subi %div3A_625, %sub3A_651 : vector<16xi32>
        %select_n3A_653 = arith.select %and3A_649, %sub3A_652, %div3A_625 : vector<16xi1>, vector<16xi32>
        %swap3A_654 = arith.index_cast %sub3A_441 : i32 to index
        %swap3A_655 = arith.constant 64 : index
        %swap3A_656 = tpu.vector_load %arg8[%swap3A_654, %swap3A_655] {strides = array<i32>} : memref<2x128xi32, #tpu.memory_space<vmem>>, vector<16xi32>,
        tpu.vector_store %arg8[%swap3A_654, %swap3A_655], %select_n3A_653 {strides = array<i32>} : memref<2x128xi32, #tpu.memory_space<vmem>>, vector<16xi32>,
        %get3A_657 = arith.index_cast %add3A_439 : i32 to index
        %get3A_658 = arith.constant 80 : index
        %get3A_659 = tpu.vector_load %arg6[%get3A_657, %get3A_658] {strides = array<i32>} : memref<80x128xi32, #tpu.memory_space<vmem>>, vector<16xi32>,
        %rem3A_660 = arith.constant 16384 : i32
        %rem3A_661 = vector.broadcast %rem3A_660 : i32 to vector<16xi32>
        %rem3A_662 = arith.remsi %get3A_659, %rem3A_661 : vector<16xi32>
        %swap3A_663 = arith.index_cast %sub3A_441 : i32 to index
        %swap3A_664 = arith.constant 80 : index
        %swap3A_665 = tpu.vector_load %arg7[%swap3A_663, %swap3A_664] {strides = array<i32>} : memref<2x128xi32, #tpu.memory_space<vmem>>, vector<16xi32>,
        tpu.vector_store %arg7[%swap3A_663, %swap3A_664], %rem3A_662 {strides = array<i32>} : memref<2x128xi32, #tpu.memory_space<vmem>>, vector<16xi32>,
        %jit3A_666 = arith.constant 16384 : i32
        %div3A_667 = vector.broadcast %jit3A_666 : i32 to vector<16xi32>
        %div3A_668 = arith.divsi %get3A_659, %div3A_667 : vector<16xi32>
        %sign3A_669 = arith.constant 0 : i32
        %sign3A_670 = vector.broadcast %sign3A_669 : i32 to vector<16xi32>
        %sign3A_671 = arith.cmpi sgt, %get3A_659, %sign3A_670 : vector<16xi32>
        %sign3A_672 = arith.extui %sign3A_671 : vector<16xi1> to vector<16xi32>
        %sign3A_673 = arith.constant 0 : i32
        %sign3A_674 = vector.broadcast %sign3A_673 : i32 to vector<16xi32>
        %sign3A_675 = arith.cmpi slt, %get3A_659, %sign3A_674 : vector<16xi32>
        %sign3A_676 = arith.extui %sign3A_675 : vector<16xi1> to vector<16xi32>
        %sign3A_677 = arith.subi %sign3A_672, %sign3A_676 : vector<16xi32>
        %sign3A_678 = arith.constant 0 : i32
        %sign3A_679 = arith.cmpi sgt, %jit3A_666, %sign3A_678 : i32
        %sign3A_680 = arith.extui %sign3A_679 : i1 to i32
        %sign3A_681 = arith.constant 0 : i32
        %sign3A_682 = arith.cmpi slt, %jit3A_666, %sign3A_681 : i32
        %sign3A_683 = arith.extui %sign3A_682 : i1 to i32
        %sign3A_684 = arith.subi %sign3A_680, %sign3A_683 : i32
        %ne3A_685 = vector.broadcast %sign3A_684 : i32 to vector<16xi32>
        %ne3A_686 = arith.cmpi ne, %sign3A_677, %ne3A_685 : vector<16xi32>
        %rem3A_687 = vector.broadcast %jit3A_666 : i32 to vector<16xi32>
        %rem3A_688 = arith.remsi %get3A_659, %rem3A_687 : vector<16xi32>
        %ne3A_689 = arith.constant 0 : i32
        %ne3A_690 = vector.broadcast %ne3A_689 : i32 to vector<16xi32>
        %ne3A_691 = arith.cmpi ne, %rem3A_688, %ne3A_690 : vector<16xi32>
        %and3A_692 = arith.andi %ne3A_686, %ne3A_691 : vector<16xi1>
        %sub3A_693 = arith.constant 1 : i32
        %sub3A_694 = vector.broadcast %sub3A_693 : i32 to vector<16xi32>
        %sub3A_695 = arith.subi %div3A_668, %sub3A_694 : vector<16xi32>
        %select_n3A_696 = arith.select %and3A_692, %sub3A_695, %div3A_668 : vector<16xi1>, vector<16xi32>
        %swap3A_697 = arith.index_cast %sub3A_441 : i32 to index
        %swap3A_698 = arith.constant 80 : index
        %swap3A_699 = tpu.vector_load %arg8[%swap3A_697, %swap3A_698] {strides = array<i32>} : memref<2x128xi32, #tpu.memory_space<vmem>>, vector<16xi32>,
        tpu.vector_store %arg8[%swap3A_697, %swap3A_698], %select_n3A_696 {strides = array<i32>} : memref<2x128xi32, #tpu.memory_space<vmem>>, vector<16xi32>,
        %get3A_700 = arith.index_cast %add3A_439 : i32 to index
        %get3A_701 = arith.constant 96 : index
        %get3A_702 = tpu.vector_load %arg6[%get3A_700, %get3A_701] {strides = array<i32>} : memref<80x128xi32, #tpu.memory_space<vmem>>, vector<16xi32>,
        %rem3A_703 = arith.constant 16384 : i32
        %rem3A_704 = vector.broadcast %rem3A_703 : i32 to vector<16xi32>
        %rem3A_705 = arith.remsi %get3A_702, %rem3A_704 : vector<16xi32>
        %swap3A_706 = arith.index_cast %sub3A_441 : i32 to index
        %swap3A_707 = arith.constant 96 : index
        %swap3A_708 = tpu.vector_load %arg7[%swap3A_706, %swap3A_707] {strides = array<i32>} : memref<2x128xi32, #tpu.memory_space<vmem>>, vector<16xi32>,
        tpu.vector_store %arg7[%swap3A_706, %swap3A_707], %rem3A_705 {strides = array<i32>} : memref<2x128xi32, #tpu.memory_space<vmem>>, vector<16xi32>,
        %jit3A_709 = arith.constant 16384 : i32
        %div3A_710 = vector.broadcast %jit3A_709 : i32 to vector<16xi32>
        %div3A_711 = arith.divsi %get3A_702, %div3A_710 : vector<16xi32>
        %sign3A_712 = arith.constant 0 : i32
        %sign3A_713 = vector.broadcast %sign3A_712 : i32 to vector<16xi32>
        %sign3A_714 = arith.cmpi sgt, %get3A_702, %sign3A_713 : vector<16xi32>
        %sign3A_715 = arith.extui %sign3A_714 : vector<16xi1> to vector<16xi32>
        %sign3A_716 = arith.constant 0 : i32
        %sign3A_717 = vector.broadcast %sign3A_716 : i32 to vector<16xi32>
        %sign3A_718 = arith.cmpi slt, %get3A_702, %sign3A_717 : vector<16xi32>
        %sign3A_719 = arith.extui %sign3A_718 : vector<16xi1> to vector<16xi32>
        %sign3A_720 = arith.subi %sign3A_715, %sign3A_719 : vector<16xi32>
        %sign3A_721 = arith.constant 0 : i32
        %sign3A_722 = arith.cmpi sgt, %jit3A_709, %sign3A_721 : i32
        %sign3A_723 = arith.extui %sign3A_722 : i1 to i32
        %sign3A_724 = arith.constant 0 : i32
        %sign3A_725 = arith.cmpi slt, %jit3A_709, %sign3A_724 : i32
        %sign3A_726 = arith.extui %sign3A_725 : i1 to i32
        %sign3A_727 = arith.subi %sign3A_723, %sign3A_726 : i32
        %ne3A_728 = vector.broadcast %sign3A_727 : i32 to vector<16xi32>
        %ne3A_729 = arith.cmpi ne, %sign3A_720, %ne3A_728 : vector<16xi32>
        %rem3A_730 = vector.broadcast %jit3A_709 : i32 to vector<16xi32>
        %rem3A_731 = arith.remsi %get3A_702, %rem3A_730 : vector<16xi32>
        %ne3A_732 = arith.constant 0 : i32
        %ne3A_733 = vector.broadcast %ne3A_732 : i32 to vector<16xi32>
        %ne3A_734 = arith.cmpi ne, %rem3A_731, %ne3A_733 : vector<16xi32>
        %and3A_735 = arith.andi %ne3A_729, %ne3A_734 : vector<16xi1>
        %sub3A_736 = arith.constant 1 : i32
        %sub3A_737 = vector.broadcast %sub3A_736 : i32 to vector<16xi32>
        %sub3A_738 = arith.subi %div3A_711, %sub3A_737 : vector<16xi32>
        %select_n3A_739 = arith.select %and3A_735, %sub3A_738, %div3A_711 : vector<16xi1>, vector<16xi32>
        %swap3A_740 = arith.index_cast %sub3A_441 : i32 to index
        %swap3A_741 = arith.constant 96 : index
        %swap3A_742 = tpu.vector_load %arg8[%swap3A_740, %swap3A_741] {strides = array<i32>} : memref<2x128xi32, #tpu.memory_space<vmem>>, vector<16xi32>,
        tpu.vector_store %arg8[%swap3A_740, %swap3A_741], %select_n3A_739 {strides = array<i32>} : memref<2x128xi32, #tpu.memory_space<vmem>>, vector<16xi32>,
        %get3A_743 = arith.index_cast %add3A_439 : i32 to index
        %get3A_744 = arith.constant 112 : index
        %get3A_745 = tpu.vector_load %arg6[%get3A_743, %get3A_744] {strides = array<i32>} : memref<80x128xi32, #tpu.memory_space<vmem>>, vector<16xi32>,
        %rem3A_746 = arith.constant 16384 : i32
        %rem3A_747 = vector.broadcast %rem3A_746 : i32 to vector<16xi32>
        %rem3A_748 = arith.remsi %get3A_745, %rem3A_747 : vector<16xi32>
        %swap3A_749 = arith.index_cast %sub3A_441 : i32 to index
        %swap3A_750 = arith.constant 112 : index
        %swap3A_751 = tpu.vector_load %arg7[%swap3A_749, %swap3A_750] {strides = array<i32>} : memref<2x128xi32, #tpu.memory_space<vmem>>, vector<16xi32>,
        tpu.vector_store %arg7[%swap3A_749, %swap3A_750], %rem3A_748 {strides = array<i32>} : memref<2x128xi32, #tpu.memory_space<vmem>>, vector<16xi32>,
        %jit3A_752 = arith.constant 16384 : i32
        %div3A_753 = vector.broadcast %jit3A_752 : i32 to vector<16xi32>
        %div3A_754 = arith.divsi %get3A_745, %div3A_753 : vector<16xi32>
        %sign3A_755 = arith.constant 0 : i32
        %sign3A_756 = vector.broadcast %sign3A_755 : i32 to vector<16xi32>
        %sign3A_757 = arith.cmpi sgt, %get3A_745, %sign3A_756 : vector<16xi32>
        %sign3A_758 = arith.extui %sign3A_757 : vector<16xi1> to vector<16xi32>
        %sign3A_759 = arith.constant 0 : i32
        %sign3A_760 = vector.broadcast %sign3A_759 : i32 to vector<16xi32>
        %sign3A_761 = arith.cmpi slt, %get3A_745, %sign3A_760 : vector<16xi32>
        %sign3A_762 = arith.extui %sign3A_761 : vector<16xi1> to vector<16xi32>
        %sign3A_763 = arith.subi %sign3A_758, %sign3A_762 : vector<16xi32>
        %sign3A_764 = arith.constant 0 : i32
        %sign3A_765 = arith.cmpi sgt, %jit3A_752, %sign3A_764 : i32
        %sign3A_766 = arith.extui %sign3A_765 : i1 to i32
        %sign3A_767 = arith.constant 0 : i32
        %sign3A_768 = arith.cmpi slt, %jit3A_752, %sign3A_767 : i32
        %sign3A_769 = arith.extui %sign3A_768 : i1 to i32
        %sign3A_770 = arith.subi %sign3A_766, %sign3A_769 : i32
        %ne3A_771 = vector.broadcast %sign3A_770 : i32 to vector<16xi32>
        %ne3A_772 = arith.cmpi ne, %sign3A_763, %ne3A_771 : vector<16xi32>
        %rem3A_773 = vector.broadcast %jit3A_752 : i32 to vector<16xi32>
        %rem3A_774 = arith.remsi %get3A_745, %rem3A_773 : vector<16xi32>
        %ne3A_775 = arith.constant 0 : i32
        %ne3A_776 = vector.broadcast %ne3A_775 : i32 to vector<16xi32>
        %ne3A_777 = arith.cmpi ne, %rem3A_774, %ne3A_776 : vector<16xi32>
        %and3A_778 = arith.andi %ne3A_772, %ne3A_777 : vector<16xi1>
        %sub3A_779 = arith.constant 1 : i32
        %sub3A_780 = vector.broadcast %sub3A_779 : i32 to vector<16xi32>
        %sub3A_781 = arith.subi %div3A_754, %sub3A_780 : vector<16xi32>
        %select_n3A_782 = arith.select %and3A_778, %sub3A_781, %div3A_754 : vector<16xi1>, vector<16xi32>
        %swap3A_783 = arith.index_cast %sub3A_441 : i32 to index
        %swap3A_784 = arith.constant 112 : index
        %swap3A_785 = tpu.vector_load %arg8[%swap3A_783, %swap3A_784] {strides = array<i32>} : memref<2x128xi32, #tpu.memory_space<vmem>>, vector<16xi32>,
        tpu.vector_store %arg8[%swap3A_783, %swap3A_784], %select_n3A_782 {strides = array<i32>} : memref<2x128xi32, #tpu.memory_space<vmem>>, vector<16xi32>,
        %sub3A_786 = arith.constant 1 : i32
        %sub3A_787 = arith.subi %sub3A_786, %select_n3A_408 : i32
        %sub3A_788 = arith.constant 1 : i32
        %sub3A_789 = arith.subi %sub3A_788, %select_n3A_408 : i32
        %dma_start3A_790 = arith.constant 0 : i32
        %dma_start3A_791 = arith.constant 0 : i32
        %dma_start3A_792 = tpu.memref_slice %arg9[%sub3A_789, %dma_start3A_790, %dma_start3A_791] : memref<2x128x128xf32, #tpu.memory_space<vmem>> -> memref<1x128x128xf32, #tpu.memory_space<vmem>>
        %dma_start3A_793 = tpu.memref_squeeze %dma_start3A_792 : memref<1x128x128xf32, #tpu.memory_space<vmem>> -> memref<128x128xf32, #tpu.memory_space<vmem>>
        %dma_start3A_794 = arith.constant 0 : i32
        %dma_start3A_795 = tpu.memref_slice %arg7[%sub3A_787, %dma_start3A_794] : memref<2x128xi32, #tpu.memory_space<vmem>> -> memref<1x128xi32, #tpu.memory_space<vmem>>
        %dma_start3A_796 = tpu.memref_squeeze %dma_start3A_795 : memref<1x128xi32, #tpu.memory_space<vmem>> -> memref<128xi32, #tpu.memory_space<vmem>>
        %dma_start3A_797 = arith.constant 0 : i32
        %dma_start3A_798 = arith.constant 0 : i32
        %dma_start3A_799 = tpu.memref_slice %arg2[%dma_start3A_797, %dma_start3A_798] : memref<10112x128xf32, #tpu.memory_space<hbm>> -> memref<10112x128xf32, #tpu.memory_space<hbm>>
        tpu.enqueue_indirect_dma source(%dma_start3A_799 : memref<10112x128xf32, #tpu.memory_space<hbm>>) target(%dma_start3A_793 : memref<128x128xf32, #tpu.memory_space<vmem>>) offsets(%dma_start3A_796 : memref<128xi32, #tpu.memory_space<vmem>>) semaphore(%arg11 : memref<!tpu.dma_semaphore, #tpu.memory_space<semaphore_mem>>)
      } else {
      }
      %dma_wait3A_418 = arith.constant 0 : i32
      %dma_wait3A_419 = arith.constant 0 : i32
      %dma_wait3A_420 = tpu.memref_slice %arg9[%select_n3A_408, %dma_wait3A_418, %dma_wait3A_419] : memref<2x128x128xf32, #tpu.memory_space<vmem>> -> memref<1x128x128xf32, #tpu.memory_space<vmem>>
      %dma_wait3A_421 = tpu.memref_squeeze %dma_wait3A_420 : memref<1x128x128xf32, #tpu.memory_space<vmem>> -> memref<128x128xf32, #tpu.memory_space<vmem>>
      %dma_wait3A_422 = arith.constant 0 : i32
      %dma_wait3A_423 = tpu.memref_slice %arg7[%select_n3A_408, %dma_wait3A_422] : memref<2x128xi32, #tpu.memory_space<vmem>> -> memref<1x128xi32, #tpu.memory_space<vmem>>
      %dma_wait3A_424 = tpu.memref_squeeze %dma_wait3A_423 : memref<1x128xi32, #tpu.memory_space<vmem>> -> memref<128xi32, #tpu.memory_space<vmem>>
      %dma_wait3A_425 = arith.constant 0 : i32
      %dma_wait3A_426 = arith.constant 0 : i32
      %dma_wait3A_427 = tpu.memref_slice %arg2[%dma_wait3A_425, %dma_wait3A_426] : memref<10112x128xf32, #tpu.memory_space<hbm>> -> memref<10112x128xf32, #tpu.memory_space<hbm>>
      tpu.wait_indirect_dma semaphore(%arg11 : memref<!tpu.dma_semaphore, #tpu.memory_space<semaphore_mem>>) src(%dma_wait3A_427 : memref<10112x128xf32, #tpu.memory_space<hbm>>) dst(%dma_wait3A_421 : memref<128x128xf32, #tpu.memory_space<vmem>>)
      %dma_start3A_428 = arith.constant 0 : i32
      %dma_start3A_429 = arith.constant 0 : i32
      %dma_start3A_430 = tpu.memref_slice %arg9[%select_n3A_408, %dma_start3A_428, %dma_start3A_429] : memref<2x128x128xf32, #tpu.memory_space<vmem>> -> memref<1x128x128xf32, #tpu.memory_space<vmem>>
      %dma_start3A_431 = tpu.memref_squeeze %dma_start3A_430 : memref<1x128x128xf32, #tpu.memory_space<vmem>> -> memref<128x128xf32, #tpu.memory_space<vmem>>
      %dma_start3A_432 = arith.constant 0 : i32
      %dma_start3A_433 = tpu.memref_slice %arg8[%select_n3A_408, %dma_start3A_432] : memref<2x128xi32, #tpu.memory_space<vmem>> -> memref<1x128xi32, #tpu.memory_space<vmem>>
      %dma_start3A_434 = tpu.memref_squeeze %dma_start3A_433 : memref<1x128xi32, #tpu.memory_space<vmem>> -> memref<128xi32, #tpu.memory_space<vmem>>
      %dma_start3A_435 = arith.constant 0 : i32
      %dma_start3A_436 = arith.constant 0 : i32
      %dma_start3A_437 = tpu.memref_slice %arg10[%dma_start3A_435, %dma_start3A_436] : memref<10112x128xf32, #tpu.memory_space<vmem_shared>> -> memref<10112x128xf32, #tpu.memory_space<vmem_shared>>
      tpu.enqueue_indirect_dma source(%dma_start3A_431 : memref<128x128xf32, #tpu.memory_space<vmem>>) target(%dma_start3A_437 : memref<10112x128xf32, #tpu.memory_space<vmem_shared>>) offsets(%dma_start3A_434 : memref<128xi32, #tpu.memory_space<vmem>>) semaphore(%arg12 : memref<!tpu.dma_semaphore, #tpu.memory_space<semaphore_mem>>) {add = true}
    }
    %scan3A_376 = arith.constant 80 : i32
    %dma_wait3A = arith.constant 1 : i32
    %dma_wait3A_377 = arith.constant 1 : i32
    %dma_wait3A_378 = arith.constant 0 : i32
    %dma_wait3A_379 = arith.constant 0 : i32
    %dma_wait3A_380 = tpu.memref_slice %arg9[%dma_wait3A, %dma_wait3A_378, %dma_wait3A_379] : memref<2x128x128xf32, #tpu.memory_space<vmem>> -> memref<1x128x128xf32, #tpu.memory_space<vmem>>
    %dma_wait3A_381 = tpu.memref_squeeze %dma_wait3A_380 : memref<1x128x128xf32, #tpu.memory_space<vmem>> -> memref<128x128xf32, #tpu.memory_space<vmem>>
    %dma_wait3A_382 = arith.constant 0 : i32
    %dma_wait3A_383 = tpu.memref_slice %arg8[%dma_wait3A_377, %dma_wait3A_382] : memref<2x128xi32, #tpu.memory_space<vmem>> -> memref<1x128xi32, #tpu.memory_space<vmem>>
    %dma_wait3A_384 = tpu.memref_squeeze %dma_wait3A_383 : memref<1x128xi32, #tpu.memory_space<vmem>> -> memref<128xi32, #tpu.memory_space<vmem>>
    %dma_wait3A_385 = arith.constant 0 : i32
    %dma_wait3A_386 = arith.constant 0 : i32
    %dma_wait3A_387 = tpu.memref_slice %arg10[%dma_wait3A_385, %dma_wait3A_386] : memref<10112x128xf32, #tpu.memory_space<vmem_shared>> -> memref<10112x128xf32, #tpu.memory_space<vmem_shared>>
    tpu.wait_indirect_dma semaphore(%arg12 : memref<!tpu.dma_semaphore, #tpu.memory_space<semaphore_mem>>) src(%dma_wait3A_381 : memref<128x128xf32, #tpu.memory_space<vmem>>) dst(%dma_wait3A_387 : memref<10112x128xf32, #tpu.memory_space<vmem_shared>>)
    %barrier3A_388 = arith.constant 0 : index
    tpu.barrier barrier_id(%barrier3A_388)
    %mul3A_389 = arith.constant 632 : i32
    %mul3A_390 = arith.muli %arg1, %mul3A_389 : i32
    %mul3A_391 = arith.constant 10112 : i32
    %mul3A_392 = arith.muli %arg0, %mul3A_391 : i32
    %add3A_393 = arith.addi %mul3A_392, %mul3A_390 : i32
    "tpu.region"() ({
      %run_scoped3A = tpu.sem_alloc : memref<!tpu.dma_semaphore, #tpu.memory_space<semaphore_mem>>
      %dma_start3A_394 = arith.constant 0 : i32
      %dma_start3A_395 = tpu.memref_slice %arg5[%add3A_393, %dma_start3A_394] : memref<20224x128xf32, #tpu.memory_space<hbm>> -> memref<632x128xf32, #tpu.memory_space<hbm>>
      %dma_start3A_396 = arith.constant 0 : i32
      %dma_start3A_397 = tpu.memref_slice %arg10[%mul3A_390, %dma_start3A_396] : memref<10112x128xf32, #tpu.memory_space<vmem_shared>> -> memref<632x128xf32, #tpu.memory_space<vmem_shared>>
      tpu.enqueue_dma source(%dma_start3A_397 : memref<632x128xf32, #tpu.memory_space<vmem_shared>>) target(%dma_start3A_395 : memref<632x128xf32, #tpu.memory_space<hbm>>) target_semaphore(%run_scoped3A : memref<!tpu.dma_semaphore, #tpu.memory_space<semaphore_mem>>)
      %dma_wait3A_398 = arith.constant 0 : i32
      %dma_wait3A_399 = tpu.memref_slice %arg5[%add3A_393, %dma_wait3A_398] : memref<20224x128xf32, #tpu.memory_space<hbm>> -> memref<632x128xf32, #tpu.memory_space<hbm>>
      %dma_wait3A_400 = arith.constant 0 : i32
      %dma_wait3A_401 = tpu.memref_slice %arg10[%mul3A_390, %dma_wait3A_400] : memref<10112x128xf32, #tpu.memory_space<vmem_shared>> -> memref<632x128xf32, #tpu.memory_space<vmem_shared>>
      tpu.wait_dma2 semaphore(%run_scoped3A : memref<!tpu.dma_semaphore, #tpu.memory_space<semaphore_mem>>) src(%dma_wait3A_401 : memref<632x128xf32, #tpu.memory_space<vmem_shared>>) dst(%dma_wait3A_399 : memref<632x128xf32, #tpu.memory_space<hbm>>)
      tpu.yield
    }) : () -> ()
    return
  }
}

#map = affine_map<(d0, d1) -> (0, 0)>
#map1 = affine_map<(d0, d1) -> (0, 0, 0)>
module attributes {stable_mosaic.version = 14 : i64} {
  func.func @_sc_aggregate(%arg0: i32, %arg1: i32, %arg2: memref<10112x128xf32, #tpu.memory_space<hbm>>, %arg3: memref<32x80x128xi32, #tpu.memory_space<hbm>>, %arg4: memref<632x128xf32, #tpu.memory_space<hbm>>, %arg5: memref<20224x128xf32, #tpu.memory_space<hbm>>, %arg6: memref<80x128xi32, #tpu.memory_space<vmem>>, %arg7: memref<2x128xi32, #tpu.memory_space<vmem>>, %arg8: memref<2x128xi32, #tpu.memory_space<vmem>>, %arg9: memref<2x128x128xf32, #tpu.memory_space<vmem>>, %arg10: memref<10112x128xf32, #tpu.memory_space<vmem_shared>>, %arg11: memref<!tpu.dma_semaphore, #tpu.memory_space<semaphore_mem>>, %arg12: memref<!tpu.dma_semaphore, #tpu.memory_space<semaphore_mem>>) attributes {dimension_semantics = [#tpu.dimension_semantics<core_parallel>, #tpu.dimension_semantics<subcore_parallel>], iteration_bounds = array<i64: 2, 16>, scalar_prefetch = 0 : i64, scratch_operands = 7 : i64, tpu.core_type = #tpu.core_type<sc_vector_subcore>, window_params = [{transform_indices = #map}, {transform_indices = #map1}, {transform_indices = #map}, {transform_indices = #map}]} {
    %mul3A = arith.constant 16 : i32
    %mul3A_0 = arith.muli %arg0, %mul3A : i32
    %add3A = arith.addi %mul3A_0, %arg1 : i32
    %mul3A_1 = arith.constant 632 : i32
    %mul3A_2 = arith.muli %arg1, %mul3A_1 : i32
    "tpu.region"() ({
      %run_scoped3A = tpu.sem_alloc : memref<!tpu.dma_semaphore, #tpu.memory_space<semaphore_mem>>
      %dma_start3A_394 = arith.constant 0 : i32
      %dma_start3A_395 = tpu.memref_slice %arg10[%mul3A_2, %dma_start3A_394] : memref<10112x128xf32, #tpu.memory_space<vmem_shared>> -> memref<632x128xf32, #tpu.memory_space<vmem_shared>>
      tpu.enqueue_dma source(%arg4 : memref<632x128xf32, #tpu.memory_space<hbm>>) target(%dma_start3A_395 : memref<632x128xf32, #tpu.memory_space<vmem_shared>>) target_semaphore(%run_scoped3A : memref<!tpu.dma_semaphore, #tpu.memory_space<semaphore_mem>>)
      %dma_wait3A_396 = arith.constant 0 : i32
      %dma_wait3A_397 = tpu.memref_slice %arg10[%mul3A_2, %dma_wait3A_396] : memref<10112x128xf32, #tpu.memory_space<vmem_shared>> -> memref<632x128xf32, #tpu.memory_space<vmem_shared>>
      tpu.wait_dma2 semaphore(%run_scoped3A : memref<!tpu.dma_semaphore, #tpu.memory_space<semaphore_mem>>) src(%arg4 : memref<632x128xf32, #tpu.memory_space<hbm>>) dst(%dma_wait3A_397 : memref<632x128xf32, #tpu.memory_space<vmem_shared>>)
      tpu.yield
    }) : () -> ()
    "tpu.region"() ({
      %run_scoped3A = tpu.sem_alloc : memref<!tpu.dma_semaphore, #tpu.memory_space<semaphore_mem>>
      %dma_start3A_394 = arith.constant 0 : i32
      %dma_start3A_395 = arith.constant 0 : i32
      %dma_start3A_396 = tpu.memref_slice %arg3[%add3A, %dma_start3A_394, %dma_start3A_395] : memref<32x80x128xi32, #tpu.memory_space<hbm>> -> memref<1x80x128xi32, #tpu.memory_space<hbm>>
      %dma_start3A_397 = tpu.memref_squeeze %dma_start3A_396 : memref<1x80x128xi32, #tpu.memory_space<hbm>> -> memref<80x128xi32, #tpu.memory_space<hbm>>
      %dma_start3A_398 = arith.constant 0 : i32
      %dma_start3A_399 = arith.constant 0 : i32
      %dma_start3A_400 = tpu.memref_slice %arg3[%add3A, %dma_start3A_398, %dma_start3A_399] : memref<32x80x128xi32, #tpu.memory_space<hbm>> -> memref<1x80x128xi32, #tpu.memory_space<hbm>>
      %dma_start3A_401 = tpu.memref_squeeze %dma_start3A_400 : memref<1x80x128xi32, #tpu.memory_space<hbm>> -> memref<80x128xi32, #tpu.memory_space<hbm>>
      tpu.enqueue_dma source(%dma_start3A_401 : memref<80x128xi32, #tpu.memory_space<hbm>>) target(%arg6 : memref<80x128xi32, #tpu.memory_space<vmem>>) target_semaphore(%run_scoped3A : memref<!tpu.dma_semaphore, #tpu.memory_space<semaphore_mem>>)
      %dma_wait3A_402 = arith.constant 0 : i32
      %dma_wait3A_403 = arith.constant 0 : i32
      %dma_wait3A_404 = tpu.memref_slice %arg3[%add3A, %dma_wait3A_402, %dma_wait3A_403] : memref<32x80x128xi32, #tpu.memory_space<hbm>> -> memref<1x80x128xi32, #tpu.memory_space<hbm>>
      %dma_wait3A_405 = tpu.memref_squeeze %dma_wait3A_404 : memref<1x80x128xi32, #tpu.memory_space<hbm>> -> memref<80x128xi32, #tpu.memory_space<hbm>>
      %dma_wait3A_406 = arith.constant 0 : i32
      %dma_wait3A_407 = arith.constant 0 : i32
      %dma_wait3A_408 = tpu.memref_slice %arg3[%add3A, %dma_wait3A_406, %dma_wait3A_407] : memref<32x80x128xi32, #tpu.memory_space<hbm>> -> memref<1x80x128xi32, #tpu.memory_space<hbm>>
      %dma_wait3A_409 = tpu.memref_squeeze %dma_wait3A_408 : memref<1x80x128xi32, #tpu.memory_space<hbm>> -> memref<80x128xi32, #tpu.memory_space<hbm>>
      tpu.wait_dma2 semaphore(%run_scoped3A : memref<!tpu.dma_semaphore, #tpu.memory_space<semaphore_mem>>) src(%dma_wait3A_409 : memref<80x128xi32, #tpu.memory_space<hbm>>) dst(%arg6 : memref<80x128xi32, #tpu.memory_space<vmem>>)
      tpu.yield
    }) : () -> ()
    %barrier3A = arith.constant 0 : index
    tpu.barrier barrier_id(%barrier3A)
    %get3A = arith.constant 0 : i32
    %get3A_3 = arith.index_cast %get3A : i32 to index
    %get3A_4 = arith.constant 0 : index
    %get3A_5 = tpu.vector_load %arg6[%get3A_3, %get3A_4] {strides = array<i32>} : memref<80x128xi32, #tpu.memory_space<vmem>>, vector<16xi32>,
    %rem3A = arith.constant 16384 : i32
    %rem3A_6 = vector.broadcast %rem3A : i32 to vector<16xi32>
    %rem3A_7 = arith.remsi %get3A_5, %rem3A_6 : vector<16xi32>
    %swap3A = arith.constant 0 : i32
    %swap3A_8 = arith.index_cast %swap3A : i32 to index
    %swap3A_9 = arith.constant 0 : index
    %swap3A_10 = tpu.vector_load %arg7[%swap3A_8, %swap3A_9] {strides = array<i32>} : memref<2x128xi32, #tpu.memory_space<vmem>>, vector<16xi32>,
    tpu.vector_store %arg7[%swap3A_8, %swap3A_9], %rem3A_7 {strides = array<i32>} : memref<2x128xi32, #tpu.memory_space<vmem>>, vector<16xi32>,
    %jit3A = arith.constant 16384 : i32
    %div3A = vector.broadcast %jit3A : i32 to vector<16xi32>
    %div3A_11 = arith.divsi %get3A_5, %div3A : vector<16xi32>
    %sign3A = arith.constant 0 : i32
    %sign3A_12 = vector.broadcast %sign3A : i32 to vector<16xi32>
    %sign3A_13 = arith.cmpi sgt, %get3A_5, %sign3A_12 : vector<16xi32>
    %sign3A_14 = arith.extui %sign3A_13 : vector<16xi1> to vector<16xi32>
    %sign3A_15 = arith.constant 0 : i32
    %sign3A_16 = vector.broadcast %sign3A_15 : i32 to vector<16xi32>
    %sign3A_17 = arith.cmpi slt, %get3A_5, %sign3A_16 : vector<16xi32>
    %sign3A_18 = arith.extui %sign3A_17 : vector<16xi1> to vector<16xi32>
    %sign3A_19 = arith.subi %sign3A_14, %sign3A_18 : vector<16xi32>
    %sign3A_20 = arith.constant 0 : i32
    %sign3A_21 = arith.cmpi sgt, %jit3A, %sign3A_20 : i32
    %sign3A_22 = arith.extui %sign3A_21 : i1 to i32
    %sign3A_23 = arith.constant 0 : i32
    %sign3A_24 = arith.cmpi slt, %jit3A, %sign3A_23 : i32
    %sign3A_25 = arith.extui %sign3A_24 : i1 to i32
    %sign3A_26 = arith.subi %sign3A_22, %sign3A_25 : i32
    %ne3A = vector.broadcast %sign3A_26 : i32 to vector<16xi32>
    %ne3A_27 = arith.cmpi ne, %sign3A_19, %ne3A : vector<16xi32>
    %rem3A_28 = vector.broadcast %jit3A : i32 to vector<16xi32>
    %rem3A_29 = arith.remsi %get3A_5, %rem3A_28 : vector<16xi32>
    %ne3A_30 = arith.constant 0 : i32
    %ne3A_31 = vector.broadcast %ne3A_30 : i32 to vector<16xi32>
    %ne3A_32 = arith.cmpi ne, %rem3A_29, %ne3A_31 : vector<16xi32>
    %and3A = arith.andi %ne3A_27, %ne3A_32 : vector<16xi1>
    %sub3A = arith.constant 1 : i32
    %sub3A_33 = vector.broadcast %sub3A : i32 to vector<16xi32>
    %sub3A_34 = arith.subi %div3A_11, %sub3A_33 : vector<16xi32>
    %select_n3A = arith.select %and3A, %sub3A_34, %div3A_11 : vector<16xi1>, vector<16xi32>
    %swap3A_35 = arith.constant 0 : i32
    %swap3A_36 = arith.index_cast %swap3A_35 : i32 to index
    %swap3A_37 = arith.constant 0 : index
    %swap3A_38 = tpu.vector_load %arg8[%swap3A_36, %swap3A_37] {strides = array<i32>} : memref<2x128xi32, #tpu.memory_space<vmem>>, vector<16xi32>,
    tpu.vector_store %arg8[%swap3A_36, %swap3A_37], %select_n3A {strides = array<i32>} : memref<2x128xi32, #tpu.memory_space<vmem>>, vector<16xi32>,
    %get3A_39 = arith.constant 0 : i32
    %get3A_40 = arith.index_cast %get3A_39 : i32 to index
    %get3A_41 = arith.constant 16 : index
    %get3A_42 = tpu.vector_load %arg6[%get3A_40, %get3A_41] {strides = array<i32>} : memref<80x128xi32, #tpu.memory_space<vmem>>, vector<16xi32>,
    %rem3A_43 = arith.constant 16384 : i32
    %rem3A_44 = vector.broadcast %rem3A_43 : i32 to vector<16xi32>
    %rem3A_45 = arith.remsi %get3A_42, %rem3A_44 : vector<16xi32>
    %swap3A_46 = arith.constant 0 : i32
    %swap3A_47 = arith.index_cast %swap3A_46 : i32 to index
    %swap3A_48 = arith.constant 16 : index
    %swap3A_49 = tpu.vector_load %arg7[%swap3A_47, %swap3A_48] {strides = array<i32>} : memref<2x128xi32, #tpu.memory_space<vmem>>, vector<16xi32>,
    tpu.vector_store %arg7[%swap3A_47, %swap3A_48], %rem3A_45 {strides = array<i32>} : memref<2x128xi32, #tpu.memory_space<vmem>>, vector<16xi32>,
    %jit3A_50 = arith.constant 16384 : i32
    %div3A_51 = vector.broadcast %jit3A_50 : i32 to vector<16xi32>
    %div3A_52 = arith.divsi %get3A_42, %div3A_51 : vector<16xi32>
    %sign3A_53 = arith.constant 0 : i32
    %sign3A_54 = vector.broadcast %sign3A_53 : i32 to vector<16xi32>
    %sign3A_55 = arith.cmpi sgt, %get3A_42, %sign3A_54 : vector<16xi32>
    %sign3A_56 = arith.extui %sign3A_55 : vector<16xi1> to vector<16xi32>
    %sign3A_57 = arith.constant 0 : i32
    %sign3A_58 = vector.broadcast %sign3A_57 : i32 to vector<16xi32>
    %sign3A_59 = arith.cmpi slt, %get3A_42, %sign3A_58 : vector<16xi32>
    %sign3A_60 = arith.extui %sign3A_59 : vector<16xi1> to vector<16xi32>
    %sign3A_61 = arith.subi %sign3A_56, %sign3A_60 : vector<16xi32>
    %sign3A_62 = arith.constant 0 : i32
    %sign3A_63 = arith.cmpi sgt, %jit3A_50, %sign3A_62 : i32
    %sign3A_64 = arith.extui %sign3A_63 : i1 to i32
    %sign3A_65 = arith.constant 0 : i32
    %sign3A_66 = arith.cmpi slt, %jit3A_50, %sign3A_65 : i32
    %sign3A_67 = arith.extui %sign3A_66 : i1 to i32
    %sign3A_68 = arith.subi %sign3A_64, %sign3A_67 : i32
    %ne3A_69 = vector.broadcast %sign3A_68 : i32 to vector<16xi32>
    %ne3A_70 = arith.cmpi ne, %sign3A_61, %ne3A_69 : vector<16xi32>
    %rem3A_71 = vector.broadcast %jit3A_50 : i32 to vector<16xi32>
    %rem3A_72 = arith.remsi %get3A_42, %rem3A_71 : vector<16xi32>
    %ne3A_73 = arith.constant 0 : i32
    %ne3A_74 = vector.broadcast %ne3A_73 : i32 to vector<16xi32>
    %ne3A_75 = arith.cmpi ne, %rem3A_72, %ne3A_74 : vector<16xi32>
    %and3A_76 = arith.andi %ne3A_70, %ne3A_75 : vector<16xi1>
    %sub3A_77 = arith.constant 1 : i32
    %sub3A_78 = vector.broadcast %sub3A_77 : i32 to vector<16xi32>
    %sub3A_79 = arith.subi %div3A_52, %sub3A_78 : vector<16xi32>
    %select_n3A_80 = arith.select %and3A_76, %sub3A_79, %div3A_52 : vector<16xi1>, vector<16xi32>
    %swap3A_81 = arith.constant 0 : i32
    %swap3A_82 = arith.index_cast %swap3A_81 : i32 to index
    %swap3A_83 = arith.constant 16 : index
    %swap3A_84 = tpu.vector_load %arg8[%swap3A_82, %swap3A_83] {strides = array<i32>} : memref<2x128xi32, #tpu.memory_space<vmem>>, vector<16xi32>,
    tpu.vector_store %arg8[%swap3A_82, %swap3A_83], %select_n3A_80 {strides = array<i32>} : memref<2x128xi32, #tpu.memory_space<vmem>>, vector<16xi32>,
    %get3A_85 = arith.constant 0 : i32
    %get3A_86 = arith.index_cast %get3A_85 : i32 to index
    %get3A_87 = arith.constant 32 : index
    %get3A_88 = tpu.vector_load %arg6[%get3A_86, %get3A_87] {strides = array<i32>} : memref<80x128xi32, #tpu.memory_space<vmem>>, vector<16xi32>,
    %rem3A_89 = arith.constant 16384 : i32
    %rem3A_90 = vector.broadcast %rem3A_89 : i32 to vector<16xi32>
    %rem3A_91 = arith.remsi %get3A_88, %rem3A_90 : vector<16xi32>
    %swap3A_92 = arith.constant 0 : i32
    %swap3A_93 = arith.index_cast %swap3A_92 : i32 to index
    %swap3A_94 = arith.constant 32 : index
    %swap3A_95 = tpu.vector_load %arg7[%swap3A_93, %swap3A_94] {strides = array<i32>} : memref<2x128xi32, #tpu.memory_space<vmem>>, vector<16xi32>,
    tpu.vector_store %arg7[%swap3A_93, %swap3A_94], %rem3A_91 {strides = array<i32>} : memref<2x128xi32, #tpu.memory_space<vmem>>, vector<16xi32>,
    %jit3A_96 = arith.constant 16384 : i32
    %div3A_97 = vector.broadcast %jit3A_96 : i32 to vector<16xi32>
    %div3A_98 = arith.divsi %get3A_88, %div3A_97 : vector<16xi32>
    %sign3A_99 = arith.constant 0 : i32
    %sign3A_100 = vector.broadcast %sign3A_99 : i32 to vector<16xi32>
    %sign3A_101 = arith.cmpi sgt, %get3A_88, %sign3A_100 : vector<16xi32>
    %sign3A_102 = arith.extui %sign3A_101 : vector<16xi1> to vector<16xi32>
    %sign3A_103 = arith.constant 0 : i32
    %sign3A_104 = vector.broadcast %sign3A_103 : i32 to vector<16xi32>
    %sign3A_105 = arith.cmpi slt, %get3A_88, %sign3A_104 : vector<16xi32>
    %sign3A_106 = arith.extui %sign3A_105 : vector<16xi1> to vector<16xi32>
    %sign3A_107 = arith.subi %sign3A_102, %sign3A_106 : vector<16xi32>
    %sign3A_108 = arith.constant 0 : i32
    %sign3A_109 = arith.cmpi sgt, %jit3A_96, %sign3A_108 : i32
    %sign3A_110 = arith.extui %sign3A_109 : i1 to i32
    %sign3A_111 = arith.constant 0 : i32
    %sign3A_112 = arith.cmpi slt, %jit3A_96, %sign3A_111 : i32
    %sign3A_113 = arith.extui %sign3A_112 : i1 to i32
    %sign3A_114 = arith.subi %sign3A_110, %sign3A_113 : i32
    %ne3A_115 = vector.broadcast %sign3A_114 : i32 to vector<16xi32>
    %ne3A_116 = arith.cmpi ne, %sign3A_107, %ne3A_115 : vector<16xi32>
    %rem3A_117 = vector.broadcast %jit3A_96 : i32 to vector<16xi32>
    %rem3A_118 = arith.remsi %get3A_88, %rem3A_117 : vector<16xi32>
    %ne3A_119 = arith.constant 0 : i32
    %ne3A_120 = vector.broadcast %ne3A_119 : i32 to vector<16xi32>
    %ne3A_121 = arith.cmpi ne, %rem3A_118, %ne3A_120 : vector<16xi32>
    %and3A_122 = arith.andi %ne3A_116, %ne3A_121 : vector<16xi1>
    %sub3A_123 = arith.constant 1 : i32
    %sub3A_124 = vector.broadcast %sub3A_123 : i32 to vector<16xi32>
    %sub3A_125 = arith.subi %div3A_98, %sub3A_124 : vector<16xi32>
    %select_n3A_126 = arith.select %and3A_122, %sub3A_125, %div3A_98 : vector<16xi1>, vector<16xi32>
    %swap3A_127 = arith.constant 0 : i32
    %swap3A_128 = arith.index_cast %swap3A_127 : i32 to index
    %swap3A_129 = arith.constant 32 : index
    %swap3A_130 = tpu.vector_load %arg8[%swap3A_128, %swap3A_129] {strides = array<i32>} : memref<2x128xi32, #tpu.memory_space<vmem>>, vector<16xi32>,
    tpu.vector_store %arg8[%swap3A_128, %swap3A_129], %select_n3A_126 {strides = array<i32>} : memref<2x128xi32, #tpu.memory_space<vmem>>, vector<16xi32>,
    %get3A_131 = arith.constant 0 : i32
    %get3A_132 = arith.index_cast %get3A_131 : i32 to index
    %get3A_133 = arith.constant 48 : index
    %get3A_134 = tpu.vector_load %arg6[%get3A_132, %get3A_133] {strides = array<i32>} : memref<80x128xi32, #tpu.memory_space<vmem>>, vector<16xi32>,
    %rem3A_135 = arith.constant 16384 : i32
    %rem3A_136 = vector.broadcast %rem3A_135 : i32 to vector<16xi32>
    %rem3A_137 = arith.remsi %get3A_134, %rem3A_136 : vector<16xi32>
    %swap3A_138 = arith.constant 0 : i32
    %swap3A_139 = arith.index_cast %swap3A_138 : i32 to index
    %swap3A_140 = arith.constant 48 : index
    %swap3A_141 = tpu.vector_load %arg7[%swap3A_139, %swap3A_140] {strides = array<i32>} : memref<2x128xi32, #tpu.memory_space<vmem>>, vector<16xi32>,
    tpu.vector_store %arg7[%swap3A_139, %swap3A_140], %rem3A_137 {strides = array<i32>} : memref<2x128xi32, #tpu.memory_space<vmem>>, vector<16xi32>,
    %jit3A_142 = arith.constant 16384 : i32
    %div3A_143 = vector.broadcast %jit3A_142 : i32 to vector<16xi32>
    %div3A_144 = arith.divsi %get3A_134, %div3A_143 : vector<16xi32>
    %sign3A_145 = arith.constant 0 : i32
    %sign3A_146 = vector.broadcast %sign3A_145 : i32 to vector<16xi32>
    %sign3A_147 = arith.cmpi sgt, %get3A_134, %sign3A_146 : vector<16xi32>
    %sign3A_148 = arith.extui %sign3A_147 : vector<16xi1> to vector<16xi32>
    %sign3A_149 = arith.constant 0 : i32
    %sign3A_150 = vector.broadcast %sign3A_149 : i32 to vector<16xi32>
    %sign3A_151 = arith.cmpi slt, %get3A_134, %sign3A_150 : vector<16xi32>
    %sign3A_152 = arith.extui %sign3A_151 : vector<16xi1> to vector<16xi32>
    %sign3A_153 = arith.subi %sign3A_148, %sign3A_152 : vector<16xi32>
    %sign3A_154 = arith.constant 0 : i32
    %sign3A_155 = arith.cmpi sgt, %jit3A_142, %sign3A_154 : i32
    %sign3A_156 = arith.extui %sign3A_155 : i1 to i32
    %sign3A_157 = arith.constant 0 : i32
    %sign3A_158 = arith.cmpi slt, %jit3A_142, %sign3A_157 : i32
    %sign3A_159 = arith.extui %sign3A_158 : i1 to i32
    %sign3A_160 = arith.subi %sign3A_156, %sign3A_159 : i32
    %ne3A_161 = vector.broadcast %sign3A_160 : i32 to vector<16xi32>
    %ne3A_162 = arith.cmpi ne, %sign3A_153, %ne3A_161 : vector<16xi32>
    %rem3A_163 = vector.broadcast %jit3A_142 : i32 to vector<16xi32>
    %rem3A_164 = arith.remsi %get3A_134, %rem3A_163 : vector<16xi32>
    %ne3A_165 = arith.constant 0 : i32
    %ne3A_166 = vector.broadcast %ne3A_165 : i32 to vector<16xi32>
    %ne3A_167 = arith.cmpi ne, %rem3A_164, %ne3A_166 : vector<16xi32>
    %and3A_168 = arith.andi %ne3A_162, %ne3A_167 : vector<16xi1>
    %sub3A_169 = arith.constant 1 : i32
    %sub3A_170 = vector.broadcast %sub3A_169 : i32 to vector<16xi32>
    %sub3A_171 = arith.subi %div3A_144, %sub3A_170 : vector<16xi32>
    %select_n3A_172 = arith.select %and3A_168, %sub3A_171, %div3A_144 : vector<16xi1>, vector<16xi32>
    %swap3A_173 = arith.constant 0 : i32
    %swap3A_174 = arith.index_cast %swap3A_173 : i32 to index
    %swap3A_175 = arith.constant 48 : index
    %swap3A_176 = tpu.vector_load %arg8[%swap3A_174, %swap3A_175] {strides = array<i32>} : memref<2x128xi32, #tpu.memory_space<vmem>>, vector<16xi32>,
    tpu.vector_store %arg8[%swap3A_174, %swap3A_175], %select_n3A_172 {strides = array<i32>} : memref<2x128xi32, #tpu.memory_space<vmem>>, vector<16xi32>,
    %get3A_177 = arith.constant 0 : i32
    %get3A_178 = arith.index_cast %get3A_177 : i32 to index
    %get3A_179 = arith.constant 64 : index
    %get3A_180 = tpu.vector_load %arg6[%get3A_178, %get3A_179] {strides = array<i32>} : memref<80x128xi32, #tpu.memory_space<vmem>>, vector<16xi32>,
    %rem3A_181 = arith.constant 16384 : i32
    %rem3A_182 = vector.broadcast %rem3A_181 : i32 to vector<16xi32>
    %rem3A_183 = arith.remsi %get3A_180, %rem3A_182 : vector<16xi32>
    %swap3A_184 = arith.constant 0 : i32
    %swap3A_185 = arith.index_cast %swap3A_184 : i32 to index
    %swap3A_186 = arith.constant 64 : index
    %swap3A_187 = tpu.vector_load %arg7[%swap3A_185, %swap3A_186] {strides = array<i32>} : memref<2x128xi32, #tpu.memory_space<vmem>>, vector<16xi32>,
    tpu.vector_store %arg7[%swap3A_185, %swap3A_186], %rem3A_183 {strides = array<i32>} : memref<2x128xi32, #tpu.memory_space<vmem>>, vector<16xi32>,
    %jit3A_188 = arith.constant 16384 : i32
    %div3A_189 = vector.broadcast %jit3A_188 : i32 to vector<16xi32>
    %div3A_190 = arith.divsi %get3A_180, %div3A_189 : vector<16xi32>
    %sign3A_191 = arith.constant 0 : i32
    %sign3A_192 = vector.broadcast %sign3A_191 : i32 to vector<16xi32>
    %sign3A_193 = arith.cmpi sgt, %get3A_180, %sign3A_192 : vector<16xi32>
    %sign3A_194 = arith.extui %sign3A_193 : vector<16xi1> to vector<16xi32>
    %sign3A_195 = arith.constant 0 : i32
    %sign3A_196 = vector.broadcast %sign3A_195 : i32 to vector<16xi32>
    %sign3A_197 = arith.cmpi slt, %get3A_180, %sign3A_196 : vector<16xi32>
    %sign3A_198 = arith.extui %sign3A_197 : vector<16xi1> to vector<16xi32>
    %sign3A_199 = arith.subi %sign3A_194, %sign3A_198 : vector<16xi32>
    %sign3A_200 = arith.constant 0 : i32
    %sign3A_201 = arith.cmpi sgt, %jit3A_188, %sign3A_200 : i32
    %sign3A_202 = arith.extui %sign3A_201 : i1 to i32
    %sign3A_203 = arith.constant 0 : i32
    %sign3A_204 = arith.cmpi slt, %jit3A_188, %sign3A_203 : i32
    %sign3A_205 = arith.extui %sign3A_204 : i1 to i32
    %sign3A_206 = arith.subi %sign3A_202, %sign3A_205 : i32
    %ne3A_207 = vector.broadcast %sign3A_206 : i32 to vector<16xi32>
    %ne3A_208 = arith.cmpi ne, %sign3A_199, %ne3A_207 : vector<16xi32>
    %rem3A_209 = vector.broadcast %jit3A_188 : i32 to vector<16xi32>
    %rem3A_210 = arith.remsi %get3A_180, %rem3A_209 : vector<16xi32>
    %ne3A_211 = arith.constant 0 : i32
    %ne3A_212 = vector.broadcast %ne3A_211 : i32 to vector<16xi32>
    %ne3A_213 = arith.cmpi ne, %rem3A_210, %ne3A_212 : vector<16xi32>
    %and3A_214 = arith.andi %ne3A_208, %ne3A_213 : vector<16xi1>
    %sub3A_215 = arith.constant 1 : i32
    %sub3A_216 = vector.broadcast %sub3A_215 : i32 to vector<16xi32>
    %sub3A_217 = arith.subi %div3A_190, %sub3A_216 : vector<16xi32>
    %select_n3A_218 = arith.select %and3A_214, %sub3A_217, %div3A_190 : vector<16xi1>, vector<16xi32>
    %swap3A_219 = arith.constant 0 : i32
    %swap3A_220 = arith.index_cast %swap3A_219 : i32 to index
    %swap3A_221 = arith.constant 64 : index
    %swap3A_222 = tpu.vector_load %arg8[%swap3A_220, %swap3A_221] {strides = array<i32>} : memref<2x128xi32, #tpu.memory_space<vmem>>, vector<16xi32>,
    tpu.vector_store %arg8[%swap3A_220, %swap3A_221], %select_n3A_218 {strides = array<i32>} : memref<2x128xi32, #tpu.memory_space<vmem>>, vector<16xi32>,
    %get3A_223 = arith.constant 0 : i32
    %get3A_224 = arith.index_cast %get3A_223 : i32 to index
    %get3A_225 = arith.constant 80 : index
    %get3A_226 = tpu.vector_load %arg6[%get3A_224, %get3A_225] {strides = array<i32>} : memref<80x128xi32, #tpu.memory_space<vmem>>, vector<16xi32>,
    %rem3A_227 = arith.constant 16384 : i32
    %rem3A_228 = vector.broadcast %rem3A_227 : i32 to vector<16xi32>
    %rem3A_229 = arith.remsi %get3A_226, %rem3A_228 : vector<16xi32>
    %swap3A_230 = arith.constant 0 : i32
    %swap3A_231 = arith.index_cast %swap3A_230 : i32 to index
    %swap3A_232 = arith.constant 80 : index
    %swap3A_233 = tpu.vector_load %arg7[%swap3A_231, %swap3A_232] {strides = array<i32>} : memref<2x128xi32, #tpu.memory_space<vmem>>, vector<16xi32>,
    tpu.vector_store %arg7[%swap3A_231, %swap3A_232], %rem3A_229 {strides = array<i32>} : memref<2x128xi32, #tpu.memory_space<vmem>>, vector<16xi32>,
    %jit3A_234 = arith.constant 16384 : i32
    %div3A_235 = vector.broadcast %jit3A_234 : i32 to vector<16xi32>
    %div3A_236 = arith.divsi %get3A_226, %div3A_235 : vector<16xi32>
    %sign3A_237 = arith.constant 0 : i32
    %sign3A_238 = vector.broadcast %sign3A_237 : i32 to vector<16xi32>
    %sign3A_239 = arith.cmpi sgt, %get3A_226, %sign3A_238 : vector<16xi32>
    %sign3A_240 = arith.extui %sign3A_239 : vector<16xi1> to vector<16xi32>
    %sign3A_241 = arith.constant 0 : i32
    %sign3A_242 = vector.broadcast %sign3A_241 : i32 to vector<16xi32>
    %sign3A_243 = arith.cmpi slt, %get3A_226, %sign3A_242 : vector<16xi32>
    %sign3A_244 = arith.extui %sign3A_243 : vector<16xi1> to vector<16xi32>
    %sign3A_245 = arith.subi %sign3A_240, %sign3A_244 : vector<16xi32>
    %sign3A_246 = arith.constant 0 : i32
    %sign3A_247 = arith.cmpi sgt, %jit3A_234, %sign3A_246 : i32
    %sign3A_248 = arith.extui %sign3A_247 : i1 to i32
    %sign3A_249 = arith.constant 0 : i32
    %sign3A_250 = arith.cmpi slt, %jit3A_234, %sign3A_249 : i32
    %sign3A_251 = arith.extui %sign3A_250 : i1 to i32
    %sign3A_252 = arith.subi %sign3A_248, %sign3A_251 : i32
    %ne3A_253 = vector.broadcast %sign3A_252 : i32 to vector<16xi32>
    %ne3A_254 = arith.cmpi ne, %sign3A_245, %ne3A_253 : vector<16xi32>
    %rem3A_255 = vector.broadcast %jit3A_234 : i32 to vector<16xi32>
    %rem3A_256 = arith.remsi %get3A_226, %rem3A_255 : vector<16xi32>
    %ne3A_257 = arith.constant 0 : i32
    %ne3A_258 = vector.broadcast %ne3A_257 : i32 to vector<16xi32>
    %ne3A_259 = arith.cmpi ne, %rem3A_256, %ne3A_258 : vector<16xi32>
    %and3A_260 = arith.andi %ne3A_254, %ne3A_259 : vector<16xi1>
    %sub3A_261 = arith.constant 1 : i32
    %sub3A_262 = vector.broadcast %sub3A_261 : i32 to vector<16xi32>
    %sub3A_263 = arith.subi %div3A_236, %sub3A_262 : vector<16xi32>
    %select_n3A_264 = arith.select %and3A_260, %sub3A_263, %div3A_236 : vector<16xi1>, vector<16xi32>
    %swap3A_265 = arith.constant 0 : i32
    %swap3A_266 = arith.index_cast %swap3A_265 : i32 to index
    %swap3A_267 = arith.constant 80 : index
    %swap3A_268 = tpu.vector_load %arg8[%swap3A_266, %swap3A_267] {strides = array<i32>} : memref<2x128xi32, #tpu.memory_space<vmem>>, vector<16xi32>,
    tpu.vector_store %arg8[%swap3A_266, %swap3A_267], %select_n3A_264 {strides = array<i32>} : memref<2x128xi32, #tpu.memory_space<vmem>>, vector<16xi32>,
    %get3A_269 = arith.constant 0 : i32
    %get3A_270 = arith.index_cast %get3A_269 : i32 to index
    %get3A_271 = arith.constant 96 : index
    %get3A_272 = tpu.vector_load %arg6[%get3A_270, %get3A_271] {strides = array<i32>} : memref<80x128xi32, #tpu.memory_space<vmem>>, vector<16xi32>,
    %rem3A_273 = arith.constant 16384 : i32
    %rem3A_274 = vector.broadcast %rem3A_273 : i32 to vector<16xi32>
    %rem3A_275 = arith.remsi %get3A_272, %rem3A_274 : vector<16xi32>
    %swap3A_276 = arith.constant 0 : i32
    %swap3A_277 = arith.index_cast %swap3A_276 : i32 to index
    %swap3A_278 = arith.constant 96 : index
    %swap3A_279 = tpu.vector_load %arg7[%swap3A_277, %swap3A_278] {strides = array<i32>} : memref<2x128xi32, #tpu.memory_space<vmem>>, vector<16xi32>,
    tpu.vector_store %arg7[%swap3A_277, %swap3A_278], %rem3A_275 {strides = array<i32>} : memref<2x128xi32, #tpu.memory_space<vmem>>, vector<16xi32>,
    %jit3A_280 = arith.constant 16384 : i32
    %div3A_281 = vector.broadcast %jit3A_280 : i32 to vector<16xi32>
    %div3A_282 = arith.divsi %get3A_272, %div3A_281 : vector<16xi32>
    %sign3A_283 = arith.constant 0 : i32
    %sign3A_284 = vector.broadcast %sign3A_283 : i32 to vector<16xi32>
    %sign3A_285 = arith.cmpi sgt, %get3A_272, %sign3A_284 : vector<16xi32>
    %sign3A_286 = arith.extui %sign3A_285 : vector<16xi1> to vector<16xi32>
    %sign3A_287 = arith.constant 0 : i32
    %sign3A_288 = vector.broadcast %sign3A_287 : i32 to vector<16xi32>
    %sign3A_289 = arith.cmpi slt, %get3A_272, %sign3A_288 : vector<16xi32>
    %sign3A_290 = arith.extui %sign3A_289 : vector<16xi1> to vector<16xi32>
    %sign3A_291 = arith.subi %sign3A_286, %sign3A_290 : vector<16xi32>
    %sign3A_292 = arith.constant 0 : i32
    %sign3A_293 = arith.cmpi sgt, %jit3A_280, %sign3A_292 : i32
    %sign3A_294 = arith.extui %sign3A_293 : i1 to i32
    %sign3A_295 = arith.constant 0 : i32
    %sign3A_296 = arith.cmpi slt, %jit3A_280, %sign3A_295 : i32
    %sign3A_297 = arith.extui %sign3A_296 : i1 to i32
    %sign3A_298 = arith.subi %sign3A_294, %sign3A_297 : i32
    %ne3A_299 = vector.broadcast %sign3A_298 : i32 to vector<16xi32>
    %ne3A_300 = arith.cmpi ne, %sign3A_291, %ne3A_299 : vector<16xi32>
    %rem3A_301 = vector.broadcast %jit3A_280 : i32 to vector<16xi32>
    %rem3A_302 = arith.remsi %get3A_272, %rem3A_301 : vector<16xi32>
    %ne3A_303 = arith.constant 0 : i32
    %ne3A_304 = vector.broadcast %ne3A_303 : i32 to vector<16xi32>
    %ne3A_305 = arith.cmpi ne, %rem3A_302, %ne3A_304 : vector<16xi32>
    %and3A_306 = arith.andi %ne3A_300, %ne3A_305 : vector<16xi1>
    %sub3A_307 = arith.constant 1 : i32
    %sub3A_308 = vector.broadcast %sub3A_307 : i32 to vector<16xi32>
    %sub3A_309 = arith.subi %div3A_282, %sub3A_308 : vector<16xi32>
    %select_n3A_310 = arith.select %and3A_306, %sub3A_309, %div3A_282 : vector<16xi1>, vector<16xi32>
    %swap3A_311 = arith.constant 0 : i32
    %swap3A_312 = arith.index_cast %swap3A_311 : i32 to index
    %swap3A_313 = arith.constant 96 : index
    %swap3A_314 = tpu.vector_load %arg8[%swap3A_312, %swap3A_313] {strides = array<i32>} : memref<2x128xi32, #tpu.memory_space<vmem>>, vector<16xi32>,
    tpu.vector_store %arg8[%swap3A_312, %swap3A_313], %select_n3A_310 {strides = array<i32>} : memref<2x128xi32, #tpu.memory_space<vmem>>, vector<16xi32>,
    %get3A_315 = arith.constant 0 : i32
    %get3A_316 = arith.index_cast %get3A_315 : i32 to index
    %get3A_317 = arith.constant 112 : index
    %get3A_318 = tpu.vector_load %arg6[%get3A_316, %get3A_317] {strides = array<i32>} : memref<80x128xi32, #tpu.memory_space<vmem>>, vector<16xi32>,
    %rem3A_319 = arith.constant 16384 : i32
    %rem3A_320 = vector.broadcast %rem3A_319 : i32 to vector<16xi32>
    %rem3A_321 = arith.remsi %get3A_318, %rem3A_320 : vector<16xi32>
    %swap3A_322 = arith.constant 0 : i32
    %swap3A_323 = arith.index_cast %swap3A_322 : i32 to index
    %swap3A_324 = arith.constant 112 : index
    %swap3A_325 = tpu.vector_load %arg7[%swap3A_323, %swap3A_324] {strides = array<i32>} : memref<2x128xi32, #tpu.memory_space<vmem>>, vector<16xi32>,
    tpu.vector_store %arg7[%swap3A_323, %swap3A_324], %rem3A_321 {strides = array<i32>} : memref<2x128xi32, #tpu.memory_space<vmem>>, vector<16xi32>,
    %jit3A_326 = arith.constant 16384 : i32
    %div3A_327 = vector.broadcast %jit3A_326 : i32 to vector<16xi32>
    %div3A_328 = arith.divsi %get3A_318, %div3A_327 : vector<16xi32>
    %sign3A_329 = arith.constant 0 : i32
    %sign3A_330 = vector.broadcast %sign3A_329 : i32 to vector<16xi32>
    %sign3A_331 = arith.cmpi sgt, %get3A_318, %sign3A_330 : vector<16xi32>
    %sign3A_332 = arith.extui %sign3A_331 : vector<16xi1> to vector<16xi32>
    %sign3A_333 = arith.constant 0 : i32
    %sign3A_334 = vector.broadcast %sign3A_333 : i32 to vector<16xi32>
    %sign3A_335 = arith.cmpi slt, %get3A_318, %sign3A_334 : vector<16xi32>
    %sign3A_336 = arith.extui %sign3A_335 : vector<16xi1> to vector<16xi32>
    %sign3A_337 = arith.subi %sign3A_332, %sign3A_336 : vector<16xi32>
    %sign3A_338 = arith.constant 0 : i32
    %sign3A_339 = arith.cmpi sgt, %jit3A_326, %sign3A_338 : i32
    %sign3A_340 = arith.extui %sign3A_339 : i1 to i32
    %sign3A_341 = arith.constant 0 : i32
    %sign3A_342 = arith.cmpi slt, %jit3A_326, %sign3A_341 : i32
    %sign3A_343 = arith.extui %sign3A_342 : i1 to i32
    %sign3A_344 = arith.subi %sign3A_340, %sign3A_343 : i32
    %ne3A_345 = vector.broadcast %sign3A_344 : i32 to vector<16xi32>
    %ne3A_346 = arith.cmpi ne, %sign3A_337, %ne3A_345 : vector<16xi32>
    %rem3A_347 = vector.broadcast %jit3A_326 : i32 to vector<16xi32>
    %rem3A_348 = arith.remsi %get3A_318, %rem3A_347 : vector<16xi32>
    %ne3A_349 = arith.constant 0 : i32
    %ne3A_350 = vector.broadcast %ne3A_349 : i32 to vector<16xi32>
    %ne3A_351 = arith.cmpi ne, %rem3A_348, %ne3A_350 : vector<16xi32>
    %and3A_352 = arith.andi %ne3A_346, %ne3A_351 : vector<16xi1>
    %sub3A_353 = arith.constant 1 : i32
    %sub3A_354 = vector.broadcast %sub3A_353 : i32 to vector<16xi32>
    %sub3A_355 = arith.subi %div3A_328, %sub3A_354 : vector<16xi32>
    %select_n3A_356 = arith.select %and3A_352, %sub3A_355, %div3A_328 : vector<16xi1>, vector<16xi32>
    %swap3A_357 = arith.constant 0 : i32
    %swap3A_358 = arith.index_cast %swap3A_357 : i32 to index
    %swap3A_359 = arith.constant 112 : index
    %swap3A_360 = tpu.vector_load %arg8[%swap3A_358, %swap3A_359] {strides = array<i32>} : memref<2x128xi32, #tpu.memory_space<vmem>>, vector<16xi32>,
    tpu.vector_store %arg8[%swap3A_358, %swap3A_359], %select_n3A_356 {strides = array<i32>} : memref<2x128xi32, #tpu.memory_space<vmem>>, vector<16xi32>,
    %dma_start3A = arith.constant 0 : i32
    %dma_start3A_361 = arith.constant 0 : i32
    %dma_start3A_362 = arith.constant 0 : i32
    %dma_start3A_363 = arith.constant 0 : i32
    %dma_start3A_364 = tpu.memref_slice %arg9[%dma_start3A_361, %dma_start3A_362, %dma_start3A_363] : memref<2x128x128xf32, #tpu.memory_space<vmem>> -> memref<1x128x128xf32, #tpu.memory_space<vmem>>
    %dma_start3A_365 = tpu.memref_squeeze %dma_start3A_364 : memref<1x128x128xf32, #tpu.memory_space<vmem>> -> memref<128x128xf32, #tpu.memory_space<vmem>>
    %dma_start3A_366 = arith.constant 0 : i32
    %dma_start3A_367 = tpu.memref_slice %arg7[%dma_start3A, %dma_start3A_366] : memref<2x128xi32, #tpu.memory_space<vmem>> -> memref<1x128xi32, #tpu.memory_space<vmem>>
    %dma_start3A_368 = tpu.memref_squeeze %dma_start3A_367 : memref<1x128xi32, #tpu.memory_space<vmem>> -> memref<128xi32, #tpu.memory_space<vmem>>
    %dma_start3A_369 = arith.constant 0 : i32
    %dma_start3A_370 = arith.constant 0 : i32
    %dma_start3A_371 = tpu.memref_slice %arg2[%dma_start3A_369, %dma_start3A_370] : memref<10112x128xf32, #tpu.memory_space<hbm>> -> memref<10112x128xf32, #tpu.memory_space<hbm>>
    tpu.enqueue_indirect_dma source(%dma_start3A_371 : memref<10112x128xf32, #tpu.memory_space<hbm>>) target(%dma_start3A_365 : memref<128x128xf32, #tpu.memory_space<vmem>>) offsets(%dma_start3A_368 : memref<128xi32, #tpu.memory_space<vmem>>) semaphore(%arg11 : memref<!tpu.dma_semaphore, #tpu.memory_space<semaphore_mem>>)
    %scan3A = arith.constant 0 : i32
    %scan3A_372 = arith.constant 0 : i32
    %scan3A_373 = arith.constant 80 : i32
    %scan3A_374 = arith.addi %scan3A_372, %scan3A_373 : i32
    %scan3A_375 = arith.constant 1 : i32
    scf.for %scan3A_394 = %scan3A_372 to %scan3A_374 step %scan3A_375  : i32 {
      %jit3A_395 = arith.constant 2 : i32
      %eq3A = arith.constant 0 : i32
      %eq3A_396 = arith.cmpi eq, %jit3A_395, %eq3A : i32
      %jit3A_397 = arith.constant 1 : i32
      %select_n3A_398 = arith.select %eq3A_396, %jit3A_397, %jit3A_395 : i32
      %rem3A_399 = arith.remsi %scan3A_394, %select_n3A_398 : i32
      %ne3A_400 = arith.constant 0 : i32
      %ne3A_401 = arith.cmpi ne, %rem3A_399, %ne3A_400 : i32
      %lt3A = arith.constant 0 : i32
      %lt3A_402 = arith.cmpi slt, %rem3A_399, %lt3A : i32
      %lt3A_403 = arith.constant 0 : i32
      %lt3A_404 = arith.cmpi slt, %select_n3A_398, %lt3A_403 : i32
      %ne3A_405 = arith.xori %lt3A_402, %lt3A_404 : i1
      %and3A_406 = arith.andi %ne3A_405, %ne3A_401 : i1
      %add3A_407 = arith.addi %rem3A_399, %select_n3A_398 : i32
      %select_n3A_408 = arith.select %and3A_406, %add3A_407, %rem3A_399 : i32
      %ge3A = arith.constant 1 : i32
      %ge3A_409 = arith.cmpi sge, %scan3A_394, %ge3A : i32
      %convert_element_type3A = arith.extui %ge3A_409 : i1 to i32
      %cond3A = arith.constant 0 : i32
      %cond3A_410 = arith.cmpi ne, %convert_element_type3A, %cond3A : i32
      scf.if %cond3A_410 {
        %sub3A_438 = arith.constant 1 : i32
        %sub3A_439 = arith.subi %sub3A_438, %select_n3A_408 : i32
        %sub3A_440 = arith.constant 1 : i32
        %sub3A_441 = arith.subi %sub3A_440, %select_n3A_408 : i32
        %dma_wait3A_442 = arith.constant 0 : i32
        %dma_wait3A_443 = arith.constant 0 : i32
        %dma_wait3A_444 = tpu.memref_slice %arg9[%sub3A_439, %dma_wait3A_442, %dma_wait3A_443] : memref<2x128x128xf32, #tpu.memory_space<vmem>> -> memref<1x128x128xf32, #tpu.memory_space<vmem>>
        %dma_wait3A_445 = tpu.memref_squeeze %dma_wait3A_444 : memref<1x128x128xf32, #tpu.memory_space<vmem>> -> memref<128x128xf32, #tpu.memory_space<vmem>>
        %dma_wait3A_446 = arith.constant 0 : i32
        %dma_wait3A_447 = tpu.memref_slice %arg8[%sub3A_441, %dma_wait3A_446] : memref<2x128xi32, #tpu.memory_space<vmem>> -> memref<1x128xi32, #tpu.memory_space<vmem>>
        %dma_wait3A_448 = tpu.memref_squeeze %dma_wait3A_447 : memref<1x128xi32, #tpu.memory_space<vmem>> -> memref<128xi32, #tpu.memory_space<vmem>>
        %dma_wait3A_449 = arith.constant 0 : i32
        %dma_wait3A_450 = arith.constant 0 : i32
        %dma_wait3A_451 = tpu.memref_slice %arg10[%dma_wait3A_449, %dma_wait3A_450] : memref<10112x128xf32, #tpu.memory_space<vmem_shared>> -> memref<10112x128xf32, #tpu.memory_space<vmem_shared>>
        tpu.wait_indirect_dma semaphore(%arg12 : memref<!tpu.dma_semaphore, #tpu.memory_space<semaphore_mem>>) src(%dma_wait3A_445 : memref<128x128xf32, #tpu.memory_space<vmem>>) dst(%dma_wait3A_451 : memref<10112x128xf32, #tpu.memory_space<vmem_shared>>)
      } else {
      }
      %add3A_411 = arith.constant 1 : i32
      %add3A_412 = arith.addi %scan3A_394, %add3A_411 : i32
      %lt3A_413 = arith.constant 80 : i32
      %lt3A_414 = arith.cmpi slt, %add3A_412, %lt3A_413 : i32
      %convert_element_type3A_415 = arith.extui %lt3A_414 : i1 to i32
      %cond3A_416 = arith.constant 0 : i32
      %cond3A_417 = arith.cmpi ne, %convert_element_type3A_415, %cond3A_416 : i32
      scf.if %cond3A_417 {
        %add3A_438 = arith.constant 1 : i32
        %add3A_439 = arith.addi %scan3A_394, %add3A_438 : i32
        %sub3A_440 = arith.constant 1 : i32
        %sub3A_441 = arith.subi %sub3A_440, %select_n3A_408 : i32
        %get3A_442 = arith.index_cast %add3A_439 : i32 to index
        %get3A_443 = arith.constant 0 : index
        %get3A_444 = tpu.vector_load %arg6[%get3A_442, %get3A_443] {strides = array<i32>} : memref<80x128xi32, #tpu.memory_space<vmem>>, vector<16xi32>,
        %rem3A_445 = arith.constant 16384 : i32
        %rem3A_446 = vector.broadcast %rem3A_445 : i32 to vector<16xi32>
        %rem3A_447 = arith.remsi %get3A_444, %rem3A_446 : vector<16xi32>
        %swap3A_448 = arith.index_cast %sub3A_441 : i32 to index
        %swap3A_449 = arith.constant 0 : index
        %swap3A_450 = tpu.vector_load %arg7[%swap3A_448, %swap3A_449] {strides = array<i32>} : memref<2x128xi32, #tpu.memory_space<vmem>>, vector<16xi32>,
        tpu.vector_store %arg7[%swap3A_448, %swap3A_449], %rem3A_447 {strides = array<i32>} : memref<2x128xi32, #tpu.memory_space<vmem>>, vector<16xi32>,
        %jit3A_451 = arith.constant 16384 : i32
        %div3A_452 = vector.broadcast %jit3A_451 : i32 to vector<16xi32>
        %div3A_453 = arith.divsi %get3A_444, %div3A_452 : vector<16xi32>
        %sign3A_454 = arith.constant 0 : i32
        %sign3A_455 = vector.broadcast %sign3A_454 : i32 to vector<16xi32>
        %sign3A_456 = arith.cmpi sgt, %get3A_444, %sign3A_455 : vector<16xi32>
        %sign3A_457 = arith.extui %sign3A_456 : vector<16xi1> to vector<16xi32>
        %sign3A_458 = arith.constant 0 : i32
        %sign3A_459 = vector.broadcast %sign3A_458 : i32 to vector<16xi32>
        %sign3A_460 = arith.cmpi slt, %get3A_444, %sign3A_459 : vector<16xi32>
        %sign3A_461 = arith.extui %sign3A_460 : vector<16xi1> to vector<16xi32>
        %sign3A_462 = arith.subi %sign3A_457, %sign3A_461 : vector<16xi32>
        %sign3A_463 = arith.constant 0 : i32
        %sign3A_464 = arith.cmpi sgt, %jit3A_451, %sign3A_463 : i32
        %sign3A_465 = arith.extui %sign3A_464 : i1 to i32
        %sign3A_466 = arith.constant 0 : i32
        %sign3A_467 = arith.cmpi slt, %jit3A_451, %sign3A_466 : i32
        %sign3A_468 = arith.extui %sign3A_467 : i1 to i32
        %sign3A_469 = arith.subi %sign3A_465, %sign3A_468 : i32
        %ne3A_470 = vector.broadcast %sign3A_469 : i32 to vector<16xi32>
        %ne3A_471 = arith.cmpi ne, %sign3A_462, %ne3A_470 : vector<16xi32>
        %rem3A_472 = vector.broadcast %jit3A_451 : i32 to vector<16xi32>
        %rem3A_473 = arith.remsi %get3A_444, %rem3A_472 : vector<16xi32>
        %ne3A_474 = arith.constant 0 : i32
        %ne3A_475 = vector.broadcast %ne3A_474 : i32 to vector<16xi32>
        %ne3A_476 = arith.cmpi ne, %rem3A_473, %ne3A_475 : vector<16xi32>
        %and3A_477 = arith.andi %ne3A_471, %ne3A_476 : vector<16xi1>
        %sub3A_478 = arith.constant 1 : i32
        %sub3A_479 = vector.broadcast %sub3A_478 : i32 to vector<16xi32>
        %sub3A_480 = arith.subi %div3A_453, %sub3A_479 : vector<16xi32>
        %select_n3A_481 = arith.select %and3A_477, %sub3A_480, %div3A_453 : vector<16xi1>, vector<16xi32>
        %swap3A_482 = arith.index_cast %sub3A_441 : i32 to index
        %swap3A_483 = arith.constant 0 : index
        %swap3A_484 = tpu.vector_load %arg8[%swap3A_482, %swap3A_483] {strides = array<i32>} : memref<2x128xi32, #tpu.memory_space<vmem>>, vector<16xi32>,
        tpu.vector_store %arg8[%swap3A_482, %swap3A_483], %select_n3A_481 {strides = array<i32>} : memref<2x128xi32, #tpu.memory_space<vmem>>, vector<16xi32>,
        %get3A_485 = arith.index_cast %add3A_439 : i32 to index
        %get3A_486 = arith.constant 16 : index
        %get3A_487 = tpu.vector_load %arg6[%get3A_485, %get3A_486] {strides = array<i32>} : memref<80x128xi32, #tpu.memory_space<vmem>>, vector<16xi32>,
        %rem3A_488 = arith.constant 16384 : i32
        %rem3A_489 = vector.broadcast %rem3A_488 : i32 to vector<16xi32>
        %rem3A_490 = arith.remsi %get3A_487, %rem3A_489 : vector<16xi32>
        %swap3A_491 = arith.index_cast %sub3A_441 : i32 to index
        %swap3A_492 = arith.constant 16 : index
        %swap3A_493 = tpu.vector_load %arg7[%swap3A_491, %swap3A_492] {strides = array<i32>} : memref<2x128xi32, #tpu.memory_space<vmem>>, vector<16xi32>,
        tpu.vector_store %arg7[%swap3A_491, %swap3A_492], %rem3A_490 {strides = array<i32>} : memref<2x128xi32, #tpu.memory_space<vmem>>, vector<16xi32>,
        %jit3A_494 = arith.constant 16384 : i32
        %div3A_495 = vector.broadcast %jit3A_494 : i32 to vector<16xi32>
        %div3A_496 = arith.divsi %get3A_487, %div3A_495 : vector<16xi32>
        %sign3A_497 = arith.constant 0 : i32
        %sign3A_498 = vector.broadcast %sign3A_497 : i32 to vector<16xi32>
        %sign3A_499 = arith.cmpi sgt, %get3A_487, %sign3A_498 : vector<16xi32>
        %sign3A_500 = arith.extui %sign3A_499 : vector<16xi1> to vector<16xi32>
        %sign3A_501 = arith.constant 0 : i32
        %sign3A_502 = vector.broadcast %sign3A_501 : i32 to vector<16xi32>
        %sign3A_503 = arith.cmpi slt, %get3A_487, %sign3A_502 : vector<16xi32>
        %sign3A_504 = arith.extui %sign3A_503 : vector<16xi1> to vector<16xi32>
        %sign3A_505 = arith.subi %sign3A_500, %sign3A_504 : vector<16xi32>
        %sign3A_506 = arith.constant 0 : i32
        %sign3A_507 = arith.cmpi sgt, %jit3A_494, %sign3A_506 : i32
        %sign3A_508 = arith.extui %sign3A_507 : i1 to i32
        %sign3A_509 = arith.constant 0 : i32
        %sign3A_510 = arith.cmpi slt, %jit3A_494, %sign3A_509 : i32
        %sign3A_511 = arith.extui %sign3A_510 : i1 to i32
        %sign3A_512 = arith.subi %sign3A_508, %sign3A_511 : i32
        %ne3A_513 = vector.broadcast %sign3A_512 : i32 to vector<16xi32>
        %ne3A_514 = arith.cmpi ne, %sign3A_505, %ne3A_513 : vector<16xi32>
        %rem3A_515 = vector.broadcast %jit3A_494 : i32 to vector<16xi32>
        %rem3A_516 = arith.remsi %get3A_487, %rem3A_515 : vector<16xi32>
        %ne3A_517 = arith.constant 0 : i32
        %ne3A_518 = vector.broadcast %ne3A_517 : i32 to vector<16xi32>
        %ne3A_519 = arith.cmpi ne, %rem3A_516, %ne3A_518 : vector<16xi32>
        %and3A_520 = arith.andi %ne3A_514, %ne3A_519 : vector<16xi1>
        %sub3A_521 = arith.constant 1 : i32
        %sub3A_522 = vector.broadcast %sub3A_521 : i32 to vector<16xi32>
        %sub3A_523 = arith.subi %div3A_496, %sub3A_522 : vector<16xi32>
        %select_n3A_524 = arith.select %and3A_520, %sub3A_523, %div3A_496 : vector<16xi1>, vector<16xi32>
        %swap3A_525 = arith.index_cast %sub3A_441 : i32 to index
        %swap3A_526 = arith.constant 16 : index
        %swap3A_527 = tpu.vector_load %arg8[%swap3A_525, %swap3A_526] {strides = array<i32>} : memref<2x128xi32, #tpu.memory_space<vmem>>, vector<16xi32>,
        tpu.vector_store %arg8[%swap3A_525, %swap3A_526], %select_n3A_524 {strides = array<i32>} : memref<2x128xi32, #tpu.memory_space<vmem>>, vector<16xi32>,
        %get3A_528 = arith.index_cast %add3A_439 : i32 to index
        %get3A_529 = arith.constant 32 : index
        %get3A_530 = tpu.vector_load %arg6[%get3A_528, %get3A_529] {strides = array<i32>} : memref<80x128xi32, #tpu.memory_space<vmem>>, vector<16xi32>,
        %rem3A_531 = arith.constant 16384 : i32
        %rem3A_532 = vector.broadcast %rem3A_531 : i32 to vector<16xi32>
        %rem3A_533 = arith.remsi %get3A_530, %rem3A_532 : vector<16xi32>
        %swap3A_534 = arith.index_cast %sub3A_441 : i32 to index
        %swap3A_535 = arith.constant 32 : index
        %swap3A_536 = tpu.vector_load %arg7[%swap3A_534, %swap3A_535] {strides = array<i32>} : memref<2x128xi32, #tpu.memory_space<vmem>>, vector<16xi32>,
        tpu.vector_store %arg7[%swap3A_534, %swap3A_535], %rem3A_533 {strides = array<i32>} : memref<2x128xi32, #tpu.memory_space<vmem>>, vector<16xi32>,
        %jit3A_537 = arith.constant 16384 : i32
        %div3A_538 = vector.broadcast %jit3A_537 : i32 to vector<16xi32>
        %div3A_539 = arith.divsi %get3A_530, %div3A_538 : vector<16xi32>
        %sign3A_540 = arith.constant 0 : i32
        %sign3A_541 = vector.broadcast %sign3A_540 : i32 to vector<16xi32>
        %sign3A_542 = arith.cmpi sgt, %get3A_530, %sign3A_541 : vector<16xi32>
        %sign3A_543 = arith.extui %sign3A_542 : vector<16xi1> to vector<16xi32>
        %sign3A_544 = arith.constant 0 : i32
        %sign3A_545 = vector.broadcast %sign3A_544 : i32 to vector<16xi32>
        %sign3A_546 = arith.cmpi slt, %get3A_530, %sign3A_545 : vector<16xi32>
        %sign3A_547 = arith.extui %sign3A_546 : vector<16xi1> to vector<16xi32>
        %sign3A_548 = arith.subi %sign3A_543, %sign3A_547 : vector<16xi32>
        %sign3A_549 = arith.constant 0 : i32
        %sign3A_550 = arith.cmpi sgt, %jit3A_537, %sign3A_549 : i32
        %sign3A_551 = arith.extui %sign3A_550 : i1 to i32
        %sign3A_552 = arith.constant 0 : i32
        %sign3A_553 = arith.cmpi slt, %jit3A_537, %sign3A_552 : i32
        %sign3A_554 = arith.extui %sign3A_553 : i1 to i32
        %sign3A_555 = arith.subi %sign3A_551, %sign3A_554 : i32
        %ne3A_556 = vector.broadcast %sign3A_555 : i32 to vector<16xi32>
        %ne3A_557 = arith.cmpi ne, %sign3A_548, %ne3A_556 : vector<16xi32>
        %rem3A_558 = vector.broadcast %jit3A_537 : i32 to vector<16xi32>
        %rem3A_559 = arith.remsi %get3A_530, %rem3A_558 : vector<16xi32>
        %ne3A_560 = arith.constant 0 : i32
        %ne3A_561 = vector.broadcast %ne3A_560 : i32 to vector<16xi32>
        %ne3A_562 = arith.cmpi ne, %rem3A_559, %ne3A_561 : vector<16xi32>
        %and3A_563 = arith.andi %ne3A_557, %ne3A_562 : vector<16xi1>
        %sub3A_564 = arith.constant 1 : i32
        %sub3A_565 = vector.broadcast %sub3A_564 : i32 to vector<16xi32>
        %sub3A_566 = arith.subi %div3A_539, %sub3A_565 : vector<16xi32>
        %select_n3A_567 = arith.select %and3A_563, %sub3A_566, %div3A_539 : vector<16xi1>, vector<16xi32>
        %swap3A_568 = arith.index_cast %sub3A_441 : i32 to index
        %swap3A_569 = arith.constant 32 : index
        %swap3A_570 = tpu.vector_load %arg8[%swap3A_568, %swap3A_569] {strides = array<i32>} : memref<2x128xi32, #tpu.memory_space<vmem>>, vector<16xi32>,
        tpu.vector_store %arg8[%swap3A_568, %swap3A_569], %select_n3A_567 {strides = array<i32>} : memref<2x128xi32, #tpu.memory_space<vmem>>, vector<16xi32>,
        %get3A_571 = arith.index_cast %add3A_439 : i32 to index
        %get3A_572 = arith.constant 48 : index
        %get3A_573 = tpu.vector_load %arg6[%get3A_571, %get3A_572] {strides = array<i32>} : memref<80x128xi32, #tpu.memory_space<vmem>>, vector<16xi32>,
        %rem3A_574 = arith.constant 16384 : i32
        %rem3A_575 = vector.broadcast %rem3A_574 : i32 to vector<16xi32>
        %rem3A_576 = arith.remsi %get3A_573, %rem3A_575 : vector<16xi32>
        %swap3A_577 = arith.index_cast %sub3A_441 : i32 to index
        %swap3A_578 = arith.constant 48 : index
        %swap3A_579 = tpu.vector_load %arg7[%swap3A_577, %swap3A_578] {strides = array<i32>} : memref<2x128xi32, #tpu.memory_space<vmem>>, vector<16xi32>,
        tpu.vector_store %arg7[%swap3A_577, %swap3A_578], %rem3A_576 {strides = array<i32>} : memref<2x128xi32, #tpu.memory_space<vmem>>, vector<16xi32>,
        %jit3A_580 = arith.constant 16384 : i32
        %div3A_581 = vector.broadcast %jit3A_580 : i32 to vector<16xi32>
        %div3A_582 = arith.divsi %get3A_573, %div3A_581 : vector<16xi32>
        %sign3A_583 = arith.constant 0 : i32
        %sign3A_584 = vector.broadcast %sign3A_583 : i32 to vector<16xi32>
        %sign3A_585 = arith.cmpi sgt, %get3A_573, %sign3A_584 : vector<16xi32>
        %sign3A_586 = arith.extui %sign3A_585 : vector<16xi1> to vector<16xi32>
        %sign3A_587 = arith.constant 0 : i32
        %sign3A_588 = vector.broadcast %sign3A_587 : i32 to vector<16xi32>
        %sign3A_589 = arith.cmpi slt, %get3A_573, %sign3A_588 : vector<16xi32>
        %sign3A_590 = arith.extui %sign3A_589 : vector<16xi1> to vector<16xi32>
        %sign3A_591 = arith.subi %sign3A_586, %sign3A_590 : vector<16xi32>
        %sign3A_592 = arith.constant 0 : i32
        %sign3A_593 = arith.cmpi sgt, %jit3A_580, %sign3A_592 : i32
        %sign3A_594 = arith.extui %sign3A_593 : i1 to i32
        %sign3A_595 = arith.constant 0 : i32
        %sign3A_596 = arith.cmpi slt, %jit3A_580, %sign3A_595 : i32
        %sign3A_597 = arith.extui %sign3A_596 : i1 to i32
        %sign3A_598 = arith.subi %sign3A_594, %sign3A_597 : i32
        %ne3A_599 = vector.broadcast %sign3A_598 : i32 to vector<16xi32>
        %ne3A_600 = arith.cmpi ne, %sign3A_591, %ne3A_599 : vector<16xi32>
        %rem3A_601 = vector.broadcast %jit3A_580 : i32 to vector<16xi32>
        %rem3A_602 = arith.remsi %get3A_573, %rem3A_601 : vector<16xi32>
        %ne3A_603 = arith.constant 0 : i32
        %ne3A_604 = vector.broadcast %ne3A_603 : i32 to vector<16xi32>
        %ne3A_605 = arith.cmpi ne, %rem3A_602, %ne3A_604 : vector<16xi32>
        %and3A_606 = arith.andi %ne3A_600, %ne3A_605 : vector<16xi1>
        %sub3A_607 = arith.constant 1 : i32
        %sub3A_608 = vector.broadcast %sub3A_607 : i32 to vector<16xi32>
        %sub3A_609 = arith.subi %div3A_582, %sub3A_608 : vector<16xi32>
        %select_n3A_610 = arith.select %and3A_606, %sub3A_609, %div3A_582 : vector<16xi1>, vector<16xi32>
        %swap3A_611 = arith.index_cast %sub3A_441 : i32 to index
        %swap3A_612 = arith.constant 48 : index
        %swap3A_613 = tpu.vector_load %arg8[%swap3A_611, %swap3A_612] {strides = array<i32>} : memref<2x128xi32, #tpu.memory_space<vmem>>, vector<16xi32>,
        tpu.vector_store %arg8[%swap3A_611, %swap3A_612], %select_n3A_610 {strides = array<i32>} : memref<2x128xi32, #tpu.memory_space<vmem>>, vector<16xi32>,
        %get3A_614 = arith.index_cast %add3A_439 : i32 to index
        %get3A_615 = arith.constant 64 : index
        %get3A_616 = tpu.vector_load %arg6[%get3A_614, %get3A_615] {strides = array<i32>} : memref<80x128xi32, #tpu.memory_space<vmem>>, vector<16xi32>,
        %rem3A_617 = arith.constant 16384 : i32
        %rem3A_618 = vector.broadcast %rem3A_617 : i32 to vector<16xi32>
        %rem3A_619 = arith.remsi %get3A_616, %rem3A_618 : vector<16xi32>
        %swap3A_620 = arith.index_cast %sub3A_441 : i32 to index
        %swap3A_621 = arith.constant 64 : index
        %swap3A_622 = tpu.vector_load %arg7[%swap3A_620, %swap3A_621] {strides = array<i32>} : memref<2x128xi32, #tpu.memory_space<vmem>>, vector<16xi32>,
        tpu.vector_store %arg7[%swap3A_620, %swap3A_621], %rem3A_619 {strides = array<i32>} : memref<2x128xi32, #tpu.memory_space<vmem>>, vector<16xi32>,
        %jit3A_623 = arith.constant 16384 : i32
        %div3A_624 = vector.broadcast %jit3A_623 : i32 to vector<16xi32>
        %div3A_625 = arith.divsi %get3A_616, %div3A_624 : vector<16xi32>
        %sign3A_626 = arith.constant 0 : i32
        %sign3A_627 = vector.broadcast %sign3A_626 : i32 to vector<16xi32>
        %sign3A_628 = arith.cmpi sgt, %get3A_616, %sign3A_627 : vector<16xi32>
        %sign3A_629 = arith.extui %sign3A_628 : vector<16xi1> to vector<16xi32>
        %sign3A_630 = arith.constant 0 : i32
        %sign3A_631 = vector.broadcast %sign3A_630 : i32 to vector<16xi32>
        %sign3A_632 = arith.cmpi slt, %get3A_616, %sign3A_631 : vector<16xi32>
        %sign3A_633 = arith.extui %sign3A_632 : vector<16xi1> to vector<16xi32>
        %sign3A_634 = arith.subi %sign3A_629, %sign3A_633 : vector<16xi32>
        %sign3A_635 = arith.constant 0 : i32
        %sign3A_636 = arith.cmpi sgt, %jit3A_623, %sign3A_635 : i32
        %sign3A_637 = arith.extui %sign3A_636 : i1 to i32
        %sign3A_638 = arith.constant 0 : i32
        %sign3A_639 = arith.cmpi slt, %jit3A_623, %sign3A_638 : i32
        %sign3A_640 = arith.extui %sign3A_639 : i1 to i32
        %sign3A_641 = arith.subi %sign3A_637, %sign3A_640 : i32
        %ne3A_642 = vector.broadcast %sign3A_641 : i32 to vector<16xi32>
        %ne3A_643 = arith.cmpi ne, %sign3A_634, %ne3A_642 : vector<16xi32>
        %rem3A_644 = vector.broadcast %jit3A_623 : i32 to vector<16xi32>
        %rem3A_645 = arith.remsi %get3A_616, %rem3A_644 : vector<16xi32>
        %ne3A_646 = arith.constant 0 : i32
        %ne3A_647 = vector.broadcast %ne3A_646 : i32 to vector<16xi32>
        %ne3A_648 = arith.cmpi ne, %rem3A_645, %ne3A_647 : vector<16xi32>
        %and3A_649 = arith.andi %ne3A_643, %ne3A_648 : vector<16xi1>
        %sub3A_650 = arith.constant 1 : i32
        %sub3A_651 = vector.broadcast %sub3A_650 : i32 to vector<16xi32>
        %sub3A_652 = arith.subi %div3A_625, %sub3A_651 : vector<16xi32>
        %select_n3A_653 = arith.select %and3A_649, %sub3A_652, %div3A_625 : vector<16xi1>, vector<16xi32>
        %swap3A_654 = arith.index_cast %sub3A_441 : i32 to index
        %swap3A_655 = arith.constant 64 : index
        %swap3A_656 = tpu.vector_load %arg8[%swap3A_654, %swap3A_655] {strides = array<i32>} : memref<2x128xi32, #tpu.memory_space<vmem>>, vector<16xi32>,
        tpu.vector_store %arg8[%swap3A_654, %swap3A_655], %select_n3A_653 {strides = array<i32>} : memref<2x128xi32, #tpu.memory_space<vmem>>, vector<16xi32>,
        %get3A_657 = arith.index_cast %add3A_439 : i32 to index
        %get3A_658 = arith.constant 80 : index
        %get3A_659 = tpu.vector_load %arg6[%get3A_657, %get3A_658] {strides = array<i32>} : memref<80x128xi32, #tpu.memory_space<vmem>>, vector<16xi32>,
        %rem3A_660 = arith.constant 16384 : i32
        %rem3A_661 = vector.broadcast %rem3A_660 : i32 to vector<16xi32>
        %rem3A_662 = arith.remsi %get3A_659, %rem3A_661 : vector<16xi32>
        %swap3A_663 = arith.index_cast %sub3A_441 : i32 to index
        %swap3A_664 = arith.constant 80 : index
        %swap3A_665 = tpu.vector_load %arg7[%swap3A_663, %swap3A_664] {strides = array<i32>} : memref<2x128xi32, #tpu.memory_space<vmem>>, vector<16xi32>,
        tpu.vector_store %arg7[%swap3A_663, %swap3A_664], %rem3A_662 {strides = array<i32>} : memref<2x128xi32, #tpu.memory_space<vmem>>, vector<16xi32>,
        %jit3A_666 = arith.constant 16384 : i32
        %div3A_667 = vector.broadcast %jit3A_666 : i32 to vector<16xi32>
        %div3A_668 = arith.divsi %get3A_659, %div3A_667 : vector<16xi32>
        %sign3A_669 = arith.constant 0 : i32
        %sign3A_670 = vector.broadcast %sign3A_669 : i32 to vector<16xi32>
        %sign3A_671 = arith.cmpi sgt, %get3A_659, %sign3A_670 : vector<16xi32>
        %sign3A_672 = arith.extui %sign3A_671 : vector<16xi1> to vector<16xi32>
        %sign3A_673 = arith.constant 0 : i32
        %sign3A_674 = vector.broadcast %sign3A_673 : i32 to vector<16xi32>
        %sign3A_675 = arith.cmpi slt, %get3A_659, %sign3A_674 : vector<16xi32>
        %sign3A_676 = arith.extui %sign3A_675 : vector<16xi1> to vector<16xi32>
        %sign3A_677 = arith.subi %sign3A_672, %sign3A_676 : vector<16xi32>
        %sign3A_678 = arith.constant 0 : i32
        %sign3A_679 = arith.cmpi sgt, %jit3A_666, %sign3A_678 : i32
        %sign3A_680 = arith.extui %sign3A_679 : i1 to i32
        %sign3A_681 = arith.constant 0 : i32
        %sign3A_682 = arith.cmpi slt, %jit3A_666, %sign3A_681 : i32
        %sign3A_683 = arith.extui %sign3A_682 : i1 to i32
        %sign3A_684 = arith.subi %sign3A_680, %sign3A_683 : i32
        %ne3A_685 = vector.broadcast %sign3A_684 : i32 to vector<16xi32>
        %ne3A_686 = arith.cmpi ne, %sign3A_677, %ne3A_685 : vector<16xi32>
        %rem3A_687 = vector.broadcast %jit3A_666 : i32 to vector<16xi32>
        %rem3A_688 = arith.remsi %get3A_659, %rem3A_687 : vector<16xi32>
        %ne3A_689 = arith.constant 0 : i32
        %ne3A_690 = vector.broadcast %ne3A_689 : i32 to vector<16xi32>
        %ne3A_691 = arith.cmpi ne, %rem3A_688, %ne3A_690 : vector<16xi32>
        %and3A_692 = arith.andi %ne3A_686, %ne3A_691 : vector<16xi1>
        %sub3A_693 = arith.constant 1 : i32
        %sub3A_694 = vector.broadcast %sub3A_693 : i32 to vector<16xi32>
        %sub3A_695 = arith.subi %div3A_668, %sub3A_694 : vector<16xi32>
        %select_n3A_696 = arith.select %and3A_692, %sub3A_695, %div3A_668 : vector<16xi1>, vector<16xi32>
        %swap3A_697 = arith.index_cast %sub3A_441 : i32 to index
        %swap3A_698 = arith.constant 80 : index
        %swap3A_699 = tpu.vector_load %arg8[%swap3A_697, %swap3A_698] {strides = array<i32>} : memref<2x128xi32, #tpu.memory_space<vmem>>, vector<16xi32>,
        tpu.vector_store %arg8[%swap3A_697, %swap3A_698], %select_n3A_696 {strides = array<i32>} : memref<2x128xi32, #tpu.memory_space<vmem>>, vector<16xi32>,
        %get3A_700 = arith.index_cast %add3A_439 : i32 to index
        %get3A_701 = arith.constant 96 : index
        %get3A_702 = tpu.vector_load %arg6[%get3A_700, %get3A_701] {strides = array<i32>} : memref<80x128xi32, #tpu.memory_space<vmem>>, vector<16xi32>,
        %rem3A_703 = arith.constant 16384 : i32
        %rem3A_704 = vector.broadcast %rem3A_703 : i32 to vector<16xi32>
        %rem3A_705 = arith.remsi %get3A_702, %rem3A_704 : vector<16xi32>
        %swap3A_706 = arith.index_cast %sub3A_441 : i32 to index
        %swap3A_707 = arith.constant 96 : index
        %swap3A_708 = tpu.vector_load %arg7[%swap3A_706, %swap3A_707] {strides = array<i32>} : memref<2x128xi32, #tpu.memory_space<vmem>>, vector<16xi32>,
        tpu.vector_store %arg7[%swap3A_706, %swap3A_707], %rem3A_705 {strides = array<i32>} : memref<2x128xi32, #tpu.memory_space<vmem>>, vector<16xi32>,
        %jit3A_709 = arith.constant 16384 : i32
        %div3A_710 = vector.broadcast %jit3A_709 : i32 to vector<16xi32>
        %div3A_711 = arith.divsi %get3A_702, %div3A_710 : vector<16xi32>
        %sign3A_712 = arith.constant 0 : i32
        %sign3A_713 = vector.broadcast %sign3A_712 : i32 to vector<16xi32>
        %sign3A_714 = arith.cmpi sgt, %get3A_702, %sign3A_713 : vector<16xi32>
        %sign3A_715 = arith.extui %sign3A_714 : vector<16xi1> to vector<16xi32>
        %sign3A_716 = arith.constant 0 : i32
        %sign3A_717 = vector.broadcast %sign3A_716 : i32 to vector<16xi32>
        %sign3A_718 = arith.cmpi slt, %get3A_702, %sign3A_717 : vector<16xi32>
        %sign3A_719 = arith.extui %sign3A_718 : vector<16xi1> to vector<16xi32>
        %sign3A_720 = arith.subi %sign3A_715, %sign3A_719 : vector<16xi32>
        %sign3A_721 = arith.constant 0 : i32
        %sign3A_722 = arith.cmpi sgt, %jit3A_709, %sign3A_721 : i32
        %sign3A_723 = arith.extui %sign3A_722 : i1 to i32
        %sign3A_724 = arith.constant 0 : i32
        %sign3A_725 = arith.cmpi slt, %jit3A_709, %sign3A_724 : i32
        %sign3A_726 = arith.extui %sign3A_725 : i1 to i32
        %sign3A_727 = arith.subi %sign3A_723, %sign3A_726 : i32
        %ne3A_728 = vector.broadcast %sign3A_727 : i32 to vector<16xi32>
        %ne3A_729 = arith.cmpi ne, %sign3A_720, %ne3A_728 : vector<16xi32>
        %rem3A_730 = vector.broadcast %jit3A_709 : i32 to vector<16xi32>
        %rem3A_731 = arith.remsi %get3A_702, %rem3A_730 : vector<16xi32>
        %ne3A_732 = arith.constant 0 : i32
        %ne3A_733 = vector.broadcast %ne3A_732 : i32 to vector<16xi32>
        %ne3A_734 = arith.cmpi ne, %rem3A_731, %ne3A_733 : vector<16xi32>
        %and3A_735 = arith.andi %ne3A_729, %ne3A_734 : vector<16xi1>
        %sub3A_736 = arith.constant 1 : i32
        %sub3A_737 = vector.broadcast %sub3A_736 : i32 to vector<16xi32>
        %sub3A_738 = arith.subi %div3A_711, %sub3A_737 : vector<16xi32>
        %select_n3A_739 = arith.select %and3A_735, %sub3A_738, %div3A_711 : vector<16xi1>, vector<16xi32>
        %swap3A_740 = arith.index_cast %sub3A_441 : i32 to index
        %swap3A_741 = arith.constant 96 : index
        %swap3A_742 = tpu.vector_load %arg8[%swap3A_740, %swap3A_741] {strides = array<i32>} : memref<2x128xi32, #tpu.memory_space<vmem>>, vector<16xi32>,
        tpu.vector_store %arg8[%swap3A_740, %swap3A_741], %select_n3A_739 {strides = array<i32>} : memref<2x128xi32, #tpu.memory_space<vmem>>, vector<16xi32>,
        %get3A_743 = arith.index_cast %add3A_439 : i32 to index
        %get3A_744 = arith.constant 112 : index
        %get3A_745 = tpu.vector_load %arg6[%get3A_743, %get3A_744] {strides = array<i32>} : memref<80x128xi32, #tpu.memory_space<vmem>>, vector<16xi32>,
        %rem3A_746 = arith.constant 16384 : i32
        %rem3A_747 = vector.broadcast %rem3A_746 : i32 to vector<16xi32>
        %rem3A_748 = arith.remsi %get3A_745, %rem3A_747 : vector<16xi32>
        %swap3A_749 = arith.index_cast %sub3A_441 : i32 to index
        %swap3A_750 = arith.constant 112 : index
        %swap3A_751 = tpu.vector_load %arg7[%swap3A_749, %swap3A_750] {strides = array<i32>} : memref<2x128xi32, #tpu.memory_space<vmem>>, vector<16xi32>,
        tpu.vector_store %arg7[%swap3A_749, %swap3A_750], %rem3A_748 {strides = array<i32>} : memref<2x128xi32, #tpu.memory_space<vmem>>, vector<16xi32>,
        %jit3A_752 = arith.constant 16384 : i32
        %div3A_753 = vector.broadcast %jit3A_752 : i32 to vector<16xi32>
        %div3A_754 = arith.divsi %get3A_745, %div3A_753 : vector<16xi32>
        %sign3A_755 = arith.constant 0 : i32
        %sign3A_756 = vector.broadcast %sign3A_755 : i32 to vector<16xi32>
        %sign3A_757 = arith.cmpi sgt, %get3A_745, %sign3A_756 : vector<16xi32>
        %sign3A_758 = arith.extui %sign3A_757 : vector<16xi1> to vector<16xi32>
        %sign3A_759 = arith.constant 0 : i32
        %sign3A_760 = vector.broadcast %sign3A_759 : i32 to vector<16xi32>
        %sign3A_761 = arith.cmpi slt, %get3A_745, %sign3A_760 : vector<16xi32>
        %sign3A_762 = arith.extui %sign3A_761 : vector<16xi1> to vector<16xi32>
        %sign3A_763 = arith.subi %sign3A_758, %sign3A_762 : vector<16xi32>
        %sign3A_764 = arith.constant 0 : i32
        %sign3A_765 = arith.cmpi sgt, %jit3A_752, %sign3A_764 : i32
        %sign3A_766 = arith.extui %sign3A_765 : i1 to i32
        %sign3A_767 = arith.constant 0 : i32
        %sign3A_768 = arith.cmpi slt, %jit3A_752, %sign3A_767 : i32
        %sign3A_769 = arith.extui %sign3A_768 : i1 to i32
        %sign3A_770 = arith.subi %sign3A_766, %sign3A_769 : i32
        %ne3A_771 = vector.broadcast %sign3A_770 : i32 to vector<16xi32>
        %ne3A_772 = arith.cmpi ne, %sign3A_763, %ne3A_771 : vector<16xi32>
        %rem3A_773 = vector.broadcast %jit3A_752 : i32 to vector<16xi32>
        %rem3A_774 = arith.remsi %get3A_745, %rem3A_773 : vector<16xi32>
        %ne3A_775 = arith.constant 0 : i32
        %ne3A_776 = vector.broadcast %ne3A_775 : i32 to vector<16xi32>
        %ne3A_777 = arith.cmpi ne, %rem3A_774, %ne3A_776 : vector<16xi32>
        %and3A_778 = arith.andi %ne3A_772, %ne3A_777 : vector<16xi1>
        %sub3A_779 = arith.constant 1 : i32
        %sub3A_780 = vector.broadcast %sub3A_779 : i32 to vector<16xi32>
        %sub3A_781 = arith.subi %div3A_754, %sub3A_780 : vector<16xi32>
        %select_n3A_782 = arith.select %and3A_778, %sub3A_781, %div3A_754 : vector<16xi1>, vector<16xi32>
        %swap3A_783 = arith.index_cast %sub3A_441 : i32 to index
        %swap3A_784 = arith.constant 112 : index
        %swap3A_785 = tpu.vector_load %arg8[%swap3A_783, %swap3A_784] {strides = array<i32>} : memref<2x128xi32, #tpu.memory_space<vmem>>, vector<16xi32>,
        tpu.vector_store %arg8[%swap3A_783, %swap3A_784], %select_n3A_782 {strides = array<i32>} : memref<2x128xi32, #tpu.memory_space<vmem>>, vector<16xi32>,
        %sub3A_786 = arith.constant 1 : i32
        %sub3A_787 = arith.subi %sub3A_786, %select_n3A_408 : i32
        %sub3A_788 = arith.constant 1 : i32
        %sub3A_789 = arith.subi %sub3A_788, %select_n3A_408 : i32
        %dma_start3A_790 = arith.constant 0 : i32
        %dma_start3A_791 = arith.constant 0 : i32
        %dma_start3A_792 = tpu.memref_slice %arg9[%sub3A_789, %dma_start3A_790, %dma_start3A_791] : memref<2x128x128xf32, #tpu.memory_space<vmem>> -> memref<1x128x128xf32, #tpu.memory_space<vmem>>
        %dma_start3A_793 = tpu.memref_squeeze %dma_start3A_792 : memref<1x128x128xf32, #tpu.memory_space<vmem>> -> memref<128x128xf32, #tpu.memory_space<vmem>>
        %dma_start3A_794 = arith.constant 0 : i32
        %dma_start3A_795 = tpu.memref_slice %arg7[%sub3A_787, %dma_start3A_794] : memref<2x128xi32, #tpu.memory_space<vmem>> -> memref<1x128xi32, #tpu.memory_space<vmem>>
        %dma_start3A_796 = tpu.memref_squeeze %dma_start3A_795 : memref<1x128xi32, #tpu.memory_space<vmem>> -> memref<128xi32, #tpu.memory_space<vmem>>
        %dma_start3A_797 = arith.constant 0 : i32
        %dma_start3A_798 = arith.constant 0 : i32
        %dma_start3A_799 = tpu.memref_slice %arg2[%dma_start3A_797, %dma_start3A_798] : memref<10112x128xf32, #tpu.memory_space<hbm>> -> memref<10112x128xf32, #tpu.memory_space<hbm>>
        tpu.enqueue_indirect_dma source(%dma_start3A_799 : memref<10112x128xf32, #tpu.memory_space<hbm>>) target(%dma_start3A_793 : memref<128x128xf32, #tpu.memory_space<vmem>>) offsets(%dma_start3A_796 : memref<128xi32, #tpu.memory_space<vmem>>) semaphore(%arg11 : memref<!tpu.dma_semaphore, #tpu.memory_space<semaphore_mem>>)
      } else {
      }
      %dma_wait3A_418 = arith.constant 0 : i32
      %dma_wait3A_419 = arith.constant 0 : i32
      %dma_wait3A_420 = tpu.memref_slice %arg9[%select_n3A_408, %dma_wait3A_418, %dma_wait3A_419] : memref<2x128x128xf32, #tpu.memory_space<vmem>> -> memref<1x128x128xf32, #tpu.memory_space<vmem>>
      %dma_wait3A_421 = tpu.memref_squeeze %dma_wait3A_420 : memref<1x128x128xf32, #tpu.memory_space<vmem>> -> memref<128x128xf32, #tpu.memory_space<vmem>>
      %dma_wait3A_422 = arith.constant 0 : i32
      %dma_wait3A_423 = tpu.memref_slice %arg7[%select_n3A_408, %dma_wait3A_422] : memref<2x128xi32, #tpu.memory_space<vmem>> -> memref<1x128xi32, #tpu.memory_space<vmem>>
      %dma_wait3A_424 = tpu.memref_squeeze %dma_wait3A_423 : memref<1x128xi32, #tpu.memory_space<vmem>> -> memref<128xi32, #tpu.memory_space<vmem>>
      %dma_wait3A_425 = arith.constant 0 : i32
      %dma_wait3A_426 = arith.constant 0 : i32
      %dma_wait3A_427 = tpu.memref_slice %arg2[%dma_wait3A_425, %dma_wait3A_426] : memref<10112x128xf32, #tpu.memory_space<hbm>> -> memref<10112x128xf32, #tpu.memory_space<hbm>>
      tpu.wait_indirect_dma semaphore(%arg11 : memref<!tpu.dma_semaphore, #tpu.memory_space<semaphore_mem>>) src(%dma_wait3A_427 : memref<10112x128xf32, #tpu.memory_space<hbm>>) dst(%dma_wait3A_421 : memref<128x128xf32, #tpu.memory_space<vmem>>)
      %dma_start3A_428 = arith.constant 0 : i32
      %dma_start3A_429 = arith.constant 0 : i32
      %dma_start3A_430 = tpu.memref_slice %arg9[%select_n3A_408, %dma_start3A_428, %dma_start3A_429] : memref<2x128x128xf32, #tpu.memory_space<vmem>> -> memref<1x128x128xf32, #tpu.memory_space<vmem>>
      %dma_start3A_431 = tpu.memref_squeeze %dma_start3A_430 : memref<1x128x128xf32, #tpu.memory_space<vmem>> -> memref<128x128xf32, #tpu.memory_space<vmem>>
      %dma_start3A_432 = arith.constant 0 : i32
      %dma_start3A_433 = tpu.memref_slice %arg8[%select_n3A_408, %dma_start3A_432] : memref<2x128xi32, #tpu.memory_space<vmem>> -> memref<1x128xi32, #tpu.memory_space<vmem>>
      %dma_start3A_434 = tpu.memref_squeeze %dma_start3A_433 : memref<1x128xi32, #tpu.memory_space<vmem>> -> memref<128xi32, #tpu.memory_space<vmem>>
      %dma_start3A_435 = arith.constant 0 : i32
      %dma_start3A_436 = arith.constant 0 : i32
      %dma_start3A_437 = tpu.memref_slice %arg10[%dma_start3A_435, %dma_start3A_436] : memref<10112x128xf32, #tpu.memory_space<vmem_shared>> -> memref<10112x128xf32, #tpu.memory_space<vmem_shared>>
      tpu.enqueue_indirect_dma source(%dma_start3A_431 : memref<128x128xf32, #tpu.memory_space<vmem>>) target(%dma_start3A_437 : memref<10112x128xf32, #tpu.memory_space<vmem_shared>>) offsets(%dma_start3A_434 : memref<128xi32, #tpu.memory_space<vmem>>) semaphore(%arg12 : memref<!tpu.dma_semaphore, #tpu.memory_space<semaphore_mem>>) {add = true}
    }
    %scan3A_376 = arith.constant 80 : i32
    %dma_wait3A = arith.constant 1 : i32
    %dma_wait3A_377 = arith.constant 1 : i32
    %dma_wait3A_378 = arith.constant 0 : i32
    %dma_wait3A_379 = arith.constant 0 : i32
    %dma_wait3A_380 = tpu.memref_slice %arg9[%dma_wait3A, %dma_wait3A_378, %dma_wait3A_379] : memref<2x128x128xf32, #tpu.memory_space<vmem>> -> memref<1x128x128xf32, #tpu.memory_space<vmem>>
    %dma_wait3A_381 = tpu.memref_squeeze %dma_wait3A_380 : memref<1x128x128xf32, #tpu.memory_space<vmem>> -> memref<128x128xf32, #tpu.memory_space<vmem>>
    %dma_wait3A_382 = arith.constant 0 : i32
    %dma_wait3A_383 = tpu.memref_slice %arg8[%dma_wait3A_377, %dma_wait3A_382] : memref<2x128xi32, #tpu.memory_space<vmem>> -> memref<1x128xi32, #tpu.memory_space<vmem>>
    %dma_wait3A_384 = tpu.memref_squeeze %dma_wait3A_383 : memref<1x128xi32, #tpu.memory_space<vmem>> -> memref<128xi32, #tpu.memory_space<vmem>>
    %dma_wait3A_385 = arith.constant 0 : i32
    %dma_wait3A_386 = arith.constant 0 : i32
    %dma_wait3A_387 = tpu.memref_slice %arg10[%dma_wait3A_385, %dma_wait3A_386] : memref<10112x128xf32, #tpu.memory_space<vmem_shared>> -> memref<10112x128xf32, #tpu.memory_space<vmem_shared>>
    tpu.wait_indirect_dma semaphore(%arg12 : memref<!tpu.dma_semaphore, #tpu.memory_space<semaphore_mem>>) src(%dma_wait3A_381 : memref<128x128xf32, #tpu.memory_space<vmem>>) dst(%dma_wait3A_387 : memref<10112x128xf32, #tpu.memory_space<vmem_shared>>)
    %barrier3A_388 = arith.constant 0 : index
    tpu.barrier barrier_id(%barrier3A_388)
    %mul3A_389 = arith.constant 632 : i32
    %mul3A_390 = arith.muli %arg1, %mul3A_389 : i32
    %mul3A_391 = arith.constant 10112 : i32
    %mul3A_392 = arith.muli %arg0, %mul3A_391 : i32
    %add3A_393 = arith.addi %mul3A_392, %mul3A_390 : i32
    "tpu.region"() ({
      %run_scoped3A = tpu.sem_alloc : memref<!tpu.dma_semaphore, #tpu.memory_space<semaphore_mem>>
      %dma_start3A_394 = arith.constant 0 : i32
      %dma_start3A_395 = tpu.memref_slice %arg5[%add3A_393, %dma_start3A_394] : memref<20224x128xf32, #tpu.memory_space<hbm>> -> memref<632x128xf32, #tpu.memory_space<hbm>>
      %dma_start3A_396 = arith.constant 0 : i32
      %dma_start3A_397 = tpu.memref_slice %arg10[%mul3A_390, %dma_start3A_396] : memref<10112x128xf32, #tpu.memory_space<vmem_shared>> -> memref<632x128xf32, #tpu.memory_space<vmem_shared>>
      tpu.enqueue_dma source(%dma_start3A_397 : memref<632x128xf32, #tpu.memory_space<vmem_shared>>) target(%dma_start3A_395 : memref<632x128xf32, #tpu.memory_space<hbm>>) target_semaphore(%run_scoped3A : memref<!tpu.dma_semaphore, #tpu.memory_space<semaphore_mem>>)
      %dma_wait3A_398 = arith.constant 0 : i32
      %dma_wait3A_399 = tpu.memref_slice %arg5[%add3A_393, %dma_wait3A_398] : memref<20224x128xf32, #tpu.memory_space<hbm>> -> memref<632x128xf32, #tpu.memory_space<hbm>>
      %dma_wait3A_400 = arith.constant 0 : i32
      %dma_wait3A_401 = tpu.memref_slice %arg10[%mul3A_390, %dma_wait3A_400] : memref<10112x128xf32, #tpu.memory_space<vmem_shared>> -> memref<632x128xf32, #tpu.memory_space<vmem_shared>>
      tpu.wait_dma2 semaphore(%run_scoped3A : memref<!tpu.dma_semaphore, #tpu.memory_space<semaphore_mem>>) src(%dma_wait3A_401 : memref<632x128xf32, #tpu.memory_space<vmem_shared>>) dst(%dma_wait3A_399 : memref<632x128xf32, #tpu.memory_space<hbm>>)
      tpu.yield
    }) : () -> ()
    return
  }
}

module attributes {stable_mosaic.version = 14 : i64} {
  func.func @_tc_pre_body(%arg0: memref<10112x128xf32, #tpu.memory_space<vmem>>, %arg1: memref<128x128xf32, #tpu.memory_space<vmem>>, %arg2: memref<32x10112xf32, #tpu.memory_space<vmem>>, %arg3: memref<10112x128xf32, #tpu.memory_space<vmem>>) attributes {dimension_semantics = [], scalar_prefetch = 0 : i64, scratch_operands = 0 : i64, tpu.core_type = #tpu.core_type<tc>} {
    %get3A = arith.constant 0 : index
    %get3A_0 = arith.constant 0 : index
    %get3A_1 = vector.load %arg2[%get3A, %get3A_0] : memref<32x10112xf32, #tpu.memory_space<vmem>>, vector<32x10112xf32>
    %reduce_sum3A = arith.constant dense<0.000000e+00> : vector<10112xf32>
    %reduce_sum3A_2 = vector.multi_reduction <add>, %get3A_1, %reduce_sum3A [0] : vector<32x10112xf32> to vector<10112xf32>
    %broadcast_in_dim3A = vector.shape_cast %reduce_sum3A_2 : vector<10112xf32> to vector<10112x1xf32>
    %add3A = arith.constant 1.000000e+00 : f32
    %add3A_3 = vector.broadcast %add3A : f32 to vector<10112x1xf32>
    %add3A_4 = arith.addf %broadcast_in_dim3A, %add3A_3 : vector<10112x1xf32>
    %rsqrt3A = math.rsqrt %add3A_4 : vector<10112x1xf32>
    %get3A_5 = arith.constant 0 : index
    %get3A_6 = arith.constant 0 : index
    %get3A_7 = vector.load %arg0[%get3A_5, %get3A_6] : memref<10112x128xf32, #tpu.memory_space<vmem>>, vector<10112x128xf32>
    %get3A_8 = arith.constant 0 : index
    %get3A_9 = arith.constant 0 : index
    %get3A_10 = vector.load %arg1[%get3A_8, %get3A_9] : memref<128x128xf32, #tpu.memory_space<vmem>>, vector<128x128xf32>
    %dot_general3A = arith.constant dense<0.000000e+00> : vector<10112x128xf32>
    %dot_general3A_11 = tpu.matmul %get3A_7, %get3A_10, %dot_general3A {dimension_numbers = #tpu.dot_dimension_numbers<[1], [0], [0], [1], [0, 0, 1, 1], [], []>, transpose_lhs_hint = false} : vector<10112x128xf32>, vector<128x128xf32>, vector<10112x128xf32> -> vector<10112x128xf32>
    %mul3A = vector.broadcast %rsqrt3A : vector<10112x1xf32> to vector<10112x128xf32>
    %mul3A_12 = arith.mulf %dot_general3A_11, %mul3A : vector<10112x128xf32>
    %swap3A = arith.constant 0 : index
    %swap3A_13 = arith.constant 0 : index
    %swap3A_14 = vector.load %arg3[%swap3A, %swap3A_13] : memref<10112x128xf32, #tpu.memory_space<vmem>>, vector<10112x128xf32>
    tpu.vector_store %arg3[%swap3A, %swap3A_13], %mul3A_12 {strides = array<i32>} : memref<10112x128xf32, #tpu.memory_space<vmem>>, vector<10112x128xf32>,
    return
  }
}

module attributes {stable_mosaic.version = 14 : i64} {
  func.func @_tc_mid_body(%arg0: memref<2x10112x128xf32, #tpu.memory_space<vmem>>, %arg1: memref<10112x128xf32, #tpu.memory_space<vmem>>, %arg2: memref<32x10112xf32, #tpu.memory_space<vmem>>, %arg3: memref<1x128xf32, #tpu.memory_space<vmem>>, %arg4: memref<128x128xf32, #tpu.memory_space<vmem>>, %arg5: memref<10112x128xf32, #tpu.memory_space<vmem>>) attributes {dimension_semantics = [], scalar_prefetch = 0 : i64, scratch_operands = 0 : i64, tpu.core_type = #tpu.core_type<tc>} {
    %get3A = arith.constant 0 : index
    %get3A_0 = arith.constant 0 : index
    %get3A_1 = vector.load %arg2[%get3A, %get3A_0] : memref<32x10112xf32, #tpu.memory_space<vmem>>, vector<32x10112xf32>
    %reduce_sum3A = arith.constant dense<0.000000e+00> : vector<10112xf32>
    %reduce_sum3A_2 = vector.multi_reduction <add>, %get3A_1, %reduce_sum3A [0] : vector<32x10112xf32> to vector<10112xf32>
    %broadcast_in_dim3A = vector.shape_cast %reduce_sum3A_2 : vector<10112xf32> to vector<10112x1xf32>
    %add3A = arith.constant 1.000000e+00 : f32
    %add3A_3 = vector.broadcast %add3A : f32 to vector<10112x1xf32>
    %add3A_4 = arith.addf %broadcast_in_dim3A, %add3A_3 : vector<10112x1xf32>
    %rsqrt3A = math.rsqrt %add3A_4 : vector<10112x1xf32>
    %get3A_5 = arith.constant 0 : index
    %get3A_6 = arith.constant 0 : index
    %get3A_7 = arith.constant 0 : index
    %get3A_8 = vector.load %arg0[%get3A_5, %get3A_6, %get3A_7] : memref<2x10112x128xf32, #tpu.memory_space<vmem>>, vector<1x10112x128xf32>
    %get3A_9 = vector.shape_cast %get3A_8 : vector<1x10112x128xf32> to vector<10112x128xf32>
    %get3A_10 = arith.constant 1 : index
    %get3A_11 = arith.constant 0 : index
    %get3A_12 = arith.constant 0 : index
    %get3A_13 = vector.load %arg0[%get3A_10, %get3A_11, %get3A_12] : memref<2x10112x128xf32, #tpu.memory_space<vmem>>, vector<1x10112x128xf32>
    %get3A_14 = vector.shape_cast %get3A_13 : vector<1x10112x128xf32> to vector<10112x128xf32>
    %add3A_15 = arith.addf %get3A_9, %get3A_14 : vector<10112x128xf32>
    %get3A_16 = arith.constant 0 : index
    %get3A_17 = arith.constant 0 : index
    %get3A_18 = vector.load %arg1[%get3A_16, %get3A_17] : memref<10112x128xf32, #tpu.memory_space<vmem>>, vector<10112x128xf32>
    %add3A_19 = arith.addf %add3A_15, %get3A_18 : vector<10112x128xf32>
    %mul3A = vector.broadcast %rsqrt3A : vector<10112x1xf32> to vector<10112x128xf32>
    %mul3A_20 = arith.mulf %add3A_19, %mul3A : vector<10112x128xf32>
    %get3A_21 = arith.constant 0 : index
    %get3A_22 = arith.constant 0 : index
    %get3A_23 = vector.load %arg3[%get3A_21, %get3A_22] : memref<1x128xf32, #tpu.memory_space<vmem>>, vector<1x128xf32>
    %add3A_24 = vector.broadcast %get3A_23 : vector<1x128xf32> to vector<10112x128xf32>
    %add3A_25 = arith.addf %mul3A_20, %add3A_24 : vector<10112x128xf32>
    %gt3A = arith.constant 0.000000e+00 : f32
    %gt3A_26 = vector.broadcast %gt3A : f32 to vector<10112x128xf32>
    %gt3A_27 = arith.cmpf ogt, %add3A_25, %gt3A_26 : vector<10112x128xf32>
    %mul3A_28 = arith.constant 2.000000e-01 : f32
    %mul3A_29 = vector.broadcast %mul3A_28 : f32 to vector<10112x128xf32>
    %mul3A_30 = arith.mulf %mul3A_29, %add3A_25 : vector<10112x128xf32>
    %select_n3A = arith.select %gt3A_27, %add3A_25, %mul3A_30 : vector<10112x128xi1>, vector<10112x128xf32>
    %get3A_31 = arith.constant 0 : index
    %get3A_32 = arith.constant 0 : index
    %get3A_33 = vector.load %arg4[%get3A_31, %get3A_32] : memref<128x128xf32, #tpu.memory_space<vmem>>, vector<128x128xf32>
    %dot_general3A = arith.constant dense<0.000000e+00> : vector<10112x128xf32>
    %dot_general3A_34 = tpu.matmul %select_n3A, %get3A_33, %dot_general3A {dimension_numbers = #tpu.dot_dimension_numbers<[1], [0], [0], [1], [0, 0, 1, 1], [], []>, transpose_lhs_hint = false} : vector<10112x128xf32>, vector<128x128xf32>, vector<10112x128xf32> -> vector<10112x128xf32>
    %mul3A_35 = vector.broadcast %rsqrt3A : vector<10112x1xf32> to vector<10112x128xf32>
    %mul3A_36 = arith.mulf %dot_general3A_34, %mul3A_35 : vector<10112x128xf32>
    %swap3A = arith.constant 0 : index
    %swap3A_37 = arith.constant 0 : index
    %swap3A_38 = vector.load %arg5[%swap3A, %swap3A_37] : memref<10112x128xf32, #tpu.memory_space<vmem>>, vector<10112x128xf32>
    tpu.vector_store %arg5[%swap3A, %swap3A_37], %mul3A_36 {strides = array<i32>} : memref<10112x128xf32, #tpu.memory_space<vmem>>, vector<10112x128xf32>,
    return
  }
}

module attributes {stable_mosaic.version = 14 : i64} {
  func.func @_tc_post_body(%arg0: memref<2x10112x128xf32, #tpu.memory_space<vmem>>, %arg1: memref<10112x128xf32, #tpu.memory_space<vmem>>, %arg2: memref<32x10112xf32, #tpu.memory_space<vmem>>, %arg3: memref<1x128xf32, #tpu.memory_space<vmem>>, %arg4: memref<10112x128xf32, #tpu.memory_space<vmem>>) attributes {dimension_semantics = [], scalar_prefetch = 0 : i64, scratch_operands = 0 : i64, tpu.core_type = #tpu.core_type<tc>} {
    %get3A = arith.constant 0 : index
    %get3A_0 = arith.constant 0 : index
    %get3A_1 = vector.load %arg2[%get3A, %get3A_0] : memref<32x10112xf32, #tpu.memory_space<vmem>>, vector<32x10112xf32>
    %reduce_sum3A = arith.constant dense<0.000000e+00> : vector<10112xf32>
    %reduce_sum3A_2 = vector.multi_reduction <add>, %get3A_1, %reduce_sum3A [0] : vector<32x10112xf32> to vector<10112xf32>
    %broadcast_in_dim3A = vector.shape_cast %reduce_sum3A_2 : vector<10112xf32> to vector<10112x1xf32>
    %add3A = arith.constant 1.000000e+00 : f32
    %add3A_3 = vector.broadcast %add3A : f32 to vector<10112x1xf32>
    %add3A_4 = arith.addf %broadcast_in_dim3A, %add3A_3 : vector<10112x1xf32>
    %rsqrt3A = math.rsqrt %add3A_4 : vector<10112x1xf32>
    %get3A_5 = arith.constant 0 : index
    %get3A_6 = arith.constant 0 : index
    %get3A_7 = arith.constant 0 : index
    %get3A_8 = vector.load %arg0[%get3A_5, %get3A_6, %get3A_7] : memref<2x10112x128xf32, #tpu.memory_space<vmem>>, vector<1x10112x128xf32>
    %get3A_9 = vector.shape_cast %get3A_8 : vector<1x10112x128xf32> to vector<10112x128xf32>
    %get3A_10 = arith.constant 1 : index
    %get3A_11 = arith.constant 0 : index
    %get3A_12 = arith.constant 0 : index
    %get3A_13 = vector.load %arg0[%get3A_10, %get3A_11, %get3A_12] : memref<2x10112x128xf32, #tpu.memory_space<vmem>>, vector<1x10112x128xf32>
    %get3A_14 = vector.shape_cast %get3A_13 : vector<1x10112x128xf32> to vector<10112x128xf32>
    %add3A_15 = arith.addf %get3A_9, %get3A_14 : vector<10112x128xf32>
    %get3A_16 = arith.constant 0 : index
    %get3A_17 = arith.constant 0 : index
    %get3A_18 = vector.load %arg1[%get3A_16, %get3A_17] : memref<10112x128xf32, #tpu.memory_space<vmem>>, vector<10112x128xf32>
    %add3A_19 = arith.addf %add3A_15, %get3A_18 : vector<10112x128xf32>
    %mul3A = vector.broadcast %rsqrt3A : vector<10112x1xf32> to vector<10112x128xf32>
    %mul3A_20 = arith.mulf %add3A_19, %mul3A : vector<10112x128xf32>
    %get3A_21 = arith.constant 0 : index
    %get3A_22 = arith.constant 0 : index
    %get3A_23 = vector.load %arg3[%get3A_21, %get3A_22] : memref<1x128xf32, #tpu.memory_space<vmem>>, vector<1x128xf32>
    %add3A_24 = vector.broadcast %get3A_23 : vector<1x128xf32> to vector<10112x128xf32>
    %add3A_25 = arith.addf %mul3A_20, %add3A_24 : vector<10112x128xf32>
    %swap3A = arith.constant 0 : index
    %swap3A_26 = arith.constant 0 : index
    %swap3A_27 = vector.load %arg4[%swap3A, %swap3A_26] : memref<10112x128xf32, #tpu.memory_space<vmem>>, vector<10112x128xf32>
    tpu.vector_store %arg4[%swap3A, %swap3A_26], %add3A_25 {strides = array<i32>} : memref<10112x128xf32, #tpu.memory_space<vmem>>, vector<10112x128xf32>,
    return
  }
}

</mosaic_0001>

<sc_bundles>
// kernel: kernel.11.cloned.1.call-start
scs
__scs_entry_jumppad:
0x0: {  	(pc) =	sbr.rel $0x88, $3  }
0x1: {  	(tag) =	ssettag $0x0;
	lr =	simm.s32 $0x1  }
0x2: {  	[smem:$0x3F9B] =	sst lr;
	_ =	strace $0xD0000000  }
0x3: {  	_ = 	snop  }
0x4: {  	_ = 	snop  }
0x5: {  	_ = 	snop  }
0x6: {  	_ = 	snop  }
0x7: {  	_ = 	snop  }
__scs_overlays_trampoline_lowered:
0x8: {  	[smem:$0x3FAA] =	sst s0  }
0x9: {  	[smem:$0x3FAB] =	sst s1  }
0xa: {  	[smem:$0x3FAC] =	sst s2  }
0xb: {  	[smem:$0x3FAD] =	sst s3  }
0xc: {  	[smem:$0x3FAE] =	sst s4  }
0xd: {  	[smem:$0x3FAF] =	sst s5  }
0xe: {  	[smem:$0x3FB0] =	sst s6  }
0xf: {  	[smem:$0x3FB1] =	sst s7  }
0x10: {  	[smem:$0x3FB2] =	sst s8  }
0x11: {  	[smem:$0x3FB3] =	sst s9;
	s0 =	simm.s32 @!p0 $0x0  }
0x12: {  	s1 =	sld [smem:$0x3F99];
	s0 =	simm.s32 @p0 $0x1  }
0x13: {  	[smem:$0x3FB4] =	sst s0;
	s0 =	simm.s32 @!p1 $0x0  }
0x14: {  	s2 =	sld [smem:$0x3F98];
	s0 =	simm.s32 @p1 $0x1  }
0x15: {  	[smem:$0x3FB5] =	sst s0;
	s0 =	simm.s32 @!p2 $0x0  }
0x16: {  	s3 =	sld [smem:$0x3FDB];
	s0 =	simm.s32 @p2 $0x1  }
0x17: {  	s4 =	simm.s32 $0x1BF5;
	[smem:$0x3FB7] =	sst s0  }
0x18: {  	s0 =	sld [smem:$0x3F9A];
	_ =	swait.ge [sflag:s4], $0x0  }
0x19: {  	s7 =	sld [smem:$0x3F9B]  }
0x1a: {  	s8 =	sadd.s32 $0xFFFFE003, lr  }
0x1b: {  	s9 =	sadd.s32 $0xFFFFFEF7, lr;
	s5 =	simm.s32 $0xFFFFFFFF;
	p2 =	slt.u32 s8, $0xFFFFF086  }
0x1c: {  	p1 =	slt.u32 s9, $0xF7A;
	s5 =	simm.s32 @!p2 $0x0  }
0x1d: {  	s5 =	simm.s32 @p1 $0x1;
	p0 =	seq.s32 s7, s2  }
0x1e: {  	s7 =	smul.u32 @!p0 $0xF7A, s2;
	p2 =	seq.s32 @!p0 s5, $0x0  }
0x1f: {  	s9 =	smul.u32 $0xF7A, s1;
	s8 =	simm.s32 @!p0 $0x1BF5;
	p2 =	por !p2, p0  }
0x20: {  	[sflag:s8] =	ssyncset.s32 @!p0 $0xFFFFF086;
	s6 =	sadd.s32 @!p0 s3, s7;
	s7 =	simm.s32 @!p0 $0x108  }
0x21: {  	s3 =	sadd.s32 s3, s9;
	s6 =	sadd.s32 @!p0 $0x88, s6;
	s7 =	simm.s32 @p2 $0x1082  }
0x22: {  	[simem:s7], [sflag:s8] =	dma.local @!p0 [hbm:s6], $0xF7A  }
0x23: {  	s9 =	sor.u32 $0xD0000000, s2;
	s6 =	simm.s32 $0x108;
	_ =	swait.ge @!p0 [sflag:s8], $0x0  }
0x24: {  	s3 =	sadd.s32 $0x88, s3;
	s6 =	simm.s32 @!p1 $0x1082;
	[sflag:s4] =	ssyncset.s32 $0xFFFFF086  }
0x25: {  	[simem:s6], [sflag:s4] =	dma.local [hbm:s3], $0xF7A  }
0x26: {  	[smem:$0x3F9B] =	sst s1;
	(tag) =	ssettag s2;
	_ =	strace s9  }
0x27: {  	s1 =	sld [smem:$0x3FAB]  }
0x28: {  	s2 =	sld [smem:$0x3FAC]  }
0x29: {  	s4 =	sld [smem:$0x3FAE]  }
0x2a: {  	p0 =	seq.s32 s5, $0x0;
	s5 =	sld [smem:$0x3FAF]  }
0x2b: {  	s6 =	sld [smem:$0x3FB0]  }
0x2c: {  	s7 =	sld [smem:$0x3FB1]  }
0x2d: {  	s3 =	simm.s32 $0x108;
	s8 =	sld [smem:$0x3FB2]  }
0x2e: {  	s3 =	simm.s32 @!p0 $0x1082;
	s9 =	sld [smem:$0x3FB3]  }
0x2f: {  	lr =	sadd.s32 s0, s3;
	s0 =	sld [smem:$0x3FAA]  }
0x30: {  	s3 =	sld [smem:$0x3FAD]  }
0x31: {  	[smem:$0x3FB6] =	sst s10  }
0x32: {  	s10 =	sld [smem:$0x3FB4];
	_ =	sdelay $0x3  }
0x33: {  	p0 =	seq.s32 s10, $0x1;
	s10 =	sld [smem:$0x3FB6];
	_ =	sdelay $0x3  }
0x34: {  	[smem:$0x3FB6] =	sst s10  }
0x35: {  	s10 =	sld [smem:$0x3FB5];
	_ =	sdelay $0x3  }
0x36: {  	p1 =	seq.s32 s10, $0x1;
	s10 =	sld [smem:$0x3FB6];
	_ =	sdelay $0x3  }
0x37: {  	[smem:$0x3FB6] =	sst s10  }
0x38: {  	s10 =	sld [smem:$0x3FB7]  }
0x39: {  	_ = 	snop;
	(pc) =	sbr.ind lr, $3  }
0x3a: {  	_ = 	snop  }
0x3b: {  	_ = 	snop  }
0x3c: {  	p2 =	seq.s32 s10, $0x1;
	s10 =	sld [smem:$0x3FB6]  }
0x3d: {  	_ =	shalt  }
0x3e: {  	_ =	shalt  }
0x3f: {  	_ =	shalt  }
0x40: {  	_ =	shalt  }
0x41: {  	_ =	shalt  }
0x42: {  	_ =	shalt  }
0x43: {  	_ =	shalt  }
0x44: {  	_ =	shalt  }
0x45: {  	_ =	shalt  }
0x46: {  	_ =	shalt  }
0x47: {  	_ =	shalt  }
0x48: {  	_ =	shalt  }
0x49: {  	_ =	shalt  }
0x4a: {  	_ =	shalt  }
0x4b: {  	_ =	shalt  }
0x4c: {  	_ =	shalt  }
0x4d: {  	_ =	shalt  }
0x4e: {  	_ =	shalt  }
0x4f: {  	_ =	shalt  }
0x50: {  	_ =	shalt  }
0x51: {  	_ =	shalt  }
0x52: {  	_ =	shalt  }
0x53: {  	_ =	shalt  }
0x54: {  	_ =	shalt  }
0x55: {  	_ =	shalt  }
0x56: {  	_ =	shalt  }
0x57: {  	_ =	shalt  }
0x58: {  	_ =	shalt  }
0x59: {  	_ =	shalt  }
0x5a: {  	_ =	shalt  }
0x5b: {  	_ =	shalt  }
0x5c: {  	_ =	shalt  }
0x5d: {  	_ =	shalt  }
0x5e: {  	_ =	shalt  }
0x5f: {  	_ =	shalt  }
0x60: {  	_ =	shalt  }
0x61: {  	_ =	shalt  }
0x62: {  	_ =	shalt  }
0x63: {  	_ =	shalt  }
0x64: {  	_ =	shalt  }
0x65: {  	_ =	shalt  }
0x66: {  	_ =	shalt  }
0x67: {  	_ =	shalt  }
0x68: {  	_ =	shalt  }
0x69: {  	_ =	shalt  }
0x6a: {  	_ =	shalt  }
0x6b: {  	_ =	shalt  }
0x6c: {  	_ =	shalt  }
0x6d: {  	_ =	shalt  }
0x6e: {  	_ =	shalt  }
0x6f: {  	_ =	shalt  }
0x70: {  	_ =	shalt  }
0x71: {  	_ =	shalt  }
0x72: {  	_ =	shalt  }
0x73: {  	_ =	shalt  }
0x74: {  	_ =	shalt  }
0x75: {  	_ =	shalt  }
0x76: {  	_ =	shalt  }
0x77: {  	_ =	shalt  }
0x78: {  	_ =	shalt  }
0x79: {  	_ =	shalt  }
0x7a: {  	_ =	shalt  }
0x7b: {  	_ =	shalt  }
0x7c: {  	_ =	shalt  }
0x7d: {  	_ =	shalt  }
0x7e: {  	_ =	shalt  }
0x7f: {  	_ =	shalt  }
0x80: {  	_ =	shalt  }
0x81: {  	_ =	shalt  }
0x82: {  	_ =	shalt  }
0x83: {  	_ =	shalt  }
0x84: {  	_ =	shalt  }
0x85: {  	_ =	shalt  }
0x86: {  	_ =	shalt  }
0x87: {  	_ =	shalt  }
.Lfunc_end0:
.L_simem_size_0:
called_computation.1_lowered:
.L_overlay_start_0:
0x88: {  	s2 =	sld [smem:$0x3FD9]  }
0x89: {  	s3 =	sld [smem:$0x3FFE];
	_ =	sdelay $0x1  }
0x8a: {  	s1 =	srdreg.scid  }
0x8b: {  	s0 =	sand.u32 $0x1, s1  }
0x8c: {  	s14 =	sshll.u32 s0, $0xA;
	s2 =	sadd.s32 s3, s2  }
0x8d: {  	s2 =	sadd.s32 s2, s14  }
0x8e: {  	[smem:$0x3FC2] =	sst s2  }
0x8f: {  	_ = 	snop  }
0x90: {  	s2 =	sld [smem:$0x3FD0];
	_ =	sdelay $0x2  }
0x91: {  	s15 =	simm.s32 $0xA;
	s4 =	simm.s32 $0x10  }
0x92: {  	[smem:s4], [sflag:s15] =	dma.local [hbm:s2], $0x1  }
0x93: {  	_ =	swait.eq [sflag:s15], $0x1  }
0x94: {  	[sflag:s15] =	ssyncset.done $0x0  }
0x95: {  	[sflag:s15] =	ssyncadd.s32 $0xFFFFFFFF  }
0x96: {  	s16 =	sld [smem:$0x10];
	(tm) =	ssettm $0x1  }
0x97: {  	s17 =	sld [smem:$0x3FFB];
	_ =	sdelay $0x3  }
0x98: {  	_ =	strace s17  }
0x99: {  	s3 =	sld [smem:$0x3FFC];
	_ =	sdelay $0x3  }
0x9a: {  	_ =	strace s3  }
0x9b: {  	s3 =	sld [smem:$0x3FFD];
	_ =	sdelay $0x3  }
0x9c: {  	_ =	strace s3  }
0x9d: {  	_ =	strace $0x8FFFFFFF  }
0x9e: {  	s18 =	sld [smem:$0x3FDB];
	_ =	sdelay $0x1  }
0x9f: {  	s19 =	simm.s32 $_scs_section_size  }
0xa0: {  	s5 =	simm.s32 $_size__tile_overlayer_lowered;
	s6 =	simm.s32 $_tile_overlayer_lowered  }
0xa1: {  	s22 =	simm.s32 $0x1BFF;
	s21 =	sshll.u32 s6, $0x1;
	s3 =	sadd.s32 s19, s18  }
0xa2: {  	s7 =	simm.s32 $0x0;
	s20 =	sshll.u32 s5, $0x1;
	s5 =	sadd.s32 s21, s3  }
0xa3: {  	[timem:s7], [sflag:s22] =	dma.local [hbm:s5], s20  }
0xa4: {  	_ =	swait.ge [sflag:s22], s20  }
0xa5: {  	s4 =	ssub.s32 $0x0, s20;
	[sflag:s22] =	ssyncset.done $0x0  }
0xa6: {  	[sflag:s22] =	ssyncadd.s32 s4;
	_ =	sdelay $0x1  }
0xa7: {  	s23 =	simm.s32 $0x1B8B  }
0xa8: {  	_ =	swait.ge [sflag:s23], $0x1  }
0xa9: {  	[sflag:s23] =	ssyncset.done $0x0  }
0xaa: {  	s25 =	simm.s32 $0x1B8E;
	s24 =	sld [smem:$0x3FFE];
	[sflag:s23] =	ssyncadd.s32 $0xFFFFFFFF  }
0xab: {  	s26 =	simm.s32 $execute0_lowered;
	[smem:$0x3FD2] =	sst s25  }
0xac: {  	s5 =	sshll.u32 s26, $0x1;
	_ =	strace $0x80000049;
	[dreg:$0x1] =	wrdreg $0xFFFFFFFF  }
0xad: {  	s28 =	simm.s32 $_size_execute0_lowered;
	s3 =	sadd.s32 s3, s5;
	[dreg:$0x0] =	wrdreg $0x0  }
0xae: {  	s5 =	sshll.u32 s28, $0x1;
	[dreg:$0x2] =	wrdreg s3  }
0xaf: {  	[dreg:$0x3] =	wrdreg s5  }
0xb0: {  	[dreg:$0x4] =	wrdreg $0xC0  }
0xb1: {  	_ =	task [dreg:s7], $0x5FFFF  }
0xb2: {  	[dreg:$0x1] =	wrdreg $0xFFFFFFFF  }
0xb3: {  	[dreg:$0x0] =	wrdreg $0x60  }
0xb4: {  	[dreg:$0x2] =	wrdreg s24  }
0xb5: {  	[dreg:$0x3] =	wrdreg s16  }
0xb6: {  	[dreg:$0x4] =	wrdreg $0xAA000  }
0xb7: {  	[dreg:$0x5] =	wrdreg $0x9  }
0xb8: {  	_ =	task.clear_ibuf [dreg:s7], $0x6FFFF;
	_ =	strace $0x90000049  }
0xb9: {  	s29 =	simm.s32 $0x9;
	_ =	strace $0x8000004B  }
0xba: {  	_ =	swait.ge [sflag:s29], $0x1  }
0xbb: {  	[sflag:s29] =	ssyncadd.s32 $0xFFFFFFFF  }
0xbc: {  	_ =	strace $0x9000004B  }
0xbd: {  	_ =	sfence  }
0xbe: {  	s30 =	sld [smem:$0x0];
	_ =	sdelay $0x2  }
0xbf: {  	s31 =	sshll.u32 s1, $0xD;
	s1 =	sshrl.u32 s1, $0x2  }
0xc0: {  	s3 =	sand.u32 $0x4000, s31;
	s1 =	sadd.s32 s1, s30  }
0xc1: {  	s0 =	sor.u32 s3, s0;
	s1 =	sshll.u32 s1, $0x11  }
0xc2: {  	s0 =	sor.u32 s1, s0  }
0xc3: {  	s0 =	sadd.s32 $0x8F2B, s0  }
0xc4: {  	[sflag:s0] =	ssyncadd.remote.s32 $0x1  }
0xc5: {  	_ =	sfence.sel $0xFFFF  }
0xc6: {  	[dreg:$0x0] =	wrdreg $0xFFFFFFFF;
	(pc) =	sbr.abs _section_cstart, $3  }
0xc7: {  	[dreg:$0x1] =	wrdreg $0xFFFFFFFF  }
0xc8: {  	_ =	task.clear_ibuf [dreg:s7], $0x2FFFF;
	_ =	strace $0x9FFFFFFF  }
0xc9: {  	(tm) =	ssettm $0x7FFFFFFF  }
tec
execute0_lowered:
.L_overlay_start_1:
0x0: {  	(tag) =	ssettag $0x1  }
0x1: {  	s6 =	rddreg [dreg:$0x0]  }
0x2: {  	s7 =	rddreg [dreg:$0x1]  }
0x3: {  	s2 =	rddreg [dreg:$0x2]  }
0x4: {  	s0 =	rddreg [dreg:$0x3]  }
0x5: {  	s4 =	srdreg.scid;
	s1 =	stileid.u32  }
0x6: {  	s3 =	simm.s32 $0x0;
	s12 =	simm.s32 $0x80;
	s13 =	simm.s32 $0x2800  }
0x7: {  	s14 =	simm.s32 $0x2A00;
	s15 =	simm.s32 $0x1;
	s16 =	simm.s32 $0x2  }
0x8: {  	s17 =	simm.s32 $0x0;
	s8 =	sand.u32 $0x1, s4;
	s9 =	smul.u32 $0x2780, s1  }
0x9: {  	[smem:$0x7FF] =	sst s3;
	s4 =	sadd.s32 $0x2600, s6;
	s26 =	smul.u32 $0x4F000, s1  }
0xa: {  	s5 =	sadd.s32 $0x29E00, s6;
	s31 =	sshll.u32 s1, $0x6;
	s10 =	smul.u32 $0x27800, s8  }
0xb: {  	_ =	strace $0x8000004A;
	s11 =	sshll.u32 s8, $0x4;
	s28 =	ssub.s32 $0x2, s8  }
.Ltmp0:
0xc: {  	s29 =	sor.u32 s1, s11;
	s30 =	sshrl.u32 s28, $0x1;
	(pc) =	sbr.rel .LBB2_1-.Ltmp0, $4  }
0xd: {  	s9 =	sadd.s32 s9, s10;
	s10 =	sshrl.u32 s26, $0x2;
	s8 =	smul.u32 $0x500, s29  }
0xe: {  	s11 =	ssub.s32 s28, s30;
	s9 =	sadd.s32 s9, s6;
	s10 =	sadd.s32 s10, s2  }
0xf: {  	s6 =	sor.u32 $0x1C03, s31;
	s7 =	sadd.s32 s7, s8;
	s8 =	sadd.s32 $0x2C600, s9  }
0x10: {  	v0 =	vimm.s32 $0x0;
	s9 =	smax.u32 s11, $0x1;
	s10 =	sshrl.u32 s10, $0x3;
	s11 =	simm.s32 $0x3  }
.LBB2_5:
0x11: {  	_ =	swait.ge [sflag:s16], $0x4000  }
0x12: {  	s17 =	sadd.s32 $0x1, s17;
	[sflag:s16] =	ssyncset.done $0x0  }
0x13: {  	p0 =	sne.s32 s17, s9;
	[sflag:s16] =	ssyncadd.s32 $0xFFFFC000  }
.Ltmp1:
0x14: {  	[bflag:$0x0] =	sbarrier.arrive $0xFFFF;
	(pc) =	sbr.rel @!p0 .LBB2_6-.Ltmp1, $4  }
0x15: {  	[hbm:s8], [sflag:s6] =	dma.local [spmem:s10], $0x2780  }
0x16: {  	_ =	swait.ge [sflag:s11], $0x2780  }
0x17: {  	[sflag:s11] =	ssyncset.done $0x0  }
0x18: {  	[sflag:s11] =	ssyncadd.s32 $0xFFFFD880  }
.LBB2_1:
0x19: {  	[spmem:s10], [sflag:s6] =	dma.local [hbm:s5], $0x2780  }
0x1a: {  	_ =	swait.ge [sflag:s11], $0x2780  }
0x1b: {  	[sflag:s11] =	ssyncset.done $0x0  }
0x1c: {  	[sflag:s11] =	ssyncadd.s32 $0xFFFFD880  }
0x1d: {  	[tilespmem:s3], [sflag:$0x3] =	stream.linear.gather [hbm4b:s7+s3], $0x2800, $0x38;
	[tilespmem:$0x1E600] =	vst v63  }
0x1e: {  	_ =	swait.ge [sflag:s11], $0x2800  }
0x1f: {  	[sflag:s11] =	ssyncset.done $0x0  }
0x20: {  	[sflag:s11] =	ssyncadd.s32 $0xFFFFD800  }
0x21: {  	[bflag:$0x0] =	sbarrier.arrive $0xFFFF  }
0x22: {  	v1 =	vld [tilespmem:$0x0]  }
0x23: {  	v3 =	vld [tilespmem:$0x10]  }
0x24: {  	v4 =	vld [tilespmem:$0x20]  }
0x25: {  	v7 =	vld [tilespmem:$0x30]  }
0x26: {  	v10 =	vld [tilespmem:$0x40]  }
0x27: {  	v12 =	vld [tilespmem:$0x50]  }
0x28: {  	v13 =	vld [tilespmem:$0x60]  }
0x29: {  	v54 =	vld [tilespmem:$0x70];
	v2 =	vshra.s32 v1, $0x1F  }
0x2a: {  	vm0 =	vlt.s32 v1, $0x1;
	v6 =	vshra.s32 v3, $0x1F;
	v8 =	vshra.s32 v4, $0x1F  }
0x2b: {  	vm14 =	vlt.s32 v3, $0x1;
	vm4 =	vlt.s32 v4, $0x1;
	v11 =	vshra.s32 v7, $0x1F  }
0x2c: {  	vm6 =	vlt.s32 v7, $0x1;
	v50 =	vshra.s32 v10, $0x1F;
	v53 =	vshra.s32 v12, $0x1F  }
0x2d: {  	vm8 =	vlt.s32 v10, $0x1;
	vm10 =	vlt.s32 v12, $0x1;
	v59 =	vshra.s32 v13, $0x1F  }
0x2e: {  	v61 =	vshra.s32 v54, $0x1F;
	vm12 =	vlt.s32 v13, $0x1;
	v2 =	vshrl.u32 v2, $0x12  }
0x2f: {  	v6 =	vshrl.u32 v6, $0x12;
	v8 =	vshrl.u32 v8, $0x12;
	v47 =	vshrl.u32 v11, $0x12  }
0x30: {  	v11 =	vshrl.u32 v50, $0x12;
	v2 =	vadd.s32 v2, v1;
	v6 =	vadd.s32 v6, v3  }
0x31: {  	v8 =	vadd.s32 v8, v4;
	v11 =	vadd.s32 v11, v10;
	v2 =	vshra.s32 v2, $0xE  }
0x32: {  	v45 =	vand.u32 $0xFFFFC000, v6;
	v6 =	vshra.s32 v6, $0xE;
	v9 =	vand.u32 $0xFFFFC000, v8  }
0x33: {  	v8 =	vshra.s32 v8, $0xE;
	v52 =	vand.u32 $0xFFFFC000, v11;
	v5 =	vshll.u32 v2, $0xE  }
0x34: {  	vm15 =	vne.s32 v3, v45;
	v3 =	vsub.s32 v3, v45;
	vm5 =	vne.s32 v4, v9  }
0x35: {  	v4 =	vsub.s32 v4, v9;
	vm9 =	vne.s32 v10, v52;
	vm1 =	vne.s32 v1, v5  }
0x36: {  	v55 =	vsub.s32 v10, v52;
	v1 =	vsub.s32 v1, v5;
	vm0 =	vmand vm0, vm1  }
0x37: {  	[tilespmem:$0x2810] =	vst v3;
	v3 =	vshra.s32 v11, $0xE;
	v44 =	vsel vm0, $0xFFFFFFFF, v0;
	vm0 =	vmand vm14, vm15  }
0x38: {  	v2 =	vadd.s32 v44, v2;
	v46 =	vsel vm0, $0xFFFFFFFF, v0;
	vm0 =	vmand vm4, vm5  }
0x39: {  	v5 =	vadd.s32 v46, v6;
	v48 =	vsel vm0, $0xFFFFFFFF, v0;
	v6 =	vadd.s32 v47, v7  }
0x3a: {  	[tilespmem:$0x2900] =	vst v2;
	v2 =	vshrl.u32 v53, $0x12;
	v8 =	vadd.s32 v48, v8;
	v49 =	vand.u32 $0xFFFFC000, v6  }
0x3b: {  	[tilespmem:$0x2820] =	vst v4;
	v6 =	vshra.s32 v6, $0xE;
	v2 =	vadd.s32 v2, v12;
	vm7 =	vne.s32 v7, v49  }
0x3c: {  	[tilespmem:$0x2840] =	vst v55;
	v7 =	vsub.s32 v7, v49;
	v57 =	vand.u32 $0xFFFFC000, v2;
	vm0 =	vmand vm6, vm7  }
0x3d: {  	[tilespmem:$0x2800] =	vst v1;
	vm11 =	vne.s32 v12, v57;
	v51 =	vsel vm0, $0xFFFFFFFF, v0;
	vm0 =	vmand vm8, vm9  }
0x3e: {  	[tilespmem:$0x2910] =	vst v5;
	v2 =	vshra.s32 v2, $0xE;
	v56 =	vsel vm0, $0xFFFFFFFF, v0;
	vm0 =	vmand vm10, vm11  }
0x3f: {  	[tilespmem:$0x2920] =	vst v8;
	v1 =	vadd.s32 v51, v6;
	v6 =	vshrl.u32 v59, $0x12;
	v60 =	vsel vm0, $0xFFFFFFFF, v0  }
0x40: {  	v3 =	vadd.s32 v56, v3;
	[tilespmem:$0x2930] =	vst v1;
	v1 =	vadd.s32 v60, v2;
	v2 =	vadd.s32 v6, v13  }
0x41: {  	[tilespmem:$0x2830] =	vst v7;
	v6 =	vshrl.u32 v61, $0x12;
	v62 =	vshra.s32 v2, $0xE;
	v2 =	vand.u32 $0xFFFFC000, v2  }
0x42: {  	v58 =	vsub.s32 v12, v57;
	[tilespmem:$0x2940] =	vst v3;
	v3 =	vadd.s32 v6, v54;
	vm13 =	vne.s32 v13, v2  }
0x43: {  	vm14 =	vlt.s32 v54, $0x1;
	[tilespmem:$0x2850] =	vst v58;
	v63 =	vand.u32 $0xFFFFC000, v3;
	vm0 =	vmand vm12, vm13  }
0x44: {  	[tilespmem:$0x2950] =	vst v1;
	v2 =	vsub.s32 v13, v2;
	vm15 =	vne.s32 v54, v63;
	v1 =	vsel vm0, $0xFFFFFFFF, v0  }
.Ltmp2:
0x45: {  	[tilespmem:$0x2860] =	vst v2;
	vm0 =	vmand vm14, vm15;
	v1 =	vadd.s32 v1, v62;
	(pc) =	sbr.rel .LBB2_2-.Ltmp2, $4  }
0x46: {  	v2 =	vsub.s32 v54, v63;
	[tilespmem:$0x2960] =	vst v1;
	v1 =	vshra.s32 v3, $0xE;
	v3 =	vsel vm0, $0xFFFFFFFF, v0  }
0x47: {  	[tilespmem:$0x2870] =	vst v2;
	v1 =	vadd.s32 v3, v1  }
0x48: {  	s20 =	simm.s32 $0x0;
	[tilespmem:$0x2970] =	vst v1  }
0x49: {  	[tilespmem:s14], [sflag:$0x1] =	stream.indirect.gather [hbm4b:s4+s12], $0x80, s13, s12, $0xb8;
	[tilespmem:$0x1E600] =	vst v63  }
.LBB2_4:
0x4a: {  	p0 =	slt.u32 s18, $0x50  }
.Ltmp3:
0x4b: {  	_ =	swait.ge [sflag:s15], $0x4000;
	(pc) =	sbr.rel @!p0 .LBB2_5-.Ltmp3, $4  }
0x4c: {  	s20 =	sshll.u32 s19, $0xE;
	s31 =	sshll.u32 s19, $0x7;
	[sflag:s15] =	ssyncset.done $0x0  }
0x4d: {  	s20 =	sor.u32 $0x2A00, s20;
	s19 =	sor.u32 $0x2900, s31;
	[sflag:s15] =	ssyncadd.s32 $0xFFFFC000  }
0x4e: {  	[spmem:s2] =	stream.indirect.scatter.add.f32 [tilespmem:s20], [sflag:$0x2], $0x80, s19, s12, $0xb8;
	[tilespmem:$0x1E600] =	vst v63  }
0x4f: {  	s20 =	smov.u32 s18  }
.LBB2_2:
0x50: {  	p0 =	seq.s32 s20, $0x0  }
0x51: {  	p1 =	seq.s32 @!p0 s20, $0x4F  }
0x52: {  	p1 =	por p0, !p1  }
.Ltmp4:
0x53: {  	_ = 	snop;
	(pc) =	sbr.rel @!p1 .LBB2_4-.Ltmp4, $4  }
0x54: {  	s18 =	simm.s32 @!p0 $0x2  }
0x55: {  	_ =	swait.ge @!p0 [sflag:s18], $0x4000  }
0x56: {  	[sflag:s18] =	ssyncset.done @!p0 $0x0  }
0x57: {  	s19 =	sand.u32 $0x1, s20;
	[sflag:s18] =	ssyncadd.s32 @!p0 $0xFFFFC000;
	s18 =	simm.s32 @!p0 $0x50  }
0x58: {  	s18 =	sadd.s32 @!p0 $0x1, s20  }
0x59: {  	s18 =	simm.s32 @p0 $0x1  }
0x5a: {  	s29 =	sshll.u32 s18, $0x7  }
0x5b: {  	s22 =	sand.u32 $0x3FFFFF80, s29  }
0x5c: {  	v1 =	vld [tilespmem:s22+$0x0];
	_ =	sdelay $0x4  }
0x5d: {  	v2 =	vshra.s32 v1, $0x1F  }
0x5e: {  	v2 =	vshrl.u32 v2, $0x12  }
0x5f: {  	v2 =	vadd.s32 v2, v1  }
0x60: {  	v2 =	vshra.s32 v2, $0xE  }
0x61: {  	v3 =	vshll.u32 v2, $0xE  }
0x62: {  	vm0 =	vlt.s32 v1, $0x1;
	vm1 =	vne.s32 v1, v3  }
0x63: {  	s30 =	sxor.u32 $0x1, s19;
	vm0 =	vmand vm0, vm1  }
0x64: {  	s21 =	sshll.u32 s30, $0x7;
	v1 =	vsub.s32 v1, v3;
	v3 =	vsel vm0, $0xFFFFFFFF, v0  }
0x65: {  	[tilespmem:s21+$0x2800] =	vst v1;
	v1 =	vadd.s32 v3, v2  }
0x66: {  	[tilespmem:s21+$0x2900] =	vst v1  }
0x67: {  	v1 =	vld [tilespmem:s22+$0x10];
	_ =	sdelay $0x4  }
0x68: {  	v2 =	vshra.s32 v1, $0x1F  }
0x69: {  	v2 =	vshrl.u32 v2, $0x12  }
0x6a: {  	v2 =	vadd.s32 v2, v1  }
0x6b: {  	v3 =	vand.u32 $0xFFFFC000, v2  }
0x6c: {  	vm14 =	vlt.s32 v1, $0x1;
	vm15 =	vne.s32 v1, v3  }
0x6d: {  	vm0 =	vmand vm14, vm15  }
0x6e: {  	v2 =	vshra.s32 v2, $0xE;
	v1 =	vsub.s32 v1, v3;
	v3 =	vsel vm0, $0xFFFFFFFF, v0  }
0x6f: {  	[tilespmem:s21+$0x2810] =	vst v1;
	v1 =	vadd.s32 v3, v2  }
0x70: {  	[tilespmem:s21+$0x2910] =	vst v1  }
0x71: {  	v1 =	vld [tilespmem:s22+$0x20];
	_ =	sdelay $0x4  }
0x72: {  	v2 =	vshra.s32 v1, $0x1F  }
0x73: {  	v2 =	vshrl.u32 v2, $0x12  }
0x74: {  	v2 =	vadd.s32 v2, v1  }
0x75: {  	v3 =	vand.u32 $0xFFFFC000, v2  }
0x76: {  	vm4 =	vlt.s32 v1, $0x1;
	vm5 =	vne.s32 v1, v3  }
0x77: {  	vm0 =	vmand vm4, vm5  }
0x78: {  	v2 =	vshra.s32 v2, $0xE;
	v1 =	vsub.s32 v1, v3;
	v3 =	vsel vm0, $0xFFFFFFFF, v0  }
0x79: {  	[tilespmem:s21+$0x2820] =	vst v1;
	v1 =	vadd.s32 v3, v2  }
0x7a: {  	[tilespmem:s21+$0x2920] =	vst v1  }
0x7b: {  	v1 =	vld [tilespmem:s22+$0x30];
	_ =	sdelay $0x4  }
0x7c: {  	v2 =	vshra.s32 v1, $0x1F  }
0x7d: {  	v2 =	vshrl.u32 v2, $0x12  }
0x7e: {  	v2 =	vadd.s32 v2, v1  }
0x7f: {  	v3 =	vand.u32 $0xFFFFC000, v2  }
0x80: {  	vm6 =	vlt.s32 v1, $0x1;
	vm7 =	vne.s32 v1, v3  }
0x81: {  	vm0 =	vmand vm6, vm7  }
0x82: {  	v2 =	vshra.s32 v2, $0xE;
	v1 =	vsub.s32 v1, v3;
	v3 =	vsel vm0, $0xFFFFFFFF, v0  }
0x83: {  	[tilespmem:s21+$0x2830] =	vst v1;
	v1 =	vadd.s32 v3, v2  }
0x84: {  	[tilespmem:s21+$0x2930] =	vst v1  }
0x85: {  	v1 =	vld [tilespmem:s22+$0x40];
	_ =	sdelay $0x4  }
0x86: {  	v2 =	vshra.s32 v1, $0x1F  }
0x87: {  	v2 =	vshrl.u32 v2, $0x12  }
0x88: {  	v2 =	vadd.s32 v2, v1  }
0x89: {  	v3 =	vand.u32 $0xFFFFC000, v2  }
0x8a: {  	vm8 =	vlt.s32 v1, $0x1;
	vm9 =	vne.s32 v1, v3  }
0x8b: {  	vm0 =	vmand vm8, vm9  }
0x8c: {  	v2 =	vshra.s32 v2, $0xE;
	v1 =	vsub.s32 v1, v3;
	v3 =	vsel vm0, $0xFFFFFFFF, v0  }
0x8d: {  	[tilespmem:s21+$0x2840] =	vst v1;
	v1 =	vadd.s32 v3, v2  }
0x8e: {  	[tilespmem:s21+$0x2940] =	vst v1  }
0x8f: {  	v1 =	vld [tilespmem:s22+$0x50];
	_ =	sdelay $0x4  }
0x90: {  	v2 =	vshra.s32 v1, $0x1F  }
0x91: {  	v2 =	vshrl.u32 v2, $0x12  }
0x92: {  	v2 =	vadd.s32 v2, v1  }
0x93: {  	v3 =	vand.u32 $0xFFFFC000, v2  }
0x94: {  	vm10 =	vlt.s32 v1, $0x1;
	vm11 =	vne.s32 v1, v3  }
0x95: {  	vm0 =	vmand vm10, vm11  }
0x96: {  	v2 =	vshra.s32 v2, $0xE;
	v1 =	vsub.s32 v1, v3;
	v3 =	vsel vm0, $0xFFFFFFFF, v0  }
0x97: {  	[tilespmem:s21+$0x2850] =	vst v1;
	v1 =	vadd.s32 v3, v2  }
0x98: {  	[tilespmem:s21+$0x2950] =	vst v1  }
0x99: {  	v1 =	vld [tilespmem:s22+$0x60];
	_ =	sdelay $0x4  }
0x9a: {  	v2 =	vshra.s32 v1, $0x1F  }
0x9b: {  	v2 =	vshrl.u32 v2, $0x12  }
0x9c: {  	v2 =	vadd.s32 v2, v1  }
0x9d: {  	v3 =	vand.u32 $0xFFFFC000, v2  }
0x9e: {  	vm12 =	vlt.s32 v1, $0x1;
	vm13 =	vne.s32 v1, v3  }
0x9f: {  	vm0 =	vmand vm12, vm13  }
0xa0: {  	v2 =	vshra.s32 v2, $0xE;
	v1 =	vsub.s32 v1, v3;
	v3 =	vsel vm0, $0xFFFFFFFF, v0  }
0xa1: {  	[tilespmem:s21+$0x2860] =	vst v1;
	v1 =	vadd.s32 v3, v2  }
0xa2: {  	[tilespmem:s21+$0x2960] =	vst v1  }
0xa3: {  	v1 =	vld [tilespmem:s22+$0x70];
	_ =	sdelay $0x4  }
0xa4: {  	v2 =	vshra.s32 v1, $0x1F  }
0xa5: {  	v2 =	vshrl.u32 v2, $0x12  }
0xa6: {  	v2 =	vadd.s32 v2, v1  }
0xa7: {  	v3 =	vand.u32 $0xFFFFC000, v2  }
0xa8: {  	vm14 =	vlt.s32 v1, $0x1;
	vm15 =	vne.s32 v1, v3  }
.Ltmp5:
0xa9: {  	vm0 =	vmand vm14, vm15;
	(pc) =	sbr.rel .LBB2_4-.Ltmp5, $4  }
0xaa: {  	v2 =	vshra.s32 v2, $0xE;
	v1 =	vsub.s32 v1, v3;
	v3 =	vsel vm0, $0xFFFFFFFF, v0  }
0xab: {  	s20 =	sshll.u32 s30, $0xE;
	[tilespmem:s21+$0x2870] =	vst v1;
	v1 =	vadd.s32 v3, v2  }
0xac: {  	s31 =	sor.u32 $0x2800, s21;
	s20 =	sor.u32 $0x2A00, s20;
	[tilespmem:s21+$0x2970] =	vst v1  }
0xad: {  	[tilespmem:s20], [sflag:$0x1] =	stream.indirect.gather [hbm4b:s4+s12], $0x80, s31, s12, $0xb8;
	[tilespmem:$0x1E600] =	vst v63  }
.LBB2_6:
0xae: {  	_ =	sfence.sel $0x180000  }
0xaf: {  	[bflag:$0x0] =	sbarrier.arrive $0xFFFF  }
0xb0: {  	p0 =	sne.s32 s1, $0x0;
	_ =	strace $0x9000004A  }
0xb1: {  	s0 =	sadd.s32 @!p0 $0x100000, s0;
	[bflag:$0x2] =	sbarrier.arrive $0xFFFF  }
0xb2: {  	[sflag:s0] =	ssyncadd.tile.s32 @!p0 $0x1;
	_ =	shalt  }
.Lfunc_end2:
_tile_overlayer_lowered:
.L_overlay_start_2:
0xb3: {  	(tag) =	ssettag $0x2  }
0xb4: {  	s0 =	rddreg [dreg:$0x0];
	s2 =	stileid.u32  }
0xb5: {  	s1 =	rddreg [dreg:$0x1];
	p0 =	sne.s32 s2, $0x0  }
0xb6: {  	s3 =	rddreg [dreg:$0x2];
	[bflag:$0x3] =	sbarrier.arrive $0xFFFF;
	s2 =	simm.s32 @!p0 $0x1C03  }
0xb7: {  	[timem:s3], [sflag:s2] =	dma.local @!p0 [hbm:s0], s1  }
0xb8: {  	s0 =	simm.s32 @!p0 $0x3  }
0xb9: {  	_ =	swait.ge @!p0 [sflag:s0], s1  }
0xba: {  	s1 =	ssub.s32 @!p0 $0x0, s1;
	[sflag:s0] =	ssyncset.done @!p0 $0x0  }
0xbb: {  	[sflag:s0] =	ssyncadd.s32 @!p0 s1  }
0xbc: {  	[bflag:$0x3] =	sbarrier.arrive $0xFFFF  }
0xbd: {  	_ =	shalt  }

// kernel: kernel.14.cloned.1.call-start
scs
__scs_entry_jumppad:
0x0: {  	(pc) =	sbr.rel $0x88, $3  }
0x1: {  	(tag) =	ssettag $0x0;
	lr =	simm.s32 $0x1  }
0x2: {  	[smem:$0x3F9B] =	sst lr;
	_ =	strace $0xD0000000  }
0x3: {  	_ = 	snop  }
0x4: {  	_ = 	snop  }
0x5: {  	_ = 	snop  }
0x6: {  	_ = 	snop  }
0x7: {  	_ = 	snop  }
__scs_overlays_trampoline_lowered:
0x8: {  	[smem:$0x3FAA] =	sst s0  }
0x9: {  	[smem:$0x3FAB] =	sst s1  }
0xa: {  	[smem:$0x3FAC] =	sst s2  }
0xb: {  	[smem:$0x3FAD] =	sst s3  }
0xc: {  	[smem:$0x3FAE] =	sst s4  }
0xd: {  	[smem:$0x3FAF] =	sst s5  }
0xe: {  	[smem:$0x3FB0] =	sst s6  }
0xf: {  	[smem:$0x3FB1] =	sst s7  }
0x10: {  	[smem:$0x3FB2] =	sst s8  }
0x11: {  	[smem:$0x3FB3] =	sst s9;
	s0 =	simm.s32 @!p0 $0x0  }
0x12: {  	s1 =	sld [smem:$0x3F99];
	s0 =	simm.s32 @p0 $0x1  }
0x13: {  	[smem:$0x3FB4] =	sst s0;
	s0 =	simm.s32 @!p1 $0x0  }
0x14: {  	s2 =	sld [smem:$0x3F98];
	s0 =	simm.s32 @p1 $0x1  }
0x15: {  	[smem:$0x3FB5] =	sst s0;
	s0 =	simm.s32 @!p2 $0x0  }
0x16: {  	s3 =	sld [smem:$0x3FDB];
	s0 =	simm.s32 @p2 $0x1  }
0x17: {  	s4 =	simm.s32 $0x1BF5;
	[smem:$0x3FB7] =	sst s0  }
0x18: {  	s0 =	sld [smem:$0x3F9A];
	_ =	swait.ge [sflag:s4], $0x0  }
0x19: {  	s7 =	sld [smem:$0x3F9B]  }
0x1a: {  	s8 =	sadd.s32 $0xFFFFE003, lr  }
0x1b: {  	s9 =	sadd.s32 $0xFFFFFEF7, lr;
	s5 =	simm.s32 $0xFFFFFFFF;
	p2 =	slt.u32 s8, $0xFFFFF086  }
0x1c: {  	p1 =	slt.u32 s9, $0xF7A;
	s5 =	simm.s32 @!p2 $0x0  }
0x1d: {  	s5 =	simm.s32 @p1 $0x1;
	p0 =	seq.s32 s7, s2  }
0x1e: {  	s7 =	smul.u32 @!p0 $0xF7A, s2;
	p2 =	seq.s32 @!p0 s5, $0x0  }
0x1f: {  	s9 =	smul.u32 $0xF7A, s1;
	s8 =	simm.s32 @!p0 $0x1BF5;
	p2 =	por !p2, p0  }
0x20: {  	[sflag:s8] =	ssyncset.s32 @!p0 $0xFFFFF086;
	s6 =	sadd.s32 @!p0 s3, s7;
	s7 =	simm.s32 @!p0 $0x108  }
0x21: {  	s3 =	sadd.s32 s3, s9;
	s6 =	sadd.s32 @!p0 $0x88, s6;
	s7 =	simm.s32 @p2 $0x1082  }
0x22: {  	[simem:s7], [sflag:s8] =	dma.local @!p0 [hbm:s6], $0xF7A  }
0x23: {  	s9 =	sor.u32 $0xD0000000, s2;
	s6 =	simm.s32 $0x108;
	_ =	swait.ge @!p0 [sflag:s8], $0x0  }
0x24: {  	s3 =	sadd.s32 $0x88, s3;
	s6 =	simm.s32 @!p1 $0x1082;
	[sflag:s4] =	ssyncset.s32 $0xFFFFF086  }
0x25: {  	[simem:s6], [sflag:s4] =	dma.local [hbm:s3], $0xF7A  }
0x26: {  	[smem:$0x3F9B] =	sst s1;
	(tag) =	ssettag s2;
	_ =	strace s9  }
0x27: {  	s1 =	sld [smem:$0x3FAB]  }
0x28: {  	s2 =	sld [smem:$0x3FAC]  }
0x29: {  	s4 =	sld [smem:$0x3FAE]  }
0x2a: {  	p0 =	seq.s32 s5, $0x0;
	s5 =	sld [smem:$0x3FAF]  }
0x2b: {  	s6 =	sld [smem:$0x3FB0]  }
0x2c: {  	s7 =	sld [smem:$0x3FB1]  }
0x2d: {  	s3 =	simm.s32 $0x108;
	s8 =	sld [smem:$0x3FB2]  }
0x2e: {  	s3 =	simm.s32 @!p0 $0x1082;
	s9 =	sld [smem:$0x3FB3]  }
0x2f: {  	lr =	sadd.s32 s0, s3;
	s0 =	sld [smem:$0x3FAA]  }
0x30: {  	s3 =	sld [smem:$0x3FAD]  }
0x31: {  	[smem:$0x3FB6] =	sst s10  }
0x32: {  	s10 =	sld [smem:$0x3FB4];
	_ =	sdelay $0x3  }
0x33: {  	p0 =	seq.s32 s10, $0x1;
	s10 =	sld [smem:$0x3FB6];
	_ =	sdelay $0x3  }
0x34: {  	[smem:$0x3FB6] =	sst s10  }
0x35: {  	s10 =	sld [smem:$0x3FB5];
	_ =	sdelay $0x3  }
0x36: {  	p1 =	seq.s32 s10, $0x1;
	s10 =	sld [smem:$0x3FB6];
	_ =	sdelay $0x3  }
0x37: {  	[smem:$0x3FB6] =	sst s10  }
0x38: {  	s10 =	sld [smem:$0x3FB7]  }
0x39: {  	_ = 	snop;
	(pc) =	sbr.ind lr, $3  }
0x3a: {  	_ = 	snop  }
0x3b: {  	_ = 	snop  }
0x3c: {  	p2 =	seq.s32 s10, $0x1;
	s10 =	sld [smem:$0x3FB6]  }
0x3d: {  	_ =	shalt  }
0x3e: {  	_ =	shalt  }
0x3f: {  	_ =	shalt  }
0x40: {  	_ =	shalt  }
0x41: {  	_ =	shalt  }
0x42: {  	_ =	shalt  }
0x43: {  	_ =	shalt  }
0x44: {  	_ =	shalt  }
0x45: {  	_ =	shalt  }
0x46: {  	_ =	shalt  }
0x47: {  	_ =	shalt  }
0x48: {  	_ =	shalt  }
0x49: {  	_ =	shalt  }
0x4a: {  	_ =	shalt  }
0x4b: {  	_ =	shalt  }
0x4c: {  	_ =	shalt  }
0x4d: {  	_ =	shalt  }
0x4e: {  	_ =	shalt  }
0x4f: {  	_ =	shalt  }
0x50: {  	_ =	shalt  }
0x51: {  	_ =	shalt  }
0x52: {  	_ =	shalt  }
0x53: {  	_ =	shalt  }
0x54: {  	_ =	shalt  }
0x55: {  	_ =	shalt  }
0x56: {  	_ =	shalt  }
0x57: {  	_ =	shalt  }
0x58: {  	_ =	shalt  }
0x59: {  	_ =	shalt  }
0x5a: {  	_ =	shalt  }
0x5b: {  	_ =	shalt  }
0x5c: {  	_ =	shalt  }
0x5d: {  	_ =	shalt  }
0x5e: {  	_ =	shalt  }
0x5f: {  	_ =	shalt  }
0x60: {  	_ =	shalt  }
0x61: {  	_ =	shalt  }
0x62: {  	_ =	shalt  }
0x63: {  	_ =	shalt  }
0x64: {  	_ =	shalt  }
0x65: {  	_ =	shalt  }
0x66: {  	_ =	shalt  }
0x67: {  	_ =	shalt  }
0x68: {  	_ =	shalt  }
0x69: {  	_ =	shalt  }
0x6a: {  	_ =	shalt  }
0x6b: {  	_ =	shalt  }
0x6c: {  	_ =	shalt  }
0x6d: {  	_ =	shalt  }
0x6e: {  	_ =	shalt  }
0x6f: {  	_ =	shalt  }
0x70: {  	_ =	shalt  }
0x71: {  	_ =	shalt  }
0x72: {  	_ =	shalt  }
0x73: {  	_ =	shalt  }
0x74: {  	_ =	shalt  }
0x75: {  	_ =	shalt  }
0x76: {  	_ =	shalt  }
0x77: {  	_ =	shalt  }
0x78: {  	_ =	shalt  }
0x79: {  	_ =	shalt  }
0x7a: {  	_ =	shalt  }
0x7b: {  	_ =	shalt  }
0x7c: {  	_ =	shalt  }
0x7d: {  	_ =	shalt  }
0x7e: {  	_ =	shalt  }
0x7f: {  	_ =	shalt  }
0x80: {  	_ =	shalt  }
0x81: {  	_ =	shalt  }
0x82: {  	_ =	shalt  }
0x83: {  	_ =	shalt  }
0x84: {  	_ =	shalt  }
0x85: {  	_ =	shalt  }
0x86: {  	_ =	shalt  }
0x87: {  	_ =	shalt  }
.Lfunc_end0:
.L_simem_size_0:
called_computation.2_lowered:
.L_overlay_start_0:
0x88: {  	s2 =	sld [smem:$0x3FD9]  }
0x89: {  	s3 =	sld [smem:$0x3FFE];
	_ =	sdelay $0x1  }
0x8a: {  	s1 =	srdreg.scid  }
0x8b: {  	s0 =	sand.u32 $0x1, s1  }
0x8c: {  	s14 =	sshll.u32 s0, $0xA;
	s2 =	sadd.s32 s3, s2  }
0x8d: {  	s2 =	sadd.s32 s2, s14  }
0x8e: {  	[smem:$0x3FC2] =	sst s2  }
0x8f: {  	_ = 	snop  }
0x90: {  	s2 =	sld [smem:$0x3FD0];
	_ =	sdelay $0x2  }
0x91: {  	s15 =	simm.s32 $0xA;
	s4 =	simm.s32 $0x10  }
0x92: {  	[smem:s4], [sflag:s15] =	dma.local [hbm:s2], $0x1  }
0x93: {  	_ =	swait.eq [sflag:s15], $0x1  }
0x94: {  	[sflag:s15] =	ssyncset.done $0x0  }
0x95: {  	[sflag:s15] =	ssyncadd.s32 $0xFFFFFFFF  }
0x96: {  	s16 =	sld [smem:$0x10];
	(tm) =	ssettm $0x1  }
0x97: {  	s17 =	sld [smem:$0x3FFB];
	_ =	sdelay $0x3  }
0x98: {  	_ =	strace s17  }
0x99: {  	s3 =	sld [smem:$0x3FFC];
	_ =	sdelay $0x3  }
0x9a: {  	_ =	strace s3  }
0x9b: {  	s3 =	sld [smem:$0x3FFD];
	_ =	sdelay $0x3  }
0x9c: {  	_ =	strace s3  }
0x9d: {  	_ =	strace $0x8FFFFFFF  }
0x9e: {  	s18 =	sld [smem:$0x3FDB];
	_ =	sdelay $0x1  }
0x9f: {  	s19 =	simm.s32 $_scs_section_size  }
0xa0: {  	s5 =	simm.s32 $_size__tile_overlayer_lowered;
	s6 =	simm.s32 $_tile_overlayer_lowered  }
0xa1: {  	s22 =	simm.s32 $0x1BFF;
	s21 =	sshll.u32 s6, $0x1;
	s3 =	sadd.s32 s19, s18  }
0xa2: {  	s7 =	simm.s32 $0x0;
	s20 =	sshll.u32 s5, $0x1;
	s5 =	sadd.s32 s21, s3  }
0xa3: {  	[timem:s7], [sflag:s22] =	dma.local [hbm:s5], s20  }
0xa4: {  	_ =	swait.ge [sflag:s22], s20  }
0xa5: {  	s4 =	ssub.s32 $0x0, s20;
	[sflag:s22] =	ssyncset.done $0x0  }
0xa6: {  	[sflag:s22] =	ssyncadd.s32 s4;
	_ =	sdelay $0x1  }
0xa7: {  	s23 =	simm.s32 $0x1B8B  }
0xa8: {  	_ =	swait.ge [sflag:s23], $0x1  }
0xa9: {  	[sflag:s23] =	ssyncset.done $0x0  }
0xaa: {  	s25 =	simm.s32 $0x1B8E;
	s24 =	sld [smem:$0x3FFE];
	[sflag:s23] =	ssyncadd.s32 $0xFFFFFFFF  }
0xab: {  	s26 =	simm.s32 $execute0_lowered;
	[smem:$0x3FD2] =	sst s25  }
0xac: {  	s5 =	sshll.u32 s26, $0x1;
	_ =	strace $0x8000004C;
	[dreg:$0x1] =	wrdreg $0xFFFFFFFF  }
0xad: {  	s28 =	simm.s32 $_size_execute0_lowered;
	s3 =	sadd.s32 s3, s5;
	[dreg:$0x0] =	wrdreg $0x0  }
0xae: {  	s5 =	sshll.u32 s28, $0x1;
	[dreg:$0x2] =	wrdreg s3  }
0xaf: {  	[dreg:$0x3] =	wrdreg s5  }
0xb0: {  	[dreg:$0x4] =	wrdreg $0xC0  }
0xb1: {  	_ =	task [dreg:s7], $0x5FFFF  }
0xb2: {  	[dreg:$0x1] =	wrdreg $0xFFFFFFFF  }
0xb3: {  	[dreg:$0x0] =	wrdreg $0x60  }
0xb4: {  	[dreg:$0x2] =	wrdreg s24  }
0xb5: {  	[dreg:$0x3] =	wrdreg s16  }
0xb6: {  	[dreg:$0x4] =	wrdreg $0xAA000  }
0xb7: {  	[dreg:$0x5] =	wrdreg $0x9  }
0xb8: {  	_ =	task.clear_ibuf [dreg:s7], $0x6FFFF;
	_ =	strace $0x9000004C  }
0xb9: {  	s29 =	simm.s32 $0x9;
	_ =	strace $0x8000004E  }
0xba: {  	_ =	swait.ge [sflag:s29], $0x1  }
0xbb: {  	[sflag:s29] =	ssyncadd.s32 $0xFFFFFFFF  }
0xbc: {  	_ =	strace $0x9000004E  }
0xbd: {  	_ =	sfence  }
0xbe: {  	s30 =	sld [smem:$0x0];
	_ =	sdelay $0x2  }
0xbf: {  	s31 =	sshll.u32 s1, $0xD;
	s1 =	sshrl.u32 s1, $0x2  }
0xc0: {  	s3 =	sand.u32 $0x4000, s31;
	s1 =	sadd.s32 s1, s30  }
0xc1: {  	s0 =	sor.u32 s3, s0;
	s1 =	sshll.u32 s1, $0x11  }
0xc2: {  	s0 =	sor.u32 s1, s0  }
0xc3: {  	s0 =	sadd.s32 $0x8F2B, s0  }
0xc4: {  	[sflag:s0] =	ssyncadd.remote.s32 $0x1  }
0xc5: {  	_ =	sfence.sel $0xFFFF  }
0xc6: {  	[dreg:$0x0] =	wrdreg $0xFFFFFFFF;
	(pc) =	sbr.abs _section_cstart, $3  }
0xc7: {  	[dreg:$0x1] =	wrdreg $0xFFFFFFFF  }
0xc8: {  	_ =	task.clear_ibuf [dreg:s7], $0x2FFFF;
	_ =	strace $0x9FFFFFFF  }
0xc9: {  	(tm) =	ssettm $0x7FFFFFFF  }
tec
execute0_lowered:
.L_overlay_start_1:
0x0: {  	(tag) =	ssettag $0x1  }
0x1: {  	s6 =	rddreg [dreg:$0x0]  }
0x2: {  	s7 =	rddreg [dreg:$0x1]  }
0x3: {  	s2 =	rddreg [dreg:$0x2]  }
0x4: {  	s0 =	rddreg [dreg:$0x3]  }
0x5: {  	s4 =	srdreg.scid;
	s1 =	stileid.u32  }
0x6: {  	s3 =	simm.s32 $0x0;
	s12 =	simm.s32 $0x80;
	s13 =	simm.s32 $0x2800  }
0x7: {  	s14 =	simm.s32 $0x2A00;
	s15 =	simm.s32 $0x1;
	s16 =	simm.s32 $0x2  }
0x8: {  	s17 =	simm.s32 $0x0;
	s8 =	sand.u32 $0x1, s4;
	s9 =	smul.u32 $0x2780, s1  }
0x9: {  	[smem:$0x7FF] =	sst s3;
	s4 =	sadd.s32 $0x2600, s6;
	s26 =	smul.u32 $0x4F000, s1  }
0xa: {  	s5 =	sadd.s32 $0x29E00, s6;
	s31 =	sshll.u32 s1, $0x6;
	s10 =	smul.u32 $0x27800, s8  }
0xb: {  	_ =	strace $0x8000004D;
	s11 =	sshll.u32 s8, $0x4;
	s28 =	ssub.s32 $0x2, s8  }
.Ltmp0:
0xc: {  	s29 =	sor.u32 s1, s11;
	s30 =	sshrl.u32 s28, $0x1;
	(pc) =	sbr.rel .LBB2_1-.Ltmp0, $4  }
0xd: {  	s9 =	sadd.s32 s9, s10;
	s10 =	sshrl.u32 s26, $0x2;
	s8 =	smul.u32 $0x500, s29  }
0xe: {  	s11 =	ssub.s32 s28, s30;
	s9 =	sadd.s32 s9, s6;
	s10 =	sadd.s32 s10, s2  }
0xf: {  	s6 =	sor.u32 $0x1C03, s31;
	s7 =	sadd.s32 s7, s8;
	s8 =	sadd.s32 $0x2C600, s9  }
0x10: {  	v0 =	vimm.s32 $0x0;
	s9 =	smax.u32 s11, $0x1;
	s10 =	sshrl.u32 s10, $0x3;
	s11 =	simm.s32 $0x3  }
.LBB2_5:
0x11: {  	_ =	swait.ge [sflag:s16], $0x4000  }
0x12: {  	s17 =	sadd.s32 $0x1, s17;
	[sflag:s16] =	ssyncset.done $0x0  }
0x13: {  	p0 =	sne.s32 s17, s9;
	[sflag:s16] =	ssyncadd.s32 $0xFFFFC000  }
.Ltmp1:
0x14: {  	[bflag:$0x0] =	sbarrier.arrive $0xFFFF;
	(pc) =	sbr.rel @!p0 .LBB2_6-.Ltmp1, $4  }
0x15: {  	[hbm:s8], [sflag:s6] =	dma.local [spmem:s10], $0x2780  }
0x16: {  	_ =	swait.ge [sflag:s11], $0x2780  }
0x17: {  	[sflag:s11] =	ssyncset.done $0x0  }
0x18: {  	[sflag:s11] =	ssyncadd.s32 $0xFFFFD880  }
.LBB2_1:
0x19: {  	[spmem:s10], [sflag:s6] =	dma.local [hbm:s5], $0x2780  }
0x1a: {  	_ =	swait.ge [sflag:s11], $0x2780  }
0x1b: {  	[sflag:s11] =	ssyncset.done $0x0  }
0x1c: {  	[sflag:s11] =	ssyncadd.s32 $0xFFFFD880  }
0x1d: {  	[tilespmem:s3], [sflag:$0x3] =	stream.linear.gather [hbm4b:s7+s3], $0x2800, $0x38;
	[tilespmem:$0x1E600] =	vst v63  }
0x1e: {  	_ =	swait.ge [sflag:s11], $0x2800  }
0x1f: {  	[sflag:s11] =	ssyncset.done $0x0  }
0x20: {  	[sflag:s11] =	ssyncadd.s32 $0xFFFFD800  }
0x21: {  	[bflag:$0x0] =	sbarrier.arrive $0xFFFF  }
0x22: {  	v1 =	vld [tilespmem:$0x0]  }
0x23: {  	v3 =	vld [tilespmem:$0x10]  }
0x24: {  	v4 =	vld [tilespmem:$0x20]  }
0x25: {  	v7 =	vld [tilespmem:$0x30]  }
0x26: {  	v10 =	vld [tilespmem:$0x40]  }
0x27: {  	v12 =	vld [tilespmem:$0x50]  }
0x28: {  	v13 =	vld [tilespmem:$0x60]  }
0x29: {  	v54 =	vld [tilespmem:$0x70];
	v2 =	vshra.s32 v1, $0x1F  }
0x2a: {  	vm0 =	vlt.s32 v1, $0x1;
	v6 =	vshra.s32 v3, $0x1F;
	v8 =	vshra.s32 v4, $0x1F  }
0x2b: {  	vm14 =	vlt.s32 v3, $0x1;
	vm4 =	vlt.s32 v4, $0x1;
	v11 =	vshra.s32 v7, $0x1F  }
0x2c: {  	vm6 =	vlt.s32 v7, $0x1;
	v50 =	vshra.s32 v10, $0x1F;
	v53 =	vshra.s32 v12, $0x1F  }
0x2d: {  	vm8 =	vlt.s32 v10, $0x1;
	vm10 =	vlt.s32 v12, $0x1;
	v59 =	vshra.s32 v13, $0x1F  }
0x2e: {  	v61 =	vshra.s32 v54, $0x1F;
	vm12 =	vlt.s32 v13, $0x1;
	v2 =	vshrl.u32 v2, $0x12  }
0x2f: {  	v6 =	vshrl.u32 v6, $0x12;
	v8 =	vshrl.u32 v8, $0x12;
	v47 =	vshrl.u32 v11, $0x12  }
0x30: {  	v11 =	vshrl.u32 v50, $0x12;
	v2 =	vadd.s32 v2, v1;
	v6 =	vadd.s32 v6, v3  }
0x31: {  	v8 =	vadd.s32 v8, v4;
	v11 =	vadd.s32 v11, v10;
	v2 =	vshra.s32 v2, $0xE  }
0x32: {  	v45 =	vand.u32 $0xFFFFC000, v6;
	v6 =	vshra.s32 v6, $0xE;
	v9 =	vand.u32 $0xFFFFC000, v8  }
0x33: {  	v8 =	vshra.s32 v8, $0xE;
	v52 =	vand.u32 $0xFFFFC000, v11;
	v5 =	vshll.u32 v2, $0xE  }
0x34: {  	vm15 =	vne.s32 v3, v45;
	v3 =	vsub.s32 v3, v45;
	vm5 =	vne.s32 v4, v9  }
0x35: {  	v4 =	vsub.s32 v4, v9;
	vm9 =	vne.s32 v10, v52;
	vm1 =	vne.s32 v1, v5  }
0x36: {  	v55 =	vsub.s32 v10, v52;
	v1 =	vsub.s32 v1, v5;
	vm0 =	vmand vm0, vm1  }
0x37: {  	[tilespmem:$0x2810] =	vst v3;
	v3 =	vshra.s32 v11, $0xE;
	v44 =	vsel vm0, $0xFFFFFFFF, v0;
	vm0 =	vmand vm14, vm15  }
0x38: {  	v2 =	vadd.s32 v44, v2;
	v46 =	vsel vm0, $0xFFFFFFFF, v0;
	vm0 =	vmand vm4, vm5  }
0x39: {  	v5 =	vadd.s32 v46, v6;
	v48 =	vsel vm0, $0xFFFFFFFF, v0;
	v6 =	vadd.s32 v47, v7  }
0x3a: {  	[tilespmem:$0x2900] =	vst v2;
	v2 =	vshrl.u32 v53, $0x12;
	v8 =	vadd.s32 v48, v8;
	v49 =	vand.u32 $0xFFFFC000, v6  }
0x3b: {  	[tilespmem:$0x2820] =	vst v4;
	v6 =	vshra.s32 v6, $0xE;
	v2 =	vadd.s32 v2, v12;
	vm7 =	vne.s32 v7, v49  }
0x3c: {  	[tilespmem:$0x2840] =	vst v55;
	v7 =	vsub.s32 v7, v49;
	v57 =	vand.u32 $0xFFFFC000, v2;
	vm0 =	vmand vm6, vm7  }
0x3d: {  	[tilespmem:$0x2800] =	vst v1;
	vm11 =	vne.s32 v12, v57;
	v51 =	vsel vm0, $0xFFFFFFFF, v0;
	vm0 =	vmand vm8, vm9  }
0x3e: {  	[tilespmem:$0x2910] =	vst v5;
	v2 =	vshra.s32 v2, $0xE;
	v56 =	vsel vm0, $0xFFFFFFFF, v0;
	vm0 =	vmand vm10, vm11  }
0x3f: {  	[tilespmem:$0x2920] =	vst v8;
	v1 =	vadd.s32 v51, v6;
	v6 =	vshrl.u32 v59, $0x12;
	v60 =	vsel vm0, $0xFFFFFFFF, v0  }
0x40: {  	v3 =	vadd.s32 v56, v3;
	[tilespmem:$0x2930] =	vst v1;
	v1 =	vadd.s32 v60, v2;
	v2 =	vadd.s32 v6, v13  }
0x41: {  	[tilespmem:$0x2830] =	vst v7;
	v6 =	vshrl.u32 v61, $0x12;
	v62 =	vshra.s32 v2, $0xE;
	v2 =	vand.u32 $0xFFFFC000, v2  }
0x42: {  	v58 =	vsub.s32 v12, v57;
	[tilespmem:$0x2940] =	vst v3;
	v3 =	vadd.s32 v6, v54;
	vm13 =	vne.s32 v13, v2  }
0x43: {  	vm14 =	vlt.s32 v54, $0x1;
	[tilespmem:$0x2850] =	vst v58;
	v63 =	vand.u32 $0xFFFFC000, v3;
	vm0 =	vmand vm12, vm13  }
0x44: {  	[tilespmem:$0x2950] =	vst v1;
	v2 =	vsub.s32 v13, v2;
	vm15 =	vne.s32 v54, v63;
	v1 =	vsel vm0, $0xFFFFFFFF, v0  }
.Ltmp2:
0x45: {  	[tilespmem:$0x2860] =	vst v2;
	vm0 =	vmand vm14, vm15;
	v1 =	vadd.s32 v1, v62;
	(pc) =	sbr.rel .LBB2_2-.Ltmp2, $4  }
0x46: {  	v2 =	vsub.s32 v54, v63;
	[tilespmem:$0x2960] =	vst v1;
	v1 =	vshra.s32 v3, $0xE;
	v3 =	vsel vm0, $0xFFFFFFFF, v0  }
0x47: {  	[tilespmem:$0x2870] =	vst v2;
	v1 =	vadd.s32 v3, v1  }
0x48: {  	s20 =	simm.s32 $0x0;
	[tilespmem:$0x2970] =	vst v1  }
0x49: {  	[tilespmem:s14], [sflag:$0x1] =	stream.indirect.gather [hbm4b:s4+s12], $0x80, s13, s12, $0xb8;
	[tilespmem:$0x1E600] =	vst v63  }
.LBB2_4:
0x4a: {  	p0 =	slt.u32 s18, $0x50  }
.Ltmp3:
0x4b: {  	_ =	swait.ge [sflag:s15], $0x4000;
	(pc) =	sbr.rel @!p0 .LBB2_5-.Ltmp3, $4  }
0x4c: {  	s20 =	sshll.u32 s19, $0xE;
	s31 =	sshll.u32 s19, $0x7;
	[sflag:s15] =	ssyncset.done $0x0  }
0x4d: {  	s20 =	sor.u32 $0x2A00, s20;
	s19 =	sor.u32 $0x2900, s31;
	[sflag:s15] =	ssyncadd.s32 $0xFFFFC000  }
0x4e: {  	[spmem:s2] =	stream.indirect.scatter.add.f32 [tilespmem:s20], [sflag:$0x2], $0x80, s19, s12, $0xb8;
	[tilespmem:$0x1E600] =	vst v63  }
0x4f: {  	s20 =	smov.u32 s18  }
.LBB2_2:
0x50: {  	p0 =	seq.s32 s20, $0x0  }
0x51: {  	p1 =	seq.s32 @!p0 s20, $0x4F  }
0x52: {  	p1 =	por p0, !p1  }
.Ltmp4:
0x53: {  	_ = 	snop;
	(pc) =	sbr.rel @!p1 .LBB2_4-.Ltmp4, $4  }
0x54: {  	s18 =	simm.s32 @!p0 $0x2  }
0x55: {  	_ =	swait.ge @!p0 [sflag:s18], $0x4000  }
0x56: {  	[sflag:s18] =	ssyncset.done @!p0 $0x0  }
0x57: {  	s19 =	sand.u32 $0x1, s20;
	[sflag:s18] =	ssyncadd.s32 @!p0 $0xFFFFC000;
	s18 =	simm.s32 @!p0 $0x50  }
0x58: {  	s18 =	sadd.s32 @!p0 $0x1, s20  }
0x59: {  	s18 =	simm.s32 @p0 $0x1  }
0x5a: {  	s29 =	sshll.u32 s18, $0x7  }
0x5b: {  	s22 =	sand.u32 $0x3FFFFF80, s29  }
0x5c: {  	v1 =	vld [tilespmem:s22+$0x0];
	_ =	sdelay $0x4  }
0x5d: {  	v2 =	vshra.s32 v1, $0x1F  }
0x5e: {  	v2 =	vshrl.u32 v2, $0x12  }
0x5f: {  	v2 =	vadd.s32 v2, v1  }
0x60: {  	v2 =	vshra.s32 v2, $0xE  }
0x61: {  	v3 =	vshll.u32 v2, $0xE  }
0x62: {  	vm0 =	vlt.s32 v1, $0x1;
	vm1 =	vne.s32 v1, v3  }
0x63: {  	s30 =	sxor.u32 $0x1, s19;
	vm0 =	vmand vm0, vm1  }
0x64: {  	s21 =	sshll.u32 s30, $0x7;
	v1 =	vsub.s32 v1, v3;
	v3 =	vsel vm0, $0xFFFFFFFF, v0  }
0x65: {  	[tilespmem:s21+$0x2800] =	vst v1;
	v1 =	vadd.s32 v3, v2  }
0x66: {  	[tilespmem:s21+$0x2900] =	vst v1  }
0x67: {  	v1 =	vld [tilespmem:s22+$0x10];
	_ =	sdelay $0x4  }
0x68: {  	v2 =	vshra.s32 v1, $0x1F  }
0x69: {  	v2 =	vshrl.u32 v2, $0x12  }
0x6a: {  	v2 =	vadd.s32 v2, v1  }
0x6b: {  	v3 =	vand.u32 $0xFFFFC000, v2  }
0x6c: {  	vm14 =	vlt.s32 v1, $0x1;
	vm15 =	vne.s32 v1, v3  }
0x6d: {  	vm0 =	vmand vm14, vm15  }
0x6e: {  	v2 =	vshra.s32 v2, $0xE;
	v1 =	vsub.s32 v1, v3;
	v3 =	vsel vm0, $0xFFFFFFFF, v0  }
0x6f: {  	[tilespmem:s21+$0x2810] =	vst v1;
	v1 =	vadd.s32 v3, v2  }
0x70: {  	[tilespmem:s21+$0x2910] =	vst v1  }
0x71: {  	v1 =	vld [tilespmem:s22+$0x20];
	_ =	sdelay $0x4  }
0x72: {  	v2 =	vshra.s32 v1, $0x1F  }
0x73: {  	v2 =	vshrl.u32 v2, $0x12  }
0x74: {  	v2 =	vadd.s32 v2, v1  }
0x75: {  	v3 =	vand.u32 $0xFFFFC000, v2  }
0x76: {  	vm4 =	vlt.s32 v1, $0x1;
	vm5 =	vne.s32 v1, v3  }
0x77: {  	vm0 =	vmand vm4, vm5  }
0x78: {  	v2 =	vshra.s32 v2, $0xE;
	v1 =	vsub.s32 v1, v3;
	v3 =	vsel vm0, $0xFFFFFFFF, v0  }
0x79: {  	[tilespmem:s21+$0x2820] =	vst v1;
	v1 =	vadd.s32 v3, v2  }
0x7a: {  	[tilespmem:s21+$0x2920] =	vst v1  }
0x7b: {  	v1 =	vld [tilespmem:s22+$0x30];
	_ =	sdelay $0x4  }
0x7c: {  	v2 =	vshra.s32 v1, $0x1F  }
0x7d: {  	v2 =	vshrl.u32 v2, $0x12  }
0x7e: {  	v2 =	vadd.s32 v2, v1  }
0x7f: {  	v3 =	vand.u32 $0xFFFFC000, v2  }
0x80: {  	vm6 =	vlt.s32 v1, $0x1;
	vm7 =	vne.s32 v1, v3  }
0x81: {  	vm0 =	vmand vm6, vm7  }
0x82: {  	v2 =	vshra.s32 v2, $0xE;
	v1 =	vsub.s32 v1, v3;
	v3 =	vsel vm0, $0xFFFFFFFF, v0  }
0x83: {  	[tilespmem:s21+$0x2830] =	vst v1;
	v1 =	vadd.s32 v3, v2  }
0x84: {  	[tilespmem:s21+$0x2930] =	vst v1  }
0x85: {  	v1 =	vld [tilespmem:s22+$0x40];
	_ =	sdelay $0x4  }
0x86: {  	v2 =	vshra.s32 v1, $0x1F  }
0x87: {  	v2 =	vshrl.u32 v2, $0x12  }
0x88: {  	v2 =	vadd.s32 v2, v1  }
0x89: {  	v3 =	vand.u32 $0xFFFFC000, v2  }
0x8a: {  	vm8 =	vlt.s32 v1, $0x1;
	vm9 =	vne.s32 v1, v3  }
0x8b: {  	vm0 =	vmand vm8, vm9  }
0x8c: {  	v2 =	vshra.s32 v2, $0xE;
	v1 =	vsub.s32 v1, v3;
	v3 =	vsel vm0, $0xFFFFFFFF, v0  }
0x8d: {  	[tilespmem:s21+$0x2840] =	vst v1;
	v1 =	vadd.s32 v3, v2  }
0x8e: {  	[tilespmem:s21+$0x2940] =	vst v1  }
0x8f: {  	v1 =	vld [tilespmem:s22+$0x50];
	_ =	sdelay $0x4  }
0x90: {  	v2 =	vshra.s32 v1, $0x1F  }
0x91: {  	v2 =	vshrl.u32 v2, $0x12  }
0x92: {  	v2 =	vadd.s32 v2, v1  }
0x93: {  	v3 =	vand.u32 $0xFFFFC000, v2  }
0x94: {  	vm10 =	vlt.s32 v1, $0x1;
	vm11 =	vne.s32 v1, v3  }
0x95: {  	vm0 =	vmand vm10, vm11  }
0x96: {  	v2 =	vshra.s32 v2, $0xE;
	v1 =	vsub.s32 v1, v3;
	v3 =	vsel vm0, $0xFFFFFFFF, v0  }
0x97: {  	[tilespmem:s21+$0x2850] =	vst v1;
	v1 =	vadd.s32 v3, v2  }
0x98: {  	[tilespmem:s21+$0x2950] =	vst v1  }
0x99: {  	v1 =	vld [tilespmem:s22+$0x60];
	_ =	sdelay $0x4  }
0x9a: {  	v2 =	vshra.s32 v1, $0x1F  }
0x9b: {  	v2 =	vshrl.u32 v2, $0x12  }
0x9c: {  	v2 =	vadd.s32 v2, v1  }
0x9d: {  	v3 =	vand.u32 $0xFFFFC000, v2  }
0x9e: {  	vm12 =	vlt.s32 v1, $0x1;
	vm13 =	vne.s32 v1, v3  }
0x9f: {  	vm0 =	vmand vm12, vm13  }
0xa0: {  	v2 =	vshra.s32 v2, $0xE;
	v1 =	vsub.s32 v1, v3;
	v3 =	vsel vm0, $0xFFFFFFFF, v0  }
0xa1: {  	[tilespmem:s21+$0x2860] =	vst v1;
	v1 =	vadd.s32 v3, v2  }
0xa2: {  	[tilespmem:s21+$0x2960] =	vst v1  }
0xa3: {  	v1 =	vld [tilespmem:s22+$0x70];
	_ =	sdelay $0x4  }
0xa4: {  	v2 =	vshra.s32 v1, $0x1F  }
0xa5: {  	v2 =	vshrl.u32 v2, $0x12  }
0xa6: {  	v2 =	vadd.s32 v2, v1  }
0xa7: {  	v3 =	vand.u32 $0xFFFFC000, v2  }
0xa8: {  	vm14 =	vlt.s32 v1, $0x1;
	vm15 =	vne.s32 v1, v3  }
.Ltmp5:
0xa9: {  	vm0 =	vmand vm14, vm15;
	(pc) =	sbr.rel .LBB2_4-.Ltmp5, $4  }
0xaa: {  	v2 =	vshra.s32 v2, $0xE;
	v1 =	vsub.s32 v1, v3;
	v3 =	vsel vm0, $0xFFFFFFFF, v0  }
0xab: {  	s20 =	sshll.u32 s30, $0xE;
	[tilespmem:s21+$0x2870] =	vst v1;
	v1 =	vadd.s32 v3, v2  }
0xac: {  	s31 =	sor.u32 $0x2800, s21;
	s20 =	sor.u32 $0x2A00, s20;
	[tilespmem:s21+$0x2970] =	vst v1  }
0xad: {  	[tilespmem:s20], [sflag:$0x1] =	stream.indirect.gather [hbm4b:s4+s12], $0x80, s31, s12, $0xb8;
	[tilespmem:$0x1E600] =	vst v63  }
.LBB2_6:
0xae: {  	_ =	sfence.sel $0x180000  }
0xaf: {  	[bflag:$0x0] =	sbarrier.arrive $0xFFFF  }
0xb0: {  	p0 =	sne.s32 s1, $0x0;
	_ =	strace $0x9000004D  }
0xb1: {  	s0 =	sadd.s32 @!p0 $0x100000, s0;
	[bflag:$0x2] =	sbarrier.arrive $0xFFFF  }
0xb2: {  	[sflag:s0] =	ssyncadd.tile.s32 @!p0 $0x1;
	_ =	shalt  }
.Lfunc_end2:
_tile_overlayer_lowered:
.L_overlay_start_2:
0xb3: {  	(tag) =	ssettag $0x2  }
0xb4: {  	s0 =	rddreg [dreg:$0x0];
	s2 =	stileid.u32  }
0xb5: {  	s1 =	rddreg [dreg:$0x1];
	p0 =	sne.s32 s2, $0x0  }
0xb6: {  	s3 =	rddreg [dreg:$0x2];
	[bflag:$0x3] =	sbarrier.arrive $0xFFFF;
	s2 =	simm.s32 @!p0 $0x1C03  }
0xb7: {  	[timem:s3], [sflag:s2] =	dma.local @!p0 [hbm:s0], s1  }
0xb8: {  	s0 =	simm.s32 @!p0 $0x3  }
0xb9: {  	_ =	swait.ge @!p0 [sflag:s0], s1  }
0xba: {  	s1 =	ssub.s32 @!p0 $0x0, s1;
	[sflag:s0] =	ssyncset.done @!p0 $0x0  }
0xbb: {  	[sflag:s0] =	ssyncadd.s32 @!p0 s1  }
0xbc: {  	[bflag:$0x3] =	sbarrier.arrive $0xFFFF  }
0xbd: {  	_ =	shalt  }

// kernel: kernel.8.cloned.1.call-start
scs
__scs_entry_jumppad:
0x0: {  	(pc) =	sbr.rel $0x88, $3  }
0x1: {  	(tag) =	ssettag $0x0;
	lr =	simm.s32 $0x1  }
0x2: {  	[smem:$0x3F9B] =	sst lr;
	_ =	strace $0xD0000000  }
0x3: {  	_ = 	snop  }
0x4: {  	_ = 	snop  }
0x5: {  	_ = 	snop  }
0x6: {  	_ = 	snop  }
0x7: {  	_ = 	snop  }
__scs_overlays_trampoline_lowered:
0x8: {  	[smem:$0x3FAA] =	sst s0  }
0x9: {  	[smem:$0x3FAB] =	sst s1  }
0xa: {  	[smem:$0x3FAC] =	sst s2  }
0xb: {  	[smem:$0x3FAD] =	sst s3  }
0xc: {  	[smem:$0x3FAE] =	sst s4  }
0xd: {  	[smem:$0x3FAF] =	sst s5  }
0xe: {  	[smem:$0x3FB0] =	sst s6  }
0xf: {  	[smem:$0x3FB1] =	sst s7  }
0x10: {  	[smem:$0x3FB2] =	sst s8  }
0x11: {  	[smem:$0x3FB3] =	sst s9;
	s0 =	simm.s32 @!p0 $0x0  }
0x12: {  	s1 =	sld [smem:$0x3F99];
	s0 =	simm.s32 @p0 $0x1  }
0x13: {  	[smem:$0x3FB4] =	sst s0;
	s0 =	simm.s32 @!p1 $0x0  }
0x14: {  	s2 =	sld [smem:$0x3F98];
	s0 =	simm.s32 @p1 $0x1  }
0x15: {  	[smem:$0x3FB5] =	sst s0;
	s0 =	simm.s32 @!p2 $0x0  }
0x16: {  	s3 =	sld [smem:$0x3FDB];
	s0 =	simm.s32 @p2 $0x1  }
0x17: {  	s4 =	simm.s32 $0x1BF5;
	[smem:$0x3FB7] =	sst s0  }
0x18: {  	s0 =	sld [smem:$0x3F9A];
	_ =	swait.ge [sflag:s4], $0x0  }
0x19: {  	s7 =	sld [smem:$0x3F9B]  }
0x1a: {  	s8 =	sadd.s32 $0xFFFFE003, lr  }
0x1b: {  	s9 =	sadd.s32 $0xFFFFFEF7, lr;
	s5 =	simm.s32 $0xFFFFFFFF;
	p2 =	slt.u32 s8, $0xFFFFF086  }
0x1c: {  	p1 =	slt.u32 s9, $0xF7A;
	s5 =	simm.s32 @!p2 $0x0  }
0x1d: {  	s5 =	simm.s32 @p1 $0x1;
	p0 =	seq.s32 s7, s2  }
0x1e: {  	s7 =	smul.u32 @!p0 $0xF7A, s2;
	p2 =	seq.s32 @!p0 s5, $0x0  }
0x1f: {  	s9 =	smul.u32 $0xF7A, s1;
	s8 =	simm.s32 @!p0 $0x1BF5;
	p2 =	por !p2, p0  }
0x20: {  	[sflag:s8] =	ssyncset.s32 @!p0 $0xFFFFF086;
	s6 =	sadd.s32 @!p0 s3, s7;
	s7 =	simm.s32 @!p0 $0x108  }
0x21: {  	s3 =	sadd.s32 s3, s9;
	s6 =	sadd.s32 @!p0 $0x88, s6;
	s7 =	simm.s32 @p2 $0x1082  }
0x22: {  	[simem:s7], [sflag:s8] =	dma.local @!p0 [hbm:s6], $0xF7A  }
0x23: {  	s9 =	sor.u32 $0xD0000000, s2;
	s6 =	simm.s32 $0x108;
	_ =	swait.ge @!p0 [sflag:s8], $0x0  }
0x24: {  	s3 =	sadd.s32 $0x88, s3;
	s6 =	simm.s32 @!p1 $0x1082;
	[sflag:s4] =	ssyncset.s32 $0xFFFFF086  }
0x25: {  	[simem:s6], [sflag:s4] =	dma.local [hbm:s3], $0xF7A  }
0x26: {  	[smem:$0x3F9B] =	sst s1;
	(tag) =	ssettag s2;
	_ =	strace s9  }
0x27: {  	s1 =	sld [smem:$0x3FAB]  }
0x28: {  	s2 =	sld [smem:$0x3FAC]  }
0x29: {  	s4 =	sld [smem:$0x3FAE]  }
0x2a: {  	p0 =	seq.s32 s5, $0x0;
	s5 =	sld [smem:$0x3FAF]  }
0x2b: {  	s6 =	sld [smem:$0x3FB0]  }
0x2c: {  	s7 =	sld [smem:$0x3FB1]  }
0x2d: {  	s3 =	simm.s32 $0x108;
	s8 =	sld [smem:$0x3FB2]  }
0x2e: {  	s3 =	simm.s32 @!p0 $0x1082;
	s9 =	sld [smem:$0x3FB3]  }
0x2f: {  	lr =	sadd.s32 s0, s3;
	s0 =	sld [smem:$0x3FAA]  }
0x30: {  	s3 =	sld [smem:$0x3FAD]  }
0x31: {  	[smem:$0x3FB6] =	sst s10  }
0x32: {  	s10 =	sld [smem:$0x3FB4];
	_ =	sdelay $0x3  }
0x33: {  	p0 =	seq.s32 s10, $0x1;
	s10 =	sld [smem:$0x3FB6];
	_ =	sdelay $0x3  }
0x34: {  	[smem:$0x3FB6] =	sst s10  }
0x35: {  	s10 =	sld [smem:$0x3FB5];
	_ =	sdelay $0x3  }
0x36: {  	p1 =	seq.s32 s10, $0x1;
	s10 =	sld [smem:$0x3FB6];
	_ =	sdelay $0x3  }
0x37: {  	[smem:$0x3FB6] =	sst s10  }
0x38: {  	s10 =	sld [smem:$0x3FB7]  }
0x39: {  	_ = 	snop;
	(pc) =	sbr.ind lr, $3  }
0x3a: {  	_ = 	snop  }
0x3b: {  	_ = 	snop  }
0x3c: {  	p2 =	seq.s32 s10, $0x1;
	s10 =	sld [smem:$0x3FB6]  }
0x3d: {  	_ =	shalt  }
0x3e: {  	_ =	shalt  }
0x3f: {  	_ =	shalt  }
0x40: {  	_ =	shalt  }
0x41: {  	_ =	shalt  }
0x42: {  	_ =	shalt  }
0x43: {  	_ =	shalt  }
0x44: {  	_ =	shalt  }
0x45: {  	_ =	shalt  }
0x46: {  	_ =	shalt  }
0x47: {  	_ =	shalt  }
0x48: {  	_ =	shalt  }
0x49: {  	_ =	shalt  }
0x4a: {  	_ =	shalt  }
0x4b: {  	_ =	shalt  }
0x4c: {  	_ =	shalt  }
0x4d: {  	_ =	shalt  }
0x4e: {  	_ =	shalt  }
0x4f: {  	_ =	shalt  }
0x50: {  	_ =	shalt  }
0x51: {  	_ =	shalt  }
0x52: {  	_ =	shalt  }
0x53: {  	_ =	shalt  }
0x54: {  	_ =	shalt  }
0x55: {  	_ =	shalt  }
0x56: {  	_ =	shalt  }
0x57: {  	_ =	shalt  }
0x58: {  	_ =	shalt  }
0x59: {  	_ =	shalt  }
0x5a: {  	_ =	shalt  }
0x5b: {  	_ =	shalt  }
0x5c: {  	_ =	shalt  }
0x5d: {  	_ =	shalt  }
0x5e: {  	_ =	shalt  }
0x5f: {  	_ =	shalt  }
0x60: {  	_ =	shalt  }
0x61: {  	_ =	shalt  }
0x62: {  	_ =	shalt  }
0x63: {  	_ =	shalt  }
0x64: {  	_ =	shalt  }
0x65: {  	_ =	shalt  }
0x66: {  	_ =	shalt  }
0x67: {  	_ =	shalt  }
0x68: {  	_ =	shalt  }
0x69: {  	_ =	shalt  }
0x6a: {  	_ =	shalt  }
0x6b: {  	_ =	shalt  }
0x6c: {  	_ =	shalt  }
0x6d: {  	_ =	shalt  }
0x6e: {  	_ =	shalt  }
0x6f: {  	_ =	shalt  }
0x70: {  	_ =	shalt  }
0x71: {  	_ =	shalt  }
0x72: {  	_ =	shalt  }
0x73: {  	_ =	shalt  }
0x74: {  	_ =	shalt  }
0x75: {  	_ =	shalt  }
0x76: {  	_ =	shalt  }
0x77: {  	_ =	shalt  }
0x78: {  	_ =	shalt  }
0x79: {  	_ =	shalt  }
0x7a: {  	_ =	shalt  }
0x7b: {  	_ =	shalt  }
0x7c: {  	_ =	shalt  }
0x7d: {  	_ =	shalt  }
0x7e: {  	_ =	shalt  }
0x7f: {  	_ =	shalt  }
0x80: {  	_ =	shalt  }
0x81: {  	_ =	shalt  }
0x82: {  	_ =	shalt  }
0x83: {  	_ =	shalt  }
0x84: {  	_ =	shalt  }
0x85: {  	_ =	shalt  }
0x86: {  	_ =	shalt  }
0x87: {  	_ =	shalt  }
.Lfunc_end0:
.L_simem_size_0:
called_computation_lowered:
.L_overlay_start_0:
0x88: {  	s2 =	sld [smem:$0x3FD9]  }
0x89: {  	s3 =	sld [smem:$0x3FFE];
	_ =	sdelay $0x1  }
0x8a: {  	s1 =	srdreg.scid  }
0x8b: {  	s0 =	sand.u32 $0x1, s1  }
0x8c: {  	s14 =	sshll.u32 s0, $0xA;
	s2 =	sadd.s32 s3, s2  }
0x8d: {  	s2 =	sadd.s32 s2, s14  }
0x8e: {  	[smem:$0x3FC2] =	sst s2  }
0x8f: {  	_ = 	snop  }
0x90: {  	s2 =	sld [smem:$0x3FD0];
	_ =	sdelay $0x2  }
0x91: {  	s15 =	simm.s32 $0xA;
	s4 =	simm.s32 $0x10  }
0x92: {  	[smem:s4], [sflag:s15] =	dma.local [hbm:s2], $0x1  }
0x93: {  	_ =	swait.eq [sflag:s15], $0x1  }
0x94: {  	[sflag:s15] =	ssyncset.done $0x0  }
0x95: {  	[sflag:s15] =	ssyncadd.s32 $0xFFFFFFFF  }
0x96: {  	s16 =	sld [smem:$0x10];
	(tm) =	ssettm $0x1  }
0x97: {  	s17 =	sld [smem:$0x3FFB];
	_ =	sdelay $0x3  }
0x98: {  	_ =	strace s17  }
0x99: {  	s3 =	sld [smem:$0x3FFC];
	_ =	sdelay $0x3  }
0x9a: {  	_ =	strace s3  }
0x9b: {  	s3 =	sld [smem:$0x3FFD];
	_ =	sdelay $0x3  }
0x9c: {  	_ =	strace s3  }
0x9d: {  	_ =	strace $0x8FFFFFFF  }
0x9e: {  	s18 =	sld [smem:$0x3FDB];
	_ =	sdelay $0x1  }
0x9f: {  	s19 =	simm.s32 $_scs_section_size  }
0xa0: {  	s5 =	simm.s32 $_size__tile_overlayer_lowered;
	s6 =	simm.s32 $_tile_overlayer_lowered  }
0xa1: {  	s22 =	simm.s32 $0x1BFF;
	s21 =	sshll.u32 s6, $0x1;
	s3 =	sadd.s32 s19, s18  }
0xa2: {  	s7 =	simm.s32 $0x0;
	s20 =	sshll.u32 s5, $0x1;
	s5 =	sadd.s32 s21, s3  }
0xa3: {  	[timem:s7], [sflag:s22] =	dma.local [hbm:s5], s20  }
0xa4: {  	_ =	swait.ge [sflag:s22], s20  }
0xa5: {  	s4 =	ssub.s32 $0x0, s20;
	[sflag:s22] =	ssyncset.done $0x0  }
0xa6: {  	[sflag:s22] =	ssyncadd.s32 s4;
	_ =	sdelay $0x1  }
0xa7: {  	s23 =	simm.s32 $0x1B8B  }
0xa8: {  	_ =	swait.ge [sflag:s23], $0x1  }
0xa9: {  	[sflag:s23] =	ssyncset.done $0x0  }
0xaa: {  	s25 =	simm.s32 $0x1B8E;
	s24 =	sld [smem:$0x3FFE];
	[sflag:s23] =	ssyncadd.s32 $0xFFFFFFFF  }
0xab: {  	s26 =	simm.s32 $execute0_lowered;
	[smem:$0x3FD2] =	sst s25  }
0xac: {  	s5 =	sshll.u32 s26, $0x1;
	_ =	strace $0x80000046;
	[dreg:$0x1] =	wrdreg $0xFFFFFFFF  }
0xad: {  	s28 =	simm.s32 $_size_execute0_lowered;
	s3 =	sadd.s32 s3, s5;
	[dreg:$0x0] =	wrdreg $0x0  }
0xae: {  	s5 =	sshll.u32 s28, $0x1;
	[dreg:$0x2] =	wrdreg s3  }
0xaf: {  	[dreg:$0x3] =	wrdreg s5  }
0xb0: {  	[dreg:$0x4] =	wrdreg $0xC0  }
0xb1: {  	_ =	task [dreg:s7], $0x5FFFF  }
0xb2: {  	[dreg:$0x1] =	wrdreg $0xFFFFFFFF  }
0xb3: {  	[dreg:$0x0] =	wrdreg $0x60  }
0xb4: {  	[dreg:$0x2] =	wrdreg s16  }
0xb5: {  	[dreg:$0x3] =	wrdreg s24  }
0xb6: {  	[dreg:$0x4] =	wrdreg $0x9  }
0xb7: {  	_ =	task.clear_ibuf [dreg:s7], $0x5FFFF;
	_ =	strace $0x90000046  }
0xb8: {  	s29 =	simm.s32 $0x9;
	_ =	strace $0x80000048  }
0xb9: {  	_ =	swait.ge [sflag:s29], $0x1  }
0xba: {  	[sflag:s29] =	ssyncadd.s32 $0xFFFFFFFF  }
0xbb: {  	_ =	strace $0x90000048  }
0xbc: {  	_ =	sfence  }
0xbd: {  	s30 =	sld [smem:$0x0];
	_ =	sdelay $0x2  }
0xbe: {  	s31 =	sshll.u32 s1, $0xD;
	s1 =	sshrl.u32 s1, $0x2  }
0xbf: {  	s3 =	sand.u32 $0x4000, s31;
	s1 =	sadd.s32 s1, s30  }
0xc0: {  	s0 =	sor.u32 s3, s0;
	s1 =	sshll.u32 s1, $0x11  }
0xc1: {  	s0 =	sor.u32 s1, s0  }
0xc2: {  	s0 =	sadd.s32 $0x8F2B, s0  }
0xc3: {  	[sflag:s0] =	ssyncadd.remote.s32 $0x1  }
0xc4: {  	_ =	sfence.sel $0xFFFF  }
0xc5: {  	[dreg:$0x0] =	wrdreg $0xFFFFFFFF;
	(pc) =	sbr.abs _section_cstart, $3  }
0xc6: {  	[dreg:$0x1] =	wrdreg $0xFFFFFFFF  }
0xc7: {  	_ =	task.clear_ibuf [dreg:s7], $0x2FFFF;
	_ =	strace $0x9FFFFFFF  }
0xc8: {  	(tm) =	ssettm $0x7FFFFFFF  }
0xc9: {  	_ =	shalt  }
tec
execute0_lowered:
.L_overlay_start_1:
0x0: {  	(tag) =	ssettag $0x1  }
0x1: {  	s0 =	srdreg.scid  }
0x2: {  	s4 =	rddreg [dreg:$0x0];
	s3 =	sand.u32 $0x1, s0  }
0x3: {  	s5 =	rddreg [dreg:$0x1];
	s1 =	stileid.u32;
	s6 =	sshll.u32 s3, $0x4  }
0x4: {  	s2 =	simm.s32 $0x0;
	s0 =	rddreg [dreg:$0x2];
	s6 =	sor.u32 s1, s6  }
0x5: {  	[smem:$0x7FF] =	sst s2;
	s8 =	ssub.s32 $0x2, s3;
	s7 =	smul.u32 $0x4F0, s6  }
0x6: {  	_ =	strace $0x80000047;
	s9 =	sshrl.u32 s8, $0x1;
	s6 =	smul.u32 $0x500, s6  }
0x7: {  	s3 =	sadd.s32 $0x2600, s5;
	s31 =	ssub.s32 s8, s9;
	s8 =	simm.s32 $0x1  }
0x8: {  	s9 =	simm.s32 $0x0;
	s5 =	sadd.s32 s7, s5;
	s4 =	sadd.s32 s4, s6  }
0x9: {  	v0 =	vimm.s32 $0x0;
	v1 =	vimm.f32 $1.000000000e+00;
	s6 =	smax.u32 s31, $0x1;
	s7 =	simm.s32 $0x2800;
	s5 =	sadd.s32 $0x2C00, s5  }
.LBB2_1:
0xa: {  	[tilespmem:s7], [sflag:$0x1] =	stream.linear.gather [hbm4b:s3+s2], $0x2780, $0x38;
	[tilespmem:$0x4F80] =	vst v63  }
0xb: {  	_ =	swait.ge [sflag:s8], $0x2780  }
0xc: {  	[sflag:s8] =	ssyncset.done $0x0  }
0xd: {  	[sflag:s8] =	ssyncadd.s32 $0xFFFFD880  }
0xe: {  	[tilespmem:s2], [sflag:$0x1] =	stream.linear.gather [hbm4b:s4+s2], $0x2800, $0x38;
	[tilespmem:$0x4F80] =	vst v63  }
0xf: {  	s10 =	sand.u32 $0xFE00, s2;
	_ =	swait.ge [sflag:s8], $0x2800  }
0x10: {  	s11 =	sand.u32 $0x70, s2;
	s10 =	sshrl.u32 s10, $0x2;
	[sflag:s8] =	ssyncset.done $0x0  }
0x11: {  	s10 =	sor.u32 s11, s10;
	[sflag:s8] =	ssyncadd.s32 $0xFFFFD800  }
0x12: {  	v2 =	vld [tilespmem:s10+$0x0];
	_ =	sdelay $0x4  }
0x13: {  	v3 =	vshra.s32 v2, $0x1F;
	v4 =	vand.u32 $0x3FFF, v2  }
0x14: {  	vm0 =	vlt.s32 v2, $0x1;
	v3 =	vshrl.u32 v3, $0x12;
	vm1 =	vne.s32 v4, $0x0  }
0x15: {  	v2 =	vadd.s32 v3, v2;
	vm0 =	vmand vm0, vm1  }
0x16: {  	v2 =	vshra.s32 v2, $0xE;
	v3 =	vsel vm0, $0xFFFFFFFF, v0  }
0x17: {  	v2 =	vadd.s32 v3, v2;
	_ =	sdelay $0x1  }
0x18: {  	s31 =	simm.s32 $0x40  }
0x19: {  	s12 =	sand.u32 $0xFE00, s31;
	s11 =	simm.s32 $0x80;
	s10 =	simm.s32 $0x10  }
.LBB2_2:
0x1a: {  	p0 =	sne.s32 s11, $0x9FC0;
	s13 =	sand.u32 $0x70, s10;
	s12 =	sshrl.u32 s12, $0x2  }
0x1b: {  	s12 =	sor.u32 s13, s12;
	[tilespmem:v2+s7+$0x0] =	vst.idx.add.f32.msk $0xffff, v1  }
0x1c: {  	v2 =	vld [tilespmem:s12+$0x0];
	_ =	sdelay $0x4  }
0x1d: {  	v3 =	vshra.s32 v2, $0x1F;
	v4 =	vand.u32 $0x3FFF, v2  }
0x1e: {  	vm0 =	vlt.s32 v2, $0x1;
	v3 =	vshrl.u32 v3, $0x12;
	vm1 =	vne.s32 v4, $0x0  }
0x1f: {  	v2 =	vadd.s32 v3, v2;
	vm0 =	vmand vm0, vm1  }
.Ltmp0:
0x20: {  	v2 =	vshra.s32 v2, $0xE;
	v3 =	vsel vm0, $0xFFFFFFFF, v0;
	(pc) =	sbr.rel @p0 .LBB2_2-.Ltmp0, $2  }
0x21: {  	v2 =	vadd.s32 v3, v2;
	_ =	sdelay $0x2  }
0x22: {  	s10 =	sadd.s32 $0x10, s10;
	s12 =	sand.u32 $0xFE00, s11;
	s11 =	sadd.s32 $0x40, s11  }
0x23: {  	_ =	sdelay $0x2  }
0x24: {  	s10 =	sand.u32 $0x70, s10;
	s11 =	sshrl.u32 s12, $0x2  }
0x25: {  	[tilespmem:v2+s7+$0x0] =	vst.idx.add.f32.msk $0xffff, v1;
	s10 =	sor.u32 s10, s11  }
0x26: {  	v2 =	vld [tilespmem:s10+$0x0];
	_ =	sdelay $0x4  }
0x27: {  	v3 =	vshra.s32 v2, $0x1F;
	v4 =	vand.u32 $0x3FFF, v2  }
0x28: {  	vm0 =	vlt.s32 v2, $0x1;
	v3 =	vshrl.u32 v3, $0x12;
	vm1 =	vne.s32 v4, $0x0  }
0x29: {  	v2 =	vadd.s32 v3, v2;
	vm0 =	vmand vm0, vm1  }
0x2a: {  	v2 =	vshra.s32 v2, $0xE;
	v3 =	vsel vm0, $0xFFFFFFFF, v0  }
0x2b: {  	v2 =	vadd.s32 v3, v2;
	_ =	sdelay $0x2  }
0x2c: {  	s9 =	sadd.s32 $0x1, s9  }
0x2d: {  	p0 =	sne.s32 s9, s6  }
.Ltmp1:
0x2e: {  	[tilespmem:v2+s7+$0x0] =	vst.idx.add.f32.msk $0xffff, v1;
	(pc) =	sbr.rel @p0 .LBB2_1-.Ltmp1, $4  }
0x2f: {  	[hbm4b:s5+s2] =	stream.linear.scatter [tilespmem:s7], [sflag:$0x1], $0x2780, $0x38;
	[tilespmem:$0x4F80] =	vst v63  }
0x30: {  	_ =	swait.ge [sflag:s8], $0x2780  }
0x31: {  	[sflag:s8] =	ssyncset.done $0x0  }
0x32: {  	[sflag:s8] =	ssyncadd.s32 $0xFFFFD880  }
0x33: {  	_ =	sfence.sel $0x180000  }
0x34: {  	[bflag:$0x0] =	sbarrier.arrive $0xFFFF  }
0x35: {  	p0 =	sne.s32 s1, $0x0;
	_ =	strace $0x90000047  }
0x36: {  	s0 =	sadd.s32 @!p0 $0x100000, s0;
	[bflag:$0x2] =	sbarrier.arrive $0xFFFF  }
0x37: {  	[sflag:s0] =	ssyncadd.tile.s32 @!p0 $0x1;
	_ =	shalt  }
.Lfunc_end2:
_tile_overlayer_lowered:
.L_overlay_start_2:
0x38: {  	(tag) =	ssettag $0x2  }
0x39: {  	s0 =	rddreg [dreg:$0x0];
	s2 =	stileid.u32  }
0x3a: {  	s1 =	rddreg [dreg:$0x1];
	p0 =	sne.s32 s2, $0x0  }
0x3b: {  	s3 =	rddreg [dreg:$0x2];
	[bflag:$0x3] =	sbarrier.arrive $0xFFFF;
	s2 =	simm.s32 @!p0 $0x1C01  }
0x3c: {  	[timem:s3], [sflag:s2] =	dma.local @!p0 [hbm:s0], s1  }
0x3d: {  	s0 =	simm.s32 @!p0 $0x1  }
0x3e: {  	_ =	swait.ge @!p0 [sflag:s0], s1  }
0x3f: {  	s1 =	ssub.s32 @!p0 $0x0, s1;
	[sflag:s0] =	ssyncset.done @!p0 $0x0  }
0x40: {  	[sflag:s0] =	ssyncadd.s32 @!p0 s1  }
0x41: {  	[bflag:$0x3] =	sbarrier.arrive $0xFFFF  }
0x42: {  	_ =	shalt  }

</sc_bundles>
